<compile_context>
chip_gen: v7x
topology: tpu7x:2x2x1
jax: 0.10.2.dev20260603
libtpu: 0.0.44.dev20260713+nightly
codegen_flags: <defaults>
</compile_context>

<pallas_src>
import functools

import jax
import jax.numpy as jnp
from jax import lax
from jax.experimental import pallas as pl
from jax.experimental.pallas import tpu as pltpu
from jax.experimental.pallas import tpu_sc as plsc

NC = 2
NS = 16
L = 16
FPAD = 16
BM = 256
B_TC = 7168


@functools.lru_cache(maxsize=None)
def _make_sc_kernel(B, F, V, D):
    NW = NC * NS
    BPW = B // NW
    IDX = BPW * F
    CROWS = 16
    CIDX = CROWS * F
    NCHUNK = BPW // CROWS
    assert B % NW == 0 and BPW % CROWS == 0 and D % L == 0
    assert 128 < CIDX <= 2 * 128
    assert NCHUNK % 2 == 0

    mesh = plsc.VectorSubcoreMesh(core_axis_name="c", subcore_axis_name="s")

    @functools.partial(
        pl.kernel,
        out_type=jax.ShapeDtypeStruct((B, D), jnp.float32),
        mesh=mesh,
        scratch_types=[
            pltpu.VMEM((IDX,), jnp.int32),
            pltpu.VMEM((2, CIDX, D), jnp.float32),
            pltpu.VMEM((BPW, D), jnp.float32),
            pltpu.SemaphoreType.DMA,
            pltpu.SemaphoreType.DMA,
        ],
    )
    def k(table_hbm, xflat_hbm, out_hbm, idx_v, buf_v, acc_v, sem0, sem1):
        sems = (sem0, sem1)
        wid = lax.axis_index("s") * NC + lax.axis_index("c")
        base = wid * IDX

        pltpu.sync_copy(xflat_hbm.at[pl.ds(base, IDX)], idx_v)

        lanes = lax.iota(jnp.int32, L)
        nphase = 80 // L
        offs = [((lanes + p * L) % F) * V for p in range(nphase)]

        @pl.loop(0, IDX // (nphase * L))
        def _(g):
            o = g * (nphase * L)
            for p in range(nphase):
                s = pl.ds(o + p * L, L)
                idx_v[s] = idx_v[s] + offs[p]

        def fire(c, slot):
            i0 = c * CIDX
            pltpu.async_copy(
                table_hbm.at[idx_v.at[pl.ds(i0, 128)]],
                buf_v.at[slot, pl.ds(0, 128)], sems[slot])
            pltpu.async_copy(
                table_hbm.at[idx_v.at[pl.ds(i0 + 128, CIDX - 128)]],
                buf_v.at[slot, pl.ds(128, CIDX - 128)], sems[slot])

        def drain(slot):
            pltpu.make_async_copy(
                table_hbm.at[pl.ds(0, CIDX)], buf_v.at[slot],
                sems[slot]).wait()

        fire(0, 0)
        fire(1, 1)

        @pl.loop(0, NCHUNK, step=2)
        def _(c):
            for slot in range(2):
                cc = c + slot
                drain(slot)

                @plsc.parallel_loop(0, CROWS, unroll=2)
                def _(r):
                    row = cc * CROWS + r
                    g0 = F * r
                    for j in range(D // L):
                        sl = pl.ds(j * L, L)
                        v = [buf_v[slot, g0 + f, sl] for f in range(F)]
                        while len(v) > 1:
                            v = [v[i] + v[i + 1] for i in range(0, len(v) - 1, 2)] + (
                                [v[-1]] if len(v) % 2 else [])
                        acc_v[row, sl] = v[0]

                fire(lax.rem(cc + 2, NCHUNK), slot)

        drain(0)
        drain(1)
        pltpu.sync_copy(acc_v, out_hbm.at[pl.ds(wid * BPW, BPW)])

    return k


@functools.lru_cache(maxsize=None)
def _make_tc_kernel(B, F, VP, D):
    def body(xt_ref, th_ref, o_ref):
        xblk = xt_ref[...]
        col = lax.broadcasted_iota(jnp.int32, (BM, VP), 1)
        acc = jnp.zeros((BM, D), jnp.float32)
        for f in range(F):
            onehot = jnp.where(col == xblk[f, :][:, None],
                               jnp.float32(1), jnp.float32(0)).astype(jnp.bfloat16)
            acc = acc + jnp.dot(onehot, th_ref[f],
                                preferred_element_type=jnp.float32)
        o_ref[...] = acc

    return pl.pallas_call(
        body,
        grid=(B // BM,),
        in_specs=[
            pl.BlockSpec((FPAD, BM), lambda i: (0, i)),
            pl.BlockSpec((F, VP, D), lambda i: (0, 0, 0)),
        ],
        out_specs=pl.BlockSpec((BM, D), lambda i: (i, 0)),
        out_shape=jax.ShapeDtypeStruct((B, D), jnp.float32),
        compiler_params=pltpu.CompilerParams(
            dimension_semantics=("arbitrary",)),
    )


def kernel(x, emb):
    B, F = x.shape
    _, V, D = emb.shape
    x = x.astype(jnp.int32)
    b_tc = B_TC
    parts = []

    if b_tc > 0:
        VP = 512
        hi = jnp.pad(emb.astype(jnp.bfloat16), [(0, 0), (0, VP - V), (0, 0)])
        xt = jnp.pad(x[:b_tc].T, [(0, FPAD - F), (0, 0)], constant_values=VP)
        parts.append(_make_tc_kernel(b_tc, F, VP, D)(xt, hi))

    if b_tc < B:
        table = emb.reshape(F * V, D)
        xflat = x[b_tc:].reshape((B - b_tc) * F)
        parts.append(_make_sc_kernel(B - b_tc, F, V, D)(table, xflat))

    return parts[0] if len(parts) == 1 else jnp.concatenate(parts, axis=0)

# --- scband reference (transcript-rebuilt; emitter-appended) ---
"""Pipeline reference for scband-discrete-encoder-34737695490528 (READ-ONLY COPY).

The authoritative reference and input builder live on the scoring server;
editing this copy changes nothing except your own understanding.
"""

import jax, jax.numpy as jnp
import numpy as np

BATCH = 16384
NUM_FEATURES = 10
NUM_VALUES = 500
HIDDEN = 128


def setup_inputs(seed: int = 0) -> dict:
    key = jax.random.key(seed)
    k1, k2 = jax.random.split(key)
    x = jax.random.randint(k1, (BATCH, NUM_FEATURES), 0, NUM_VALUES).astype(jnp.int64)
    # Stacked embedding tables: one [NUM_VALUES, HIDDEN] table per feature,
    # matching nn.Embedding default init (standard normal).
    emb = jax.random.normal(k2, (NUM_FEATURES, NUM_VALUES, HIDDEN), dtype=jnp.float32)
    return {"x": x, "emb": emb}


def reference(x, emb):
    # Faithful translation of DiscreteEncoder.forward:
    # out = sum_i embeddings[i](x[:, i])
    if x.ndim == 1:
        x = x[:, None]
    out = 0
    for i in range(x.shape[1]):
        out = out + jnp.take(emb[i], x[:, i], axis=0)
    return out

if __name__ == "__main__":
    import jax
    _d = setup_inputs()
    print(jax.jit(kernel)(*tuple(_d.values())))

</pallas_src>

<mosaic_0001>
#map = affine_map<(d0, d1) -> (0, 0)>
#map1 = affine_map<(d0, d1) -> (0)>
module attributes {stable_mosaic.version = 14 : i64} {
  func.func @k(%arg0: i32, %arg1: i32, %arg2: memref<5000x128xf32, #tpu.memory_space<hbm>>, %arg3: memref<92160xi32, #tpu.memory_space<hbm>>, %arg4: memref<9216x128xf32, #tpu.memory_space<hbm>>, %arg5: memref<2880xi32, #tpu.memory_space<vmem>>, %arg6: memref<2x160x128xf32, #tpu.memory_space<vmem>>, %arg7: memref<288x128xf32, #tpu.memory_space<vmem>>, %arg8: memref<!tpu.dma_semaphore, #tpu.memory_space<semaphore_mem>>, %arg9: memref<!tpu.dma_semaphore, #tpu.memory_space<semaphore_mem>>) attributes {dimension_semantics = [#tpu.dimension_semantics<core_parallel>, #tpu.dimension_semantics<subcore_parallel>], iteration_bounds = array<i64: 2, 16>, scalar_prefetch = 0 : i64, scratch_operands = 5 : i64, tpu.core_type = #tpu.core_type<sc_vector_subcore>, window_params = [{transform_indices = #map}, {transform_indices = #map1}, {transform_indices = #map}]} {
    %mul3A = arith.constant 2 : i32
    %mul3A_0 = arith.muli %arg1, %mul3A : i32
    %add3A = arith.addi %mul3A_0, %arg0 : i32
    %mul3A_1 = arith.constant 2880 : i32
    %mul3A_2 = arith.muli %add3A, %mul3A_1 : i32
    "tpu.region"() ({
      %run_scoped3A = tpu.sem_alloc : memref<!tpu.dma_semaphore, #tpu.memory_space<semaphore_mem>>
      %dma_start3A_215 = tpu.memref_slice %arg3[%mul3A_2] : memref<92160xi32, #tpu.memory_space<hbm>> -> memref<2880xi32, #tpu.memory_space<hbm>>
      %dma_start3A_216 = tpu.memref_slice %arg3[%mul3A_2] : memref<92160xi32, #tpu.memory_space<hbm>> -> memref<2880xi32, #tpu.memory_space<hbm>>
      tpu.enqueue_dma source(%dma_start3A_216 : memref<2880xi32, #tpu.memory_space<hbm>>) target(%arg5 : memref<2880xi32, #tpu.memory_space<vmem>>) target_semaphore(%run_scoped3A : memref<!tpu.dma_semaphore, #tpu.memory_space<semaphore_mem>>)
      %dma_wait3A_217 = tpu.memref_slice %arg3[%mul3A_2] : memref<92160xi32, #tpu.memory_space<hbm>> -> memref<2880xi32, #tpu.memory_space<hbm>>
      %dma_wait3A_218 = tpu.memref_slice %arg3[%mul3A_2] : memref<92160xi32, #tpu.memory_space<hbm>> -> memref<2880xi32, #tpu.memory_space<hbm>>
      tpu.wait_dma2 semaphore(%run_scoped3A : memref<!tpu.dma_semaphore, #tpu.memory_space<semaphore_mem>>) src(%dma_wait3A_218 : memref<2880xi32, #tpu.memory_space<hbm>>) dst(%arg5 : memref<2880xi32, #tpu.memory_space<vmem>>)
      tpu.yield
    }) : () -> ()
    %iota3A = tpu.iota {dimensions = array<i32: 0>} : vector<16xi32>
    %add3A_3 = arith.constant 0 : i32
    %add3A_4 = vector.broadcast %add3A_3 : i32 to vector<16xi32>
    %add3A_5 = arith.addi %iota3A, %add3A_4 : vector<16xi32>
    %jit3A = arith.constant 10 : i32
    %eq3A = arith.constant 0 : i32
    %eq3A_6 = arith.cmpi eq, %jit3A, %eq3A : i32
    %jit3A_7 = arith.constant 1 : i32
    %select_n3A = arith.select %eq3A_6, %jit3A_7, %jit3A : i32
    %rem3A = vector.broadcast %select_n3A : i32 to vector<16xi32>
    %rem3A_8 = arith.remsi %add3A_5, %rem3A : vector<16xi32>
    %ne3A = arith.constant 0 : i32
    %ne3A_9 = vector.broadcast %ne3A : i32 to vector<16xi32>
    %ne3A_10 = arith.cmpi ne, %rem3A_8, %ne3A_9 : vector<16xi32>
    %lt3A = arith.constant 0 : i32
    %lt3A_11 = vector.broadcast %lt3A : i32 to vector<16xi32>
    %lt3A_12 = arith.cmpi slt, %rem3A_8, %lt3A_11 : vector<16xi32>
    %lt3A_13 = arith.constant 0 : i32
    %lt3A_14 = arith.cmpi slt, %select_n3A, %lt3A_13 : i32
    %ne3A_15 = vector.broadcast %lt3A_14 : i1 to vector<16xi1>
    %ne3A_16 = vector.broadcast %ne3A_15 : vector<16xi1> to vector<16xi1>
    %ne3A_17 = arith.xori %lt3A_12, %ne3A_16 : vector<16xi1>
    %and3A = arith.andi %ne3A_17, %ne3A_10 : vector<16xi1>
    %add3A_18 = vector.broadcast %select_n3A : i32 to vector<16xi32>
    %add3A_19 = arith.addi %rem3A_8, %add3A_18 : vector<16xi32>
    %select_n3A_20 = arith.select %and3A, %add3A_19, %rem3A_8 : vector<16xi1>, vector<16xi32>
    %mul3A_21 = arith.constant 500 : i32
    %mul3A_22 = vector.broadcast %mul3A_21 : i32 to vector<16xi32>
    %mul3A_23 = arith.muli %select_n3A_20, %mul3A_22 : vector<16xi32>
    %add3A_24 = arith.constant 16 : i32
    %add3A_25 = vector.broadcast %add3A_24 : i32 to vector<16xi32>
    %add3A_26 = arith.addi %iota3A, %add3A_25 : vector<16xi32>
    %jit3A_27 = arith.constant 10 : i32
    %eq3A_28 = arith.constant 0 : i32
    %eq3A_29 = arith.cmpi eq, %jit3A_27, %eq3A_28 : i32
    %jit3A_30 = arith.constant 1 : i32
    %select_n3A_31 = arith.select %eq3A_29, %jit3A_30, %jit3A_27 : i32
    %rem3A_32 = vector.broadcast %select_n3A_31 : i32 to vector<16xi32>
    %rem3A_33 = arith.remsi %add3A_26, %rem3A_32 : vector<16xi32>
    %ne3A_34 = arith.constant 0 : i32
    %ne3A_35 = vector.broadcast %ne3A_34 : i32 to vector<16xi32>
    %ne3A_36 = arith.cmpi ne, %rem3A_33, %ne3A_35 : vector<16xi32>
    %lt3A_37 = arith.constant 0 : i32
    %lt3A_38 = vector.broadcast %lt3A_37 : i32 to vector<16xi32>
    %lt3A_39 = arith.cmpi slt, %rem3A_33, %lt3A_38 : vector<16xi32>
    %lt3A_40 = arith.constant 0 : i32
    %lt3A_41 = arith.cmpi slt, %select_n3A_31, %lt3A_40 : i32
    %ne3A_42 = vector.broadcast %lt3A_41 : i1 to vector<16xi1>
    %ne3A_43 = vector.broadcast %ne3A_42 : vector<16xi1> to vector<16xi1>
    %ne3A_44 = arith.xori %lt3A_39, %ne3A_43 : vector<16xi1>
    %and3A_45 = arith.andi %ne3A_44, %ne3A_36 : vector<16xi1>
    %add3A_46 = vector.broadcast %select_n3A_31 : i32 to vector<16xi32>
    %add3A_47 = arith.addi %rem3A_33, %add3A_46 : vector<16xi32>
    %select_n3A_48 = arith.select %and3A_45, %add3A_47, %rem3A_33 : vector<16xi1>, vector<16xi32>
    %mul3A_49 = arith.constant 500 : i32
    %mul3A_50 = vector.broadcast %mul3A_49 : i32 to vector<16xi32>
    %mul3A_51 = arith.muli %select_n3A_48, %mul3A_50 : vector<16xi32>
    %add3A_52 = arith.constant 32 : i32
    %add3A_53 = vector.broadcast %add3A_52 : i32 to vector<16xi32>
    %add3A_54 = arith.addi %iota3A, %add3A_53 : vector<16xi32>
    %jit3A_55 = arith.constant 10 : i32
    %eq3A_56 = arith.constant 0 : i32
    %eq3A_57 = arith.cmpi eq, %jit3A_55, %eq3A_56 : i32
    %jit3A_58 = arith.constant 1 : i32
    %select_n3A_59 = arith.select %eq3A_57, %jit3A_58, %jit3A_55 : i32
    %rem3A_60 = vector.broadcast %select_n3A_59 : i32 to vector<16xi32>
    %rem3A_61 = arith.remsi %add3A_54, %rem3A_60 : vector<16xi32>
    %ne3A_62 = arith.constant 0 : i32
    %ne3A_63 = vector.broadcast %ne3A_62 : i32 to vector<16xi32>
    %ne3A_64 = arith.cmpi ne, %rem3A_61, %ne3A_63 : vector<16xi32>
    %lt3A_65 = arith.constant 0 : i32
    %lt3A_66 = vector.broadcast %lt3A_65 : i32 to vector<16xi32>
    %lt3A_67 = arith.cmpi slt, %rem3A_61, %lt3A_66 : vector<16xi32>
    %lt3A_68 = arith.constant 0 : i32
    %lt3A_69 = arith.cmpi slt, %select_n3A_59, %lt3A_68 : i32
    %ne3A_70 = vector.broadcast %lt3A_69 : i1 to vector<16xi1>
    %ne3A_71 = vector.broadcast %ne3A_70 : vector<16xi1> to vector<16xi1>
    %ne3A_72 = arith.xori %lt3A_67, %ne3A_71 : vector<16xi1>
    %and3A_73 = arith.andi %ne3A_72, %ne3A_64 : vector<16xi1>
    %add3A_74 = vector.broadcast %select_n3A_59 : i32 to vector<16xi32>
    %add3A_75 = arith.addi %rem3A_61, %add3A_74 : vector<16xi32>
    %select_n3A_76 = arith.select %and3A_73, %add3A_75, %rem3A_61 : vector<16xi1>, vector<16xi32>
    %mul3A_77 = arith.constant 500 : i32
    %mul3A_78 = vector.broadcast %mul3A_77 : i32 to vector<16xi32>
    %mul3A_79 = arith.muli %select_n3A_76, %mul3A_78 : vector<16xi32>
    %add3A_80 = arith.constant 48 : i32
    %add3A_81 = vector.broadcast %add3A_80 : i32 to vector<16xi32>
    %add3A_82 = arith.addi %iota3A, %add3A_81 : vector<16xi32>
    %jit3A_83 = arith.constant 10 : i32
    %eq3A_84 = arith.constant 0 : i32
    %eq3A_85 = arith.cmpi eq, %jit3A_83, %eq3A_84 : i32
    %jit3A_86 = arith.constant 1 : i32
    %select_n3A_87 = arith.select %eq3A_85, %jit3A_86, %jit3A_83 : i32
    %rem3A_88 = vector.broadcast %select_n3A_87 : i32 to vector<16xi32>
    %rem3A_89 = arith.remsi %add3A_82, %rem3A_88 : vector<16xi32>
    %ne3A_90 = arith.constant 0 : i32
    %ne3A_91 = vector.broadcast %ne3A_90 : i32 to vector<16xi32>
    %ne3A_92 = arith.cmpi ne, %rem3A_89, %ne3A_91 : vector<16xi32>
    %lt3A_93 = arith.constant 0 : i32
    %lt3A_94 = vector.broadcast %lt3A_93 : i32 to vector<16xi32>
    %lt3A_95 = arith.cmpi slt, %rem3A_89, %lt3A_94 : vector<16xi32>
    %lt3A_96 = arith.constant 0 : i32
    %lt3A_97 = arith.cmpi slt, %select_n3A_87, %lt3A_96 : i32
    %ne3A_98 = vector.broadcast %lt3A_97 : i1 to vector<16xi1>
    %ne3A_99 = vector.broadcast %ne3A_98 : vector<16xi1> to vector<16xi1>
    %ne3A_100 = arith.xori %lt3A_95, %ne3A_99 : vector<16xi1>
    %and3A_101 = arith.andi %ne3A_100, %ne3A_92 : vector<16xi1>
    %add3A_102 = vector.broadcast %select_n3A_87 : i32 to vector<16xi32>
    %add3A_103 = arith.addi %rem3A_89, %add3A_102 : vector<16xi32>
    %select_n3A_104 = arith.select %and3A_101, %add3A_103, %rem3A_89 : vector<16xi1>, vector<16xi32>
    %mul3A_105 = arith.constant 500 : i32
    %mul3A_106 = vector.broadcast %mul3A_105 : i32 to vector<16xi32>
    %mul3A_107 = arith.muli %select_n3A_104, %mul3A_106 : vector<16xi32>
    %add3A_108 = arith.constant 64 : i32
    %add3A_109 = vector.broadcast %add3A_108 : i32 to vector<16xi32>
    %add3A_110 = arith.addi %iota3A, %add3A_109 : vector<16xi32>
    %jit3A_111 = arith.constant 10 : i32
    %eq3A_112 = arith.constant 0 : i32
    %eq3A_113 = arith.cmpi eq, %jit3A_111, %eq3A_112 : i32
    %jit3A_114 = arith.constant 1 : i32
    %select_n3A_115 = arith.select %eq3A_113, %jit3A_114, %jit3A_111 : i32
    %rem3A_116 = vector.broadcast %select_n3A_115 : i32 to vector<16xi32>
    %rem3A_117 = arith.remsi %add3A_110, %rem3A_116 : vector<16xi32>
    %ne3A_118 = arith.constant 0 : i32
    %ne3A_119 = vector.broadcast %ne3A_118 : i32 to vector<16xi32>
    %ne3A_120 = arith.cmpi ne, %rem3A_117, %ne3A_119 : vector<16xi32>
    %lt3A_121 = arith.constant 0 : i32
    %lt3A_122 = vector.broadcast %lt3A_121 : i32 to vector<16xi32>
    %lt3A_123 = arith.cmpi slt, %rem3A_117, %lt3A_122 : vector<16xi32>
    %lt3A_124 = arith.constant 0 : i32
    %lt3A_125 = arith.cmpi slt, %select_n3A_115, %lt3A_124 : i32
    %ne3A_126 = vector.broadcast %lt3A_125 : i1 to vector<16xi1>
    %ne3A_127 = vector.broadcast %ne3A_126 : vector<16xi1> to vector<16xi1>
    %ne3A_128 = arith.xori %lt3A_123, %ne3A_127 : vector<16xi1>
    %and3A_129 = arith.andi %ne3A_128, %ne3A_120 : vector<16xi1>
    %add3A_130 = vector.broadcast %select_n3A_115 : i32 to vector<16xi32>
    %add3A_131 = arith.addi %rem3A_117, %add3A_130 : vector<16xi32>
    %select_n3A_132 = arith.select %and3A_129, %add3A_131, %rem3A_117 : vector<16xi1>, vector<16xi32>
    %mul3A_133 = arith.constant 500 : i32
    %mul3A_134 = vector.broadcast %mul3A_133 : i32 to vector<16xi32>
    %mul3A_135 = arith.muli %select_n3A_132, %mul3A_134 : vector<16xi32>
    %scan3A = arith.constant 0 : i32
    %scan3A_136 = arith.constant 36 : i32
    %scan3A_137 = arith.addi %scan3A, %scan3A_136 : i32
    %scan3A_138 = arith.constant 1 : i32
    scf.for %scan3A_215 = %scan3A to %scan3A_137 step %scan3A_138  : i32 {
      %mul3A_216 = arith.constant 1 : i32
      %mul3A_217 = arith.muli %scan3A_215, %mul3A_216 : i32
      %add3A_218 = arith.constant 0 : i32
      %add3A_219 = arith.addi %add3A_218, %mul3A_217 : i32
      %mul3A_220 = arith.constant 80 : i32
      %mul3A_221 = arith.muli %add3A_219, %mul3A_220 : i32
      %add3A_222 = arith.constant 0 : i32
      %add3A_223 = arith.addi %mul3A_221, %add3A_222 : i32
      %get3A = arith.index_cast %add3A_223 : i32 to index
      %get3A_224 = tpu.vector_load %arg5[%get3A] {strides = array<i32>} : memref<2880xi32, #tpu.memory_space<vmem>>, vector<16xi32>,
      %get3A_225 = vector.shape_cast %get3A_224 : vector<16xi32> to vector<16xi32>
      %add3A_226 = arith.addi %get3A_225, %mul3A_23 : vector<16xi32>
      %swap3A = arith.index_cast %add3A_223 : i32 to index
      %swap3A_227 = tpu.vector_load %arg5[%swap3A] {strides = array<i32>} : memref<2880xi32, #tpu.memory_space<vmem>>, vector<16xi32>,
      %swap3A_228 = vector.shape_cast %swap3A_227 : vector<16xi32> to vector<16xi32>
      %swap3A_229 = vector.shape_cast %add3A_226 : vector<16xi32> to vector<16xi32>
      tpu.vector_store %arg5[%swap3A], %swap3A_229 {strides = array<i32>} : memref<2880xi32, #tpu.memory_space<vmem>>, vector<16xi32>,
      %add3A_230 = arith.constant 16 : i32
      %add3A_231 = arith.addi %mul3A_221, %add3A_230 : i32
      %get3A_232 = arith.index_cast %add3A_231 : i32 to index
      %get3A_233 = tpu.vector_load %arg5[%get3A_232] {strides = array<i32>} : memref<2880xi32, #tpu.memory_space<vmem>>, vector<16xi32>,
      %get3A_234 = vector.shape_cast %get3A_233 : vector<16xi32> to vector<16xi32>
      %add3A_235 = arith.addi %get3A_234, %mul3A_51 : vector<16xi32>
      %swap3A_236 = arith.index_cast %add3A_231 : i32 to index
      %swap3A_237 = tpu.vector_load %arg5[%swap3A_236] {strides = array<i32>} : memref<2880xi32, #tpu.memory_space<vmem>>, vector<16xi32>,
      %swap3A_238 = vector.shape_cast %swap3A_237 : vector<16xi32> to vector<16xi32>
      %swap3A_239 = vector.shape_cast %add3A_235 : vector<16xi32> to vector<16xi32>
      tpu.vector_store %arg5[%swap3A_236], %swap3A_239 {strides = array<i32>} : memref<2880xi32, #tpu.memory_space<vmem>>, vector<16xi32>,
      %add3A_240 = arith.constant 32 : i32
      %add3A_241 = arith.addi %mul3A_221, %add3A_240 : i32
      %get3A_242 = arith.index_cast %add3A_241 : i32 to index
      %get3A_243 = tpu.vector_load %arg5[%get3A_242] {strides = array<i32>} : memref<2880xi32, #tpu.memory_space<vmem>>, vector<16xi32>,
      %get3A_244 = vector.shape_cast %get3A_243 : vector<16xi32> to vector<16xi32>
      %add3A_245 = arith.addi %get3A_244, %mul3A_79 : vector<16xi32>
      %swap3A_246 = arith.index_cast %add3A_241 : i32 to index
      %swap3A_247 = tpu.vector_load %arg5[%swap3A_246] {strides = array<i32>} : memref<2880xi32, #tpu.memory_space<vmem>>, vector<16xi32>,
      %swap3A_248 = vector.shape_cast %swap3A_247 : vector<16xi32> to vector<16xi32>
      %swap3A_249 = vector.shape_cast %add3A_245 : vector<16xi32> to vector<16xi32>
      tpu.vector_store %arg5[%swap3A_246], %swap3A_249 {strides = array<i32>} : memref<2880xi32, #tpu.memory_space<vmem>>, vector<16xi32>,
      %add3A_250 = arith.constant 48 : i32
      %add3A_251 = arith.addi %mul3A_221, %add3A_250 : i32
      %get3A_252 = arith.index_cast %add3A_251 : i32 to index
      %get3A_253 = tpu.vector_load %arg5[%get3A_252] {strides = array<i32>} : memref<2880xi32, #tpu.memory_space<vmem>>, vector<16xi32>,
      %get3A_254 = vector.shape_cast %get3A_253 : vector<16xi32> to vector<16xi32>
      %add3A_255 = arith.addi %get3A_254, %mul3A_107 : vector<16xi32>
      %swap3A_256 = arith.index_cast %add3A_251 : i32 to index
      %swap3A_257 = tpu.vector_load %arg5[%swap3A_256] {strides = array<i32>} : memref<2880xi32, #tpu.memory_space<vmem>>, vector<16xi32>,
      %swap3A_258 = vector.shape_cast %swap3A_257 : vector<16xi32> to vector<16xi32>
      %swap3A_259 = vector.shape_cast %add3A_255 : vector<16xi32> to vector<16xi32>
      tpu.vector_store %arg5[%swap3A_256], %swap3A_259 {strides = array<i32>} : memref<2880xi32, #tpu.memory_space<vmem>>, vector<16xi32>,
      %add3A_260 = arith.constant 64 : i32
      %add3A_261 = arith.addi %mul3A_221, %add3A_260 : i32
      %get3A_262 = arith.index_cast %add3A_261 : i32 to index
      %get3A_263 = tpu.vector_load %arg5[%get3A_262] {strides = array<i32>} : memref<2880xi32, #tpu.memory_space<vmem>>, vector<16xi32>,
      %get3A_264 = vector.shape_cast %get3A_263 : vector<16xi32> to vector<16xi32>
      %add3A_265 = arith.addi %get3A_264, %mul3A_135 : vector<16xi32>
      %swap3A_266 = arith.index_cast %add3A_261 : i32 to index
      %swap3A_267 = tpu.vector_load %arg5[%swap3A_266] {strides = array<i32>} : memref<2880xi32, #tpu.memory_space<vmem>>, vector<16xi32>,
      %swap3A_268 = vector.shape_cast %swap3A_267 : vector<16xi32> to vector<16xi32>
      %swap3A_269 = vector.shape_cast %add3A_265 : vector<16xi32> to vector<16xi32>
      tpu.vector_store %arg5[%swap3A_266], %swap3A_269 {strides = array<i32>} : memref<2880xi32, #tpu.memory_space<vmem>>, vector<16xi32>,
    }
    %scan3A_139 = arith.constant 36 : i32
    %dma_start3A = arith.constant 0 : i32
    %dma_start3A_140 = arith.constant 0 : i32
    %dma_start3A_141 = arith.constant 0 : i32
    %dma_start3A_142 = tpu.memref_slice %arg6[%dma_start3A, %dma_start3A_140, %dma_start3A_141] : memref<2x160x128xf32, #tpu.memory_space<vmem>> -> memref<1x128x128xf32, #tpu.memory_space<vmem>>
    %dma_start3A_143 = tpu.memref_squeeze %dma_start3A_142 : memref<1x128x128xf32, #tpu.memory_space<vmem>> -> memref<128x128xf32, #tpu.memory_space<vmem>>
    %dma_start3A_144 = arith.constant 0 : i32
    %dma_start3A_145 = tpu.memref_slice %arg5[%dma_start3A_144] : memref<2880xi32, #tpu.memory_space<vmem>> -> memref<128xi32, #tpu.memory_space<vmem>>
    %dma_start3A_146 = arith.constant 0 : i32
    %dma_start3A_147 = arith.constant 0 : i32
    %dma_start3A_148 = tpu.memref_slice %arg2[%dma_start3A_146, %dma_start3A_147] : memref<5000x128xf32, #tpu.memory_space<hbm>> -> memref<5000x128xf32, #tpu.memory_space<hbm>>
    tpu.enqueue_indirect_dma source(%dma_start3A_148 : memref<5000x128xf32, #tpu.memory_space<hbm>>) target(%dma_start3A_143 : memref<128x128xf32, #tpu.memory_space<vmem>>) offsets(%dma_start3A_145 : memref<128xi32, #tpu.memory_space<vmem>>) semaphore(%arg8 : memref<!tpu.dma_semaphore, #tpu.memory_space<semaphore_mem>>)
    %dma_start3A_149 = arith.constant 0 : i32
    %dma_start3A_150 = arith.constant 128 : i32
    %dma_start3A_151 = arith.constant 0 : i32
    %dma_start3A_152 = tpu.memref_slice %arg6[%dma_start3A_149, %dma_start3A_150, %dma_start3A_151] : memref<2x160x128xf32, #tpu.memory_space<vmem>> -> memref<1x32x128xf32, #tpu.memory_space<vmem>>
    %dma_start3A_153 = tpu.memref_squeeze %dma_start3A_152 : memref<1x32x128xf32, #tpu.memory_space<vmem>> -> memref<32x128xf32, #tpu.memory_space<vmem>>
    %dma_start3A_154 = arith.constant 128 : i32
    %dma_start3A_155 = tpu.memref_slice %arg5[%dma_start3A_154] : memref<2880xi32, #tpu.memory_space<vmem>> -> memref<32xi32, #tpu.memory_space<vmem>>
    %dma_start3A_156 = arith.constant 0 : i32
    %dma_start3A_157 = arith.constant 0 : i32
    %dma_start3A_158 = tpu.memref_slice %arg2[%dma_start3A_156, %dma_start3A_157] : memref<5000x128xf32, #tpu.memory_space<hbm>> -> memref<5000x128xf32, #tpu.memory_space<hbm>>
    tpu.enqueue_indirect_dma source(%dma_start3A_158 : memref<5000x128xf32, #tpu.memory_space<hbm>>) target(%dma_start3A_153 : memref<32x128xf32, #tpu.memory_space<vmem>>) offsets(%dma_start3A_155 : memref<32xi32, #tpu.memory_space<vmem>>) semaphore(%arg8 : memref<!tpu.dma_semaphore, #tpu.memory_space<semaphore_mem>>)
    %dma_start3A_159 = arith.constant 1 : i32
    %dma_start3A_160 = arith.constant 0 : i32
    %dma_start3A_161 = arith.constant 0 : i32
    %dma_start3A_162 = tpu.memref_slice %arg6[%dma_start3A_159, %dma_start3A_160, %dma_start3A_161] : memref<2x160x128xf32, #tpu.memory_space<vmem>> -> memref<1x128x128xf32, #tpu.memory_space<vmem>>
    %dma_start3A_163 = tpu.memref_squeeze %dma_start3A_162 : memref<1x128x128xf32, #tpu.memory_space<vmem>> -> memref<128x128xf32, #tpu.memory_space<vmem>>
    %dma_start3A_164 = arith.constant 160 : i32
    %dma_start3A_165 = tpu.memref_slice %arg5[%dma_start3A_164] : memref<2880xi32, #tpu.memory_space<vmem>> -> memref<128xi32, #tpu.memory_space<vmem>>
    %dma_start3A_166 = arith.constant 0 : i32
    %dma_start3A_167 = arith.constant 0 : i32
    %dma_start3A_168 = tpu.memref_slice %arg2[%dma_start3A_166, %dma_start3A_167] : memref<5000x128xf32, #tpu.memory_space<hbm>> -> memref<5000x128xf32, #tpu.memory_space<hbm>>
    tpu.enqueue_indirect_dma source(%dma_start3A_168 : memref<5000x128xf32, #tpu.memory_space<hbm>>) target(%dma_start3A_163 : memref<128x128xf32, #tpu.memory_space<vmem>>) offsets(%dma_start3A_165 : memref<128xi32, #tpu.memory_space<vmem>>) semaphore(%arg9 : memref<!tpu.dma_semaphore, #tpu.memory_space<semaphore_mem>>)
    %dma_start3A_169 = arith.constant 1 : i32
    %dma_start3A_170 = arith.constant 128 : i32
    %dma_start3A_171 = arith.constant 0 : i32
    %dma_start3A_172 = tpu.memref_slice %arg6[%dma_start3A_169, %dma_start3A_170, %dma_start3A_171] : memref<2x160x128xf32, #tpu.memory_space<vmem>> -> memref<1x32x128xf32, #tpu.memory_space<vmem>>
    %dma_start3A_173 = tpu.memref_squeeze %dma_start3A_172 : memref<1x32x128xf32, #tpu.memory_space<vmem>> -> memref<32x128xf32, #tpu.memory_space<vmem>>
    %dma_start3A_174 = arith.constant 288 : i32
    %dma_start3A_175 = tpu.memref_slice %arg5[%dma_start3A_174] : memref<2880xi32, #tpu.memory_space<vmem>> -> memref<32xi32, #tpu.memory_space<vmem>>
    %dma_start3A_176 = arith.constant 0 : i32
    %dma_start3A_177 = arith.constant 0 : i32
    %dma_start3A_178 = tpu.memref_slice %arg2[%dma_start3A_176, %dma_start3A_177] : memref<5000x128xf32, #tpu.memory_space<hbm>> -> memref<5000x128xf32, #tpu.memory_space<hbm>>
    tpu.enqueue_indirect_dma source(%dma_start3A_178 : memref<5000x128xf32, #tpu.memory_space<hbm>>) target(%dma_start3A_173 : memref<32x128xf32, #tpu.memory_space<vmem>>) offsets(%dma_start3A_175 : memref<32xi32, #tpu.memory_space<vmem>>) semaphore(%arg9 : memref<!tpu.dma_semaphore, #tpu.memory_space<semaphore_mem>>)
    %scan3A_179 = arith.constant 0 : i32
    %scan3A_180 = arith.constant 9 : i32
    %scan3A_181 = arith.addi %scan3A_179, %scan3A_180 : i32
    %scan3A_182 = arith.constant 1 : i32
    scf.for %scan3A_215 = %scan3A_179 to %scan3A_181 step %scan3A_182  : i32 {
      %mul3A_216 = arith.constant 2 : i32
      %mul3A_217 = arith.muli %scan3A_215, %mul3A_216 : i32
      %add3A_218 = arith.constant 0 : i32
      %add3A_219 = arith.addi %add3A_218, %mul3A_217 : i32
      %add3A_220 = arith.constant 0 : i32
      %add3A_221 = arith.addi %add3A_219, %add3A_220 : i32
      %dma_wait3A_222 = arith.constant 0 : i32
      %dma_wait3A_223 = arith.constant 0 : i32
      %dma_wait3A_224 = arith.constant 0 : i32
      %dma_wait3A_225 = tpu.memref_slice %arg6[%dma_wait3A_222, %dma_wait3A_223, %dma_wait3A_224] : memref<2x160x128xf32, #tpu.memory_space<vmem>> -> memref<1x160x128xf32, #tpu.memory_space<vmem>>
      %dma_wait3A_226 = tpu.memref_squeeze %dma_wait3A_225 : memref<1x160x128xf32, #tpu.memory_space<vmem>> -> memref<160x128xf32, #tpu.memory_space<vmem>>
      %dma_wait3A_227 = arith.constant 0 : i32
      %dma_wait3A_228 = arith.constant 0 : i32
      %dma_wait3A_229 = tpu.memref_slice %arg2[%dma_wait3A_227, %dma_wait3A_228] : memref<5000x128xf32, #tpu.memory_space<hbm>> -> memref<160x128xf32, #tpu.memory_space<hbm>>
      %dma_wait3A_230 = arith.constant 0 : i32
      %dma_wait3A_231 = arith.constant 0 : i32
      %dma_wait3A_232 = tpu.memref_slice %arg6[%dma_wait3A_222, %dma_wait3A_230, %dma_wait3A_231] : memref<2x160x128xf32, #tpu.memory_space<vmem>> -> memref<1x160x128xf32, #tpu.memory_space<vmem>>
      %dma_wait3A_233 = tpu.memref_squeeze %dma_wait3A_232 : memref<1x160x128xf32, #tpu.memory_space<vmem>> -> memref<160x128xf32, #tpu.memory_space<vmem>>
      %dma_wait3A_234 = arith.constant 0 : i32
      %dma_wait3A_235 = arith.constant 0 : i32
      %dma_wait3A_236 = tpu.memref_slice %arg2[%dma_wait3A_234, %dma_wait3A_235] : memref<5000x128xf32, #tpu.memory_space<hbm>> -> memref<160x128xf32, #tpu.memory_space<hbm>>
      tpu.wait_dma2 semaphore(%arg8 : memref<!tpu.dma_semaphore, #tpu.memory_space<semaphore_mem>>) src(%dma_wait3A_236 : memref<160x128xf32, #tpu.memory_space<hbm>>) dst(%dma_wait3A_233 : memref<160x128xf32, #tpu.memory_space<vmem>>)
      %parallel_loop3A = arith.constant 0 : i32
      %parallel_loop3A_237 = arith.constant 16 : i32
      %parallel_loop3A_238 = arith.constant 1 : i32
      scf.for %parallel_loop3A_311 = %parallel_loop3A to %parallel_loop3A_237 step %parallel_loop3A_238  : i32 {
        %parallel_loop3A_312 = arith.constant 16 : i32
        %parallel_loop3A_313 = arith.muli %add3A_221, %parallel_loop3A_312 : i32
        %parallel_loop3A_314 = arith.addi %parallel_loop3A_313, %parallel_loop3A_311 : i32
        %parallel_loop3A_315 = arith.constant 10 : i32
        %parallel_loop3A_316 = arith.muli %parallel_loop3A_315, %parallel_loop3A_311 : i32
        %parallel_loop3A_317 = arith.constant 0 : i32
        %parallel_loop3A_318 = arith.addi %parallel_loop3A_316, %parallel_loop3A_317 : i32
        %parallel_loop3A_319 = arith.constant 0 : i32
        %parallel_loop3A_320 = arith.index_cast %parallel_loop3A_319 : i32 to index
        %parallel_loop3A_321 = arith.index_cast %parallel_loop3A_318 : i32 to index
        %parallel_loop3A_322 = arith.constant 0 : index
        %parallel_loop3A_323 = tpu.vector_load %arg6[%parallel_loop3A_320, %parallel_loop3A_321, %parallel_loop3A_322] {strides = array<i32>} : memref<2x160x128xf32, #tpu.memory_space<vmem>>, vector<1x1x16xf32>,
        %parallel_loop3A_324 = vector.shape_cast %parallel_loop3A_323 : vector<1x1x16xf32> to vector<16xf32>
        %parallel_loop3A_325 = arith.constant 1 : i32
        %parallel_loop3A_326 = arith.addi %parallel_loop3A_316, %parallel_loop3A_325 : i32
        %parallel_loop3A_327 = arith.constant 0 : i32
        %parallel_loop3A_328 = arith.index_cast %parallel_loop3A_327 : i32 to index
        %parallel_loop3A_329 = arith.index_cast %parallel_loop3A_326 : i32 to index
        %parallel_loop3A_330 = arith.constant 0 : index
        %parallel_loop3A_331 = tpu.vector_load %arg6[%parallel_loop3A_328, %parallel_loop3A_329, %parallel_loop3A_330] {strides = array<i32>} : memref<2x160x128xf32, #tpu.memory_space<vmem>>, vector<1x1x16xf32>,
        %parallel_loop3A_332 = vector.shape_cast %parallel_loop3A_331 : vector<1x1x16xf32> to vector<16xf32>
        %parallel_loop3A_333 = arith.constant 2 : i32
        %parallel_loop3A_334 = arith.addi %parallel_loop3A_316, %parallel_loop3A_333 : i32
        %parallel_loop3A_335 = arith.constant 0 : i32
        %parallel_loop3A_336 = arith.index_cast %parallel_loop3A_335 : i32 to index
        %parallel_loop3A_337 = arith.index_cast %parallel_loop3A_334 : i32 to index
        %parallel_loop3A_338 = arith.constant 0 : index
        %parallel_loop3A_339 = tpu.vector_load %arg6[%parallel_loop3A_336, %parallel_loop3A_337, %parallel_loop3A_338] {strides = array<i32>} : memref<2x160x128xf32, #tpu.memory_space<vmem>>, vector<1x1x16xf32>,
        %parallel_loop3A_340 = vector.shape_cast %parallel_loop3A_339 : vector<1x1x16xf32> to vector<16xf32>
        %parallel_loop3A_341 = arith.constant 3 : i32
        %parallel_loop3A_342 = arith.addi %parallel_loop3A_316, %parallel_loop3A_341 : i32
        %parallel_loop3A_343 = arith.constant 0 : i32
        %parallel_loop3A_344 = arith.index_cast %parallel_loop3A_343 : i32 to index
        %parallel_loop3A_345 = arith.index_cast %parallel_loop3A_342 : i32 to index
        %parallel_loop3A_346 = arith.constant 0 : index
        %parallel_loop3A_347 = tpu.vector_load %arg6[%parallel_loop3A_344, %parallel_loop3A_345, %parallel_loop3A_346] {strides = array<i32>} : memref<2x160x128xf32, #tpu.memory_space<vmem>>, vector<1x1x16xf32>,
        %parallel_loop3A_348 = vector.shape_cast %parallel_loop3A_347 : vector<1x1x16xf32> to vector<16xf32>
        %parallel_loop3A_349 = arith.constant 4 : i32
        %parallel_loop3A_350 = arith.addi %parallel_loop3A_316, %parallel_loop3A_349 : i32
        %parallel_loop3A_351 = arith.constant 0 : i32
        %parallel_loop3A_352 = arith.index_cast %parallel_loop3A_351 : i32 to index
        %parallel_loop3A_353 = arith.index_cast %parallel_loop3A_350 : i32 to index
        %parallel_loop3A_354 = arith.constant 0 : index
        %parallel_loop3A_355 = tpu.vector_load %arg6[%parallel_loop3A_352, %parallel_loop3A_353, %parallel_loop3A_354] {strides = array<i32>} : memref<2x160x128xf32, #tpu.memory_space<vmem>>, vector<1x1x16xf32>,
        %parallel_loop3A_356 = vector.shape_cast %parallel_loop3A_355 : vector<1x1x16xf32> to vector<16xf32>
        %parallel_loop3A_357 = arith.constant 5 : i32
        %parallel_loop3A_358 = arith.addi %parallel_loop3A_316, %parallel_loop3A_357 : i32
        %parallel_loop3A_359 = arith.constant 0 : i32
        %parallel_loop3A_360 = arith.index_cast %parallel_loop3A_359 : i32 to index
        %parallel_loop3A_361 = arith.index_cast %parallel_loop3A_358 : i32 to index
        %parallel_loop3A_362 = arith.constant 0 : index
        %parallel_loop3A_363 = tpu.vector_load %arg6[%parallel_loop3A_360, %parallel_loop3A_361, %parallel_loop3A_362] {strides = array<i32>} : memref<2x160x128xf32, #tpu.memory_space<vmem>>, vector<1x1x16xf32>,
        %parallel_loop3A_364 = vector.shape_cast %parallel_loop3A_363 : vector<1x1x16xf32> to vector<16xf32>
        %parallel_loop3A_365 = arith.constant 6 : i32
        %parallel_loop3A_366 = arith.addi %parallel_loop3A_316, %parallel_loop3A_365 : i32
        %parallel_loop3A_367 = arith.constant 0 : i32
        %parallel_loop3A_368 = arith.index_cast %parallel_loop3A_367 : i32 to index
        %parallel_loop3A_369 = arith.index_cast %parallel_loop3A_366 : i32 to index
        %parallel_loop3A_370 = arith.constant 0 : index
        %parallel_loop3A_371 = tpu.vector_load %arg6[%parallel_loop3A_368, %parallel_loop3A_369, %parallel_loop3A_370] {strides = array<i32>} : memref<2x160x128xf32, #tpu.memory_space<vmem>>, vector<1x1x16xf32>,
        %parallel_loop3A_372 = vector.shape_cast %parallel_loop3A_371 : vector<1x1x16xf32> to vector<16xf32>
        %parallel_loop3A_373 = arith.constant 7 : i32
        %parallel_loop3A_374 = arith.addi %parallel_loop3A_316, %parallel_loop3A_373 : i32
        %parallel_loop3A_375 = arith.constant 0 : i32
        %parallel_loop3A_376 = arith.index_cast %parallel_loop3A_375 : i32 to index
        %parallel_loop3A_377 = arith.index_cast %parallel_loop3A_374 : i32 to index
        %parallel_loop3A_378 = arith.constant 0 : index
        %parallel_loop3A_379 = tpu.vector_load %arg6[%parallel_loop3A_376, %parallel_loop3A_377, %parallel_loop3A_378] {strides = array<i32>} : memref<2x160x128xf32, #tpu.memory_space<vmem>>, vector<1x1x16xf32>,
        %parallel_loop3A_380 = vector.shape_cast %parallel_loop3A_379 : vector<1x1x16xf32> to vector<16xf32>
        %parallel_loop3A_381 = arith.constant 8 : i32
        %parallel_loop3A_382 = arith.addi %parallel_loop3A_316, %parallel_loop3A_381 : i32
        %parallel_loop3A_383 = arith.constant 0 : i32
        %parallel_loop3A_384 = arith.index_cast %parallel_loop3A_383 : i32 to index
        %parallel_loop3A_385 = arith.index_cast %parallel_loop3A_382 : i32 to index
        %parallel_loop3A_386 = arith.constant 0 : index
        %parallel_loop3A_387 = tpu.vector_load %arg6[%parallel_loop3A_384, %parallel_loop3A_385, %parallel_loop3A_386] {strides = array<i32>} : memref<2x160x128xf32, #tpu.memory_space<vmem>>, vector<1x1x16xf32>,
        %parallel_loop3A_388 = vector.shape_cast %parallel_loop3A_387 : vector<1x1x16xf32> to vector<16xf32>
        %parallel_loop3A_389 = arith.constant 9 : i32
        %parallel_loop3A_390 = arith.addi %parallel_loop3A_316, %parallel_loop3A_389 : i32
        %parallel_loop3A_391 = arith.constant 0 : i32
        %parallel_loop3A_392 = arith.index_cast %parallel_loop3A_391 : i32 to index
        %parallel_loop3A_393 = arith.index_cast %parallel_loop3A_390 : i32 to index
        %parallel_loop3A_394 = arith.constant 0 : index
        %parallel_loop3A_395 = tpu.vector_load %arg6[%parallel_loop3A_392, %parallel_loop3A_393, %parallel_loop3A_394] {strides = array<i32>} : memref<2x160x128xf32, #tpu.memory_space<vmem>>, vector<1x1x16xf32>,
        %parallel_loop3A_396 = vector.shape_cast %parallel_loop3A_395 : vector<1x1x16xf32> to vector<16xf32>
        %parallel_loop3A_397 = arith.addf %parallel_loop3A_324, %parallel_loop3A_332 : vector<16xf32>
        %parallel_loop3A_398 = arith.addf %parallel_loop3A_340, %parallel_loop3A_348 : vector<16xf32>
        %parallel_loop3A_399 = arith.addf %parallel_loop3A_356, %parallel_loop3A_364 : vector<16xf32>
        %parallel_loop3A_400 = arith.addf %parallel_loop3A_372, %parallel_loop3A_380 : vector<16xf32>
        %parallel_loop3A_401 = arith.addf %parallel_loop3A_388, %parallel_loop3A_396 : vector<16xf32>
        %parallel_loop3A_402 = arith.addf %parallel_loop3A_397, %parallel_loop3A_398 : vector<16xf32>
        %parallel_loop3A_403 = arith.addf %parallel_loop3A_399, %parallel_loop3A_400 : vector<16xf32>
        %parallel_loop3A_404 = arith.addf %parallel_loop3A_402, %parallel_loop3A_403 : vector<16xf32>
        %parallel_loop3A_405 = arith.addf %parallel_loop3A_404, %parallel_loop3A_401 : vector<16xf32>
        %parallel_loop3A_406 = arith.index_cast %parallel_loop3A_314 : i32 to index
        %parallel_loop3A_407 = arith.constant 0 : index
        %parallel_loop3A_408 = tpu.vector_load %arg7[%parallel_loop3A_406, %parallel_loop3A_407] {strides = array<i32>} : memref<288x128xf32, #tpu.memory_space<vmem>>, vector<1x16xf32>,
        %parallel_loop3A_409 = vector.shape_cast %parallel_loop3A_408 : vector<1x16xf32> to vector<16xf32>
        %parallel_loop3A_410 = vector.shape_cast %parallel_loop3A_405 : vector<16xf32> to vector<1x16xf32>
        tpu.vector_store %arg7[%parallel_loop3A_406, %parallel_loop3A_407], %parallel_loop3A_410 {strides = array<i32>} : memref<288x128xf32, #tpu.memory_space<vmem>>, vector<1x16xf32>,
        %parallel_loop3A_411 = arith.constant 0 : i32
        %parallel_loop3A_412 = arith.addi %parallel_loop3A_316, %parallel_loop3A_411 : i32
        %parallel_loop3A_413 = arith.constant 0 : i32
        %parallel_loop3A_414 = arith.index_cast %parallel_loop3A_413 : i32 to index
        %parallel_loop3A_415 = arith.index_cast %parallel_loop3A_412 : i32 to index
        %parallel_loop3A_416 = arith.constant 16 : index
        %parallel_loop3A_417 = tpu.vector_load %arg6[%parallel_loop3A_414, %parallel_loop3A_415, %parallel_loop3A_416] {strides = array<i32>} : memref<2x160x128xf32, #tpu.memory_space<vmem>>, vector<1x1x16xf32>,
        %parallel_loop3A_418 = vector.shape_cast %parallel_loop3A_417 : vector<1x1x16xf32> to vector<16xf32>
        %parallel_loop3A_419 = arith.constant 1 : i32
        %parallel_loop3A_420 = arith.addi %parallel_loop3A_316, %parallel_loop3A_419 : i32
        %parallel_loop3A_421 = arith.constant 0 : i32
        %parallel_loop3A_422 = arith.index_cast %parallel_loop3A_421 : i32 to index
        %parallel_loop3A_423 = arith.index_cast %parallel_loop3A_420 : i32 to index
        %parallel_loop3A_424 = arith.constant 16 : index
        %parallel_loop3A_425 = tpu.vector_load %arg6[%parallel_loop3A_422, %parallel_loop3A_423, %parallel_loop3A_424] {strides = array<i32>} : memref<2x160x128xf32, #tpu.memory_space<vmem>>, vector<1x1x16xf32>,
        %parallel_loop3A_426 = vector.shape_cast %parallel_loop3A_425 : vector<1x1x16xf32> to vector<16xf32>
        %parallel_loop3A_427 = arith.constant 2 : i32
        %parallel_loop3A_428 = arith.addi %parallel_loop3A_316, %parallel_loop3A_427 : i32
        %parallel_loop3A_429 = arith.constant 0 : i32
        %parallel_loop3A_430 = arith.index_cast %parallel_loop3A_429 : i32 to index
        %parallel_loop3A_431 = arith.index_cast %parallel_loop3A_428 : i32 to index
        %parallel_loop3A_432 = arith.constant 16 : index
        %parallel_loop3A_433 = tpu.vector_load %arg6[%parallel_loop3A_430, %parallel_loop3A_431, %parallel_loop3A_432] {strides = array<i32>} : memref<2x160x128xf32, #tpu.memory_space<vmem>>, vector<1x1x16xf32>,
        %parallel_loop3A_434 = vector.shape_cast %parallel_loop3A_433 : vector<1x1x16xf32> to vector<16xf32>
        %parallel_loop3A_435 = arith.constant 3 : i32
        %parallel_loop3A_436 = arith.addi %parallel_loop3A_316, %parallel_loop3A_435 : i32
        %parallel_loop3A_437 = arith.constant 0 : i32
        %parallel_loop3A_438 = arith.index_cast %parallel_loop3A_437 : i32 to index
        %parallel_loop3A_439 = arith.index_cast %parallel_loop3A_436 : i32 to index
        %parallel_loop3A_440 = arith.constant 16 : index
        %parallel_loop3A_441 = tpu.vector_load %arg6[%parallel_loop3A_438, %parallel_loop3A_439, %parallel_loop3A_440] {strides = array<i32>} : memref<2x160x128xf32, #tpu.memory_space<vmem>>, vector<1x1x16xf32>,
        %parallel_loop3A_442 = vector.shape_cast %parallel_loop3A_441 : vector<1x1x16xf32> to vector<16xf32>
        %parallel_loop3A_443 = arith.constant 4 : i32
        %parallel_loop3A_444 = arith.addi %parallel_loop3A_316, %parallel_loop3A_443 : i32
        %parallel_loop3A_445 = arith.constant 0 : i32
        %parallel_loop3A_446 = arith.index_cast %parallel_loop3A_445 : i32 to index
        %parallel_loop3A_447 = arith.index_cast %parallel_loop3A_444 : i32 to index
        %parallel_loop3A_448 = arith.constant 16 : index
        %parallel_loop3A_449 = tpu.vector_load %arg6[%parallel_loop3A_446, %parallel_loop3A_447, %parallel_loop3A_448] {strides = array<i32>} : memref<2x160x128xf32, #tpu.memory_space<vmem>>, vector<1x1x16xf32>,
        %parallel_loop3A_450 = vector.shape_cast %parallel_loop3A_449 : vector<1x1x16xf32> to vector<16xf32>
        %parallel_loop3A_451 = arith.constant 5 : i32
        %parallel_loop3A_452 = arith.addi %parallel_loop3A_316, %parallel_loop3A_451 : i32
        %parallel_loop3A_453 = arith.constant 0 : i32
        %parallel_loop3A_454 = arith.index_cast %parallel_loop3A_453 : i32 to index
        %parallel_loop3A_455 = arith.index_cast %parallel_loop3A_452 : i32 to index
        %parallel_loop3A_456 = arith.constant 16 : index
        %parallel_loop3A_457 = tpu.vector_load %arg6[%parallel_loop3A_454, %parallel_loop3A_455, %parallel_loop3A_456] {strides = array<i32>} : memref<2x160x128xf32, #tpu.memory_space<vmem>>, vector<1x1x16xf32>,
        %parallel_loop3A_458 = vector.shape_cast %parallel_loop3A_457 : vector<1x1x16xf32> to vector<16xf32>
        %parallel_loop3A_459 = arith.constant 6 : i32
        %parallel_loop3A_460 = arith.addi %parallel_loop3A_316, %parallel_loop3A_459 : i32
        %parallel_loop3A_461 = arith.constant 0 : i32
        %parallel_loop3A_462 = arith.index_cast %parallel_loop3A_461 : i32 to index
        %parallel_loop3A_463 = arith.index_cast %parallel_loop3A_460 : i32 to index
        %parallel_loop3A_464 = arith.constant 16 : index
        %parallel_loop3A_465 = tpu.vector_load %arg6[%parallel_loop3A_462, %parallel_loop3A_463, %parallel_loop3A_464] {strides = array<i32>} : memref<2x160x128xf32, #tpu.memory_space<vmem>>, vector<1x1x16xf32>,
        %parallel_loop3A_466 = vector.shape_cast %parallel_loop3A_465 : vector<1x1x16xf32> to vector<16xf32>
        %parallel_loop3A_467 = arith.constant 7 : i32
        %parallel_loop3A_468 = arith.addi %parallel_loop3A_316, %parallel_loop3A_467 : i32
        %parallel_loop3A_469 = arith.constant 0 : i32
        %parallel_loop3A_470 = arith.index_cast %parallel_loop3A_469 : i32 to index
        %parallel_loop3A_471 = arith.index_cast %parallel_loop3A_468 : i32 to index
        %parallel_loop3A_472 = arith.constant 16 : index
        %parallel_loop3A_473 = tpu.vector_load %arg6[%parallel_loop3A_470, %parallel_loop3A_471, %parallel_loop3A_472] {strides = array<i32>} : memref<2x160x128xf32, #tpu.memory_space<vmem>>, vector<1x1x16xf32>,
        %parallel_loop3A_474 = vector.shape_cast %parallel_loop3A_473 : vector<1x1x16xf32> to vector<16xf32>
        %parallel_loop3A_475 = arith.constant 8 : i32
        %parallel_loop3A_476 = arith.addi %parallel_loop3A_316, %parallel_loop3A_475 : i32
        %parallel_loop3A_477 = arith.constant 0 : i32
        %parallel_loop3A_478 = arith.index_cast %parallel_loop3A_477 : i32 to index
        %parallel_loop3A_479 = arith.index_cast %parallel_loop3A_476 : i32 to index
        %parallel_loop3A_480 = arith.constant 16 : index
        %parallel_loop3A_481 = tpu.vector_load %arg6[%parallel_loop3A_478, %parallel_loop3A_479, %parallel_loop3A_480] {strides = array<i32>} : memref<2x160x128xf32, #tpu.memory_space<vmem>>, vector<1x1x16xf32>,
        %parallel_loop3A_482 = vector.shape_cast %parallel_loop3A_481 : vector<1x1x16xf32> to vector<16xf32>
        %parallel_loop3A_483 = arith.constant 9 : i32
        %parallel_loop3A_484 = arith.addi %parallel_loop3A_316, %parallel_loop3A_483 : i32
        %parallel_loop3A_485 = arith.constant 0 : i32
        %parallel_loop3A_486 = arith.index_cast %parallel_loop3A_485 : i32 to index
        %parallel_loop3A_487 = arith.index_cast %parallel_loop3A_484 : i32 to index
        %parallel_loop3A_488 = arith.constant 16 : index
        %parallel_loop3A_489 = tpu.vector_load %arg6[%parallel_loop3A_486, %parallel_loop3A_487, %parallel_loop3A_488] {strides = array<i32>} : memref<2x160x128xf32, #tpu.memory_space<vmem>>, vector<1x1x16xf32>,
        %parallel_loop3A_490 = vector.shape_cast %parallel_loop3A_489 : vector<1x1x16xf32> to vector<16xf32>
        %parallel_loop3A_491 = arith.addf %parallel_loop3A_418, %parallel_loop3A_426 : vector<16xf32>
        %parallel_loop3A_492 = arith.addf %parallel_loop3A_434, %parallel_loop3A_442 : vector<16xf32>
        %parallel_loop3A_493 = arith.addf %parallel_loop3A_450, %parallel_loop3A_458 : vector<16xf32>
        %parallel_loop3A_494 = arith.addf %parallel_loop3A_466, %parallel_loop3A_474 : vector<16xf32>
        %parallel_loop3A_495 = arith.addf %parallel_loop3A_482, %parallel_loop3A_490 : vector<16xf32>
        %parallel_loop3A_496 = arith.addf %parallel_loop3A_491, %parallel_loop3A_492 : vector<16xf32>
        %parallel_loop3A_497 = arith.addf %parallel_loop3A_493, %parallel_loop3A_494 : vector<16xf32>
        %parallel_loop3A_498 = arith.addf %parallel_loop3A_496, %parallel_loop3A_497 : vector<16xf32>
        %parallel_loop3A_499 = arith.addf %parallel_loop3A_498, %parallel_loop3A_495 : vector<16xf32>
        %parallel_loop3A_500 = arith.index_cast %parallel_loop3A_314 : i32 to index
        %parallel_loop3A_501 = arith.constant 16 : index
        %parallel_loop3A_502 = tpu.vector_load %arg7[%parallel_loop3A_500, %parallel_loop3A_501] {strides = array<i32>} : memref<288x128xf32, #tpu.memory_space<vmem>>, vector<1x16xf32>,
        %parallel_loop3A_503 = vector.shape_cast %parallel_loop3A_502 : vector<1x16xf32> to vector<16xf32>
        %parallel_loop3A_504 = vector.shape_cast %parallel_loop3A_499 : vector<16xf32> to vector<1x16xf32>
        tpu.vector_store %arg7[%parallel_loop3A_500, %parallel_loop3A_501], %parallel_loop3A_504 {strides = array<i32>} : memref<288x128xf32, #tpu.memory_space<vmem>>, vector<1x16xf32>,
        %parallel_loop3A_505 = arith.constant 0 : i32
        %parallel_loop3A_506 = arith.addi %parallel_loop3A_316, %parallel_loop3A_505 : i32
        %parallel_loop3A_507 = arith.constant 0 : i32
        %parallel_loop3A_508 = arith.index_cast %parallel_loop3A_507 : i32 to index
        %parallel_loop3A_509 = arith.index_cast %parallel_loop3A_506 : i32 to index
        %parallel_loop3A_510 = arith.constant 32 : index
        %parallel_loop3A_511 = tpu.vector_load %arg6[%parallel_loop3A_508, %parallel_loop3A_509, %parallel_loop3A_510] {strides = array<i32>} : memref<2x160x128xf32, #tpu.memory_space<vmem>>, vector<1x1x16xf32>,
        %parallel_loop3A_512 = vector.shape_cast %parallel_loop3A_511 : vector<1x1x16xf32> to vector<16xf32>
        %parallel_loop3A_513 = arith.constant 1 : i32
        %parallel_loop3A_514 = arith.addi %parallel_loop3A_316, %parallel_loop3A_513 : i32
        %parallel_loop3A_515 = arith.constant 0 : i32
        %parallel_loop3A_516 = arith.index_cast %parallel_loop3A_515 : i32 to index
        %parallel_loop3A_517 = arith.index_cast %parallel_loop3A_514 : i32 to index
        %parallel_loop3A_518 = arith.constant 32 : index
        %parallel_loop3A_519 = tpu.vector_load %arg6[%parallel_loop3A_516, %parallel_loop3A_517, %parallel_loop3A_518] {strides = array<i32>} : memref<2x160x128xf32, #tpu.memory_space<vmem>>, vector<1x1x16xf32>,
        %parallel_loop3A_520 = vector.shape_cast %parallel_loop3A_519 : vector<1x1x16xf32> to vector<16xf32>
        %parallel_loop3A_521 = arith.constant 2 : i32
        %parallel_loop3A_522 = arith.addi %parallel_loop3A_316, %parallel_loop3A_521 : i32
        %parallel_loop3A_523 = arith.constant 0 : i32
        %parallel_loop3A_524 = arith.index_cast %parallel_loop3A_523 : i32 to index
        %parallel_loop3A_525 = arith.index_cast %parallel_loop3A_522 : i32 to index
        %parallel_loop3A_526 = arith.constant 32 : index
        %parallel_loop3A_527 = tpu.vector_load %arg6[%parallel_loop3A_524, %parallel_loop3A_525, %parallel_loop3A_526] {strides = array<i32>} : memref<2x160x128xf32, #tpu.memory_space<vmem>>, vector<1x1x16xf32>,
        %parallel_loop3A_528 = vector.shape_cast %parallel_loop3A_527 : vector<1x1x16xf32> to vector<16xf32>
        %parallel_loop3A_529 = arith.constant 3 : i32
        %parallel_loop3A_530 = arith.addi %parallel_loop3A_316, %parallel_loop3A_529 : i32
        %parallel_loop3A_531 = arith.constant 0 : i32
        %parallel_loop3A_532 = arith.index_cast %parallel_loop3A_531 : i32 to index
        %parallel_loop3A_533 = arith.index_cast %parallel_loop3A_530 : i32 to index
        %parallel_loop3A_534 = arith.constant 32 : index
        %parallel_loop3A_535 = tpu.vector_load %arg6[%parallel_loop3A_532, %parallel_loop3A_533, %parallel_loop3A_534] {strides = array<i32>} : memref<2x160x128xf32, #tpu.memory_space<vmem>>, vector<1x1x16xf32>,
        %parallel_loop3A_536 = vector.shape_cast %parallel_loop3A_535 : vector<1x1x16xf32> to vector<16xf32>
        %parallel_loop3A_537 = arith.constant 4 : i32
        %parallel_loop3A_538 = arith.addi %parallel_loop3A_316, %parallel_loop3A_537 : i32
        %parallel_loop3A_539 = arith.constant 0 : i32
        %parallel_loop3A_540 = arith.index_cast %parallel_loop3A_539 : i32 to index
        %parallel_loop3A_541 = arith.index_cast %parallel_loop3A_538 : i32 to index
        %parallel_loop3A_542 = arith.constant 32 : index
        %parallel_loop3A_543 = tpu.vector_load %arg6[%parallel_loop3A_540, %parallel_loop3A_541, %parallel_loop3A_542] {strides = array<i32>} : memref<2x160x128xf32, #tpu.memory_space<vmem>>, vector<1x1x16xf32>,
        %parallel_loop3A_544 = vector.shape_cast %parallel_loop3A_543 : vector<1x1x16xf32> to vector<16xf32>
        %parallel_loop3A_545 = arith.constant 5 : i32
        %parallel_loop3A_546 = arith.addi %parallel_loop3A_316, %parallel_loop3A_545 : i32
        %parallel_loop3A_547 = arith.constant 0 : i32
        %parallel_loop3A_548 = arith.index_cast %parallel_loop3A_547 : i32 to index
        %parallel_loop3A_549 = arith.index_cast %parallel_loop3A_546 : i32 to index
        %parallel_loop3A_550 = arith.constant 32 : index
        %parallel_loop3A_551 = tpu.vector_load %arg6[%parallel_loop3A_548, %parallel_loop3A_549, %parallel_loop3A_550] {strides = array<i32>} : memref<2x160x128xf32, #tpu.memory_space<vmem>>, vector<1x1x16xf32>,
        %parallel_loop3A_552 = vector.shape_cast %parallel_loop3A_551 : vector<1x1x16xf32> to vector<16xf32>
        %parallel_loop3A_553 = arith.constant 6 : i32
        %parallel_loop3A_554 = arith.addi %parallel_loop3A_316, %parallel_loop3A_553 : i32
        %parallel_loop3A_555 = arith.constant 0 : i32
        %parallel_loop3A_556 = arith.index_cast %parallel_loop3A_555 : i32 to index
        %parallel_loop3A_557 = arith.index_cast %parallel_loop3A_554 : i32 to index
        %parallel_loop3A_558 = arith.constant 32 : index
        %parallel_loop3A_559 = tpu.vector_load %arg6[%parallel_loop3A_556, %parallel_loop3A_557, %parallel_loop3A_558] {strides = array<i32>} : memref<2x160x128xf32, #tpu.memory_space<vmem>>, vector<1x1x16xf32>,
        %parallel_loop3A_560 = vector.shape_cast %parallel_loop3A_559 : vector<1x1x16xf32> to vector<16xf32>
        %parallel_loop3A_561 = arith.constant 7 : i32
        %parallel_loop3A_562 = arith.addi %parallel_loop3A_316, %parallel_loop3A_561 : i32
        %parallel_loop3A_563 = arith.constant 0 : i32
        %parallel_loop3A_564 = arith.index_cast %parallel_loop3A_563 : i32 to index
        %parallel_loop3A_565 = arith.index_cast %parallel_loop3A_562 : i32 to index
        %parallel_loop3A_566 = arith.constant 32 : index
        %parallel_loop3A_567 = tpu.vector_load %arg6[%parallel_loop3A_564, %parallel_loop3A_565, %parallel_loop3A_566] {strides = array<i32>} : memref<2x160x128xf32, #tpu.memory_space<vmem>>, vector<1x1x16xf32>,
        %parallel_loop3A_568 = vector.shape_cast %parallel_loop3A_567 : vector<1x1x16xf32> to vector<16xf32>
        %parallel_loop3A_569 = arith.constant 8 : i32
        %parallel_loop3A_570 = arith.addi %parallel_loop3A_316, %parallel_loop3A_569 : i32
        %parallel_loop3A_571 = arith.constant 0 : i32
        %parallel_loop3A_572 = arith.index_cast %parallel_loop3A_571 : i32 to index
        %parallel_loop3A_573 = arith.index_cast %parallel_loop3A_570 : i32 to index
        %parallel_loop3A_574 = arith.constant 32 : index
        %parallel_loop3A_575 = tpu.vector_load %arg6[%parallel_loop3A_572, %parallel_loop3A_573, %parallel_loop3A_574] {strides = array<i32>} : memref<2x160x128xf32, #tpu.memory_space<vmem>>, vector<1x1x16xf32>,
        %parallel_loop3A_576 = vector.shape_cast %parallel_loop3A_575 : vector<1x1x16xf32> to vector<16xf32>
        %parallel_loop3A_577 = arith.constant 9 : i32
        %parallel_loop3A_578 = arith.addi %parallel_loop3A_316, %parallel_loop3A_577 : i32
        %parallel_loop3A_579 = arith.constant 0 : i32
        %parallel_loop3A_580 = arith.index_cast %parallel_loop3A_579 : i32 to index
        %parallel_loop3A_581 = arith.index_cast %parallel_loop3A_578 : i32 to index
        %parallel_loop3A_582 = arith.constant 32 : index
        %parallel_loop3A_583 = tpu.vector_load %arg6[%parallel_loop3A_580, %parallel_loop3A_581, %parallel_loop3A_582] {strides = array<i32>} : memref<2x160x128xf32, #tpu.memory_space<vmem>>, vector<1x1x16xf32>,
        %parallel_loop3A_584 = vector.shape_cast %parallel_loop3A_583 : vector<1x1x16xf32> to vector<16xf32>
        %parallel_loop3A_585 = arith.addf %parallel_loop3A_512, %parallel_loop3A_520 : vector<16xf32>
        %parallel_loop3A_586 = arith.addf %parallel_loop3A_528, %parallel_loop3A_536 : vector<16xf32>
        %parallel_loop3A_587 = arith.addf %parallel_loop3A_544, %parallel_loop3A_552 : vector<16xf32>
        %parallel_loop3A_588 = arith.addf %parallel_loop3A_560, %parallel_loop3A_568 : vector<16xf32>
        %parallel_loop3A_589 = arith.addf %parallel_loop3A_576, %parallel_loop3A_584 : vector<16xf32>
        %parallel_loop3A_590 = arith.addf %parallel_loop3A_585, %parallel_loop3A_586 : vector<16xf32>
        %parallel_loop3A_591 = arith.addf %parallel_loop3A_587, %parallel_loop3A_588 : vector<16xf32>
        %parallel_loop3A_592 = arith.addf %parallel_loop3A_590, %parallel_loop3A_591 : vector<16xf32>
        %parallel_loop3A_593 = arith.addf %parallel_loop3A_592, %parallel_loop3A_589 : vector<16xf32>
        %parallel_loop3A_594 = arith.index_cast %parallel_loop3A_314 : i32 to index
        %parallel_loop3A_595 = arith.constant 32 : index
        %parallel_loop3A_596 = tpu.vector_load %arg7[%parallel_loop3A_594, %parallel_loop3A_595] {strides = array<i32>} : memref<288x128xf32, #tpu.memory_space<vmem>>, vector<1x16xf32>,
        %parallel_loop3A_597 = vector.shape_cast %parallel_loop3A_596 : vector<1x16xf32> to vector<16xf32>
        %parallel_loop3A_598 = vector.shape_cast %parallel_loop3A_593 : vector<16xf32> to vector<1x16xf32>
        tpu.vector_store %arg7[%parallel_loop3A_594, %parallel_loop3A_595], %parallel_loop3A_598 {strides = array<i32>} : memref<288x128xf32, #tpu.memory_space<vmem>>, vector<1x16xf32>,
        %parallel_loop3A_599 = arith.constant 0 : i32
        %parallel_loop3A_600 = arith.addi %parallel_loop3A_316, %parallel_loop3A_599 : i32
        %parallel_loop3A_601 = arith.constant 0 : i32
        %parallel_loop3A_602 = arith.index_cast %parallel_loop3A_601 : i32 to index
        %parallel_loop3A_603 = arith.index_cast %parallel_loop3A_600 : i32 to index
        %parallel_loop3A_604 = arith.constant 48 : index
        %parallel_loop3A_605 = tpu.vector_load %arg6[%parallel_loop3A_602, %parallel_loop3A_603, %parallel_loop3A_604] {strides = array<i32>} : memref<2x160x128xf32, #tpu.memory_space<vmem>>, vector<1x1x16xf32>,
        %parallel_loop3A_606 = vector.shape_cast %parallel_loop3A_605 : vector<1x1x16xf32> to vector<16xf32>
        %parallel_loop3A_607 = arith.constant 1 : i32
        %parallel_loop3A_608 = arith.addi %parallel_loop3A_316, %parallel_loop3A_607 : i32
        %parallel_loop3A_609 = arith.constant 0 : i32
        %parallel_loop3A_610 = arith.index_cast %parallel_loop3A_609 : i32 to index
        %parallel_loop3A_611 = arith.index_cast %parallel_loop3A_608 : i32 to index
        %parallel_loop3A_612 = arith.constant 48 : index
        %parallel_loop3A_613 = tpu.vector_load %arg6[%parallel_loop3A_610, %parallel_loop3A_611, %parallel_loop3A_612] {strides = array<i32>} : memref<2x160x128xf32, #tpu.memory_space<vmem>>, vector<1x1x16xf32>,
        %parallel_loop3A_614 = vector.shape_cast %parallel_loop3A_613 : vector<1x1x16xf32> to vector<16xf32>
        %parallel_loop3A_615 = arith.constant 2 : i32
        %parallel_loop3A_616 = arith.addi %parallel_loop3A_316, %parallel_loop3A_615 : i32
        %parallel_loop3A_617 = arith.constant 0 : i32
        %parallel_loop3A_618 = arith.index_cast %parallel_loop3A_617 : i32 to index
        %parallel_loop3A_619 = arith.index_cast %parallel_loop3A_616 : i32 to index
        %parallel_loop3A_620 = arith.constant 48 : index
        %parallel_loop3A_621 = tpu.vector_load %arg6[%parallel_loop3A_618, %parallel_loop3A_619, %parallel_loop3A_620] {strides = array<i32>} : memref<2x160x128xf32, #tpu.memory_space<vmem>>, vector<1x1x16xf32>,
        %parallel_loop3A_622 = vector.shape_cast %parallel_loop3A_621 : vector<1x1x16xf32> to vector<16xf32>
        %parallel_loop3A_623 = arith.constant 3 : i32
        %parallel_loop3A_624 = arith.addi %parallel_loop3A_316, %parallel_loop3A_623 : i32
        %parallel_loop3A_625 = arith.constant 0 : i32
        %parallel_loop3A_626 = arith.index_cast %parallel_loop3A_625 : i32 to index
        %parallel_loop3A_627 = arith.index_cast %parallel_loop3A_624 : i32 to index
        %parallel_loop3A_628 = arith.constant 48 : index
        %parallel_loop3A_629 = tpu.vector_load %arg6[%parallel_loop3A_626, %parallel_loop3A_627, %parallel_loop3A_628] {strides = array<i32>} : memref<2x160x128xf32, #tpu.memory_space<vmem>>, vector<1x1x16xf32>,
        %parallel_loop3A_630 = vector.shape_cast %parallel_loop3A_629 : vector<1x1x16xf32> to vector<16xf32>
        %parallel_loop3A_631 = arith.constant 4 : i32
        %parallel_loop3A_632 = arith.addi %parallel_loop3A_316, %parallel_loop3A_631 : i32
        %parallel_loop3A_633 = arith.constant 0 : i32
        %parallel_loop3A_634 = arith.index_cast %parallel_loop3A_633 : i32 to index
        %parallel_loop3A_635 = arith.index_cast %parallel_loop3A_632 : i32 to index
        %parallel_loop3A_636 = arith.constant 48 : index
        %parallel_loop3A_637 = tpu.vector_load %arg6[%parallel_loop3A_634, %parallel_loop3A_635, %parallel_loop3A_636] {strides = array<i32>} : memref<2x160x128xf32, #tpu.memory_space<vmem>>, vector<1x1x16xf32>,
        %parallel_loop3A_638 = vector.shape_cast %parallel_loop3A_637 : vector<1x1x16xf32> to vector<16xf32>
        %parallel_loop3A_639 = arith.constant 5 : i32
        %parallel_loop3A_640 = arith.addi %parallel_loop3A_316, %parallel_loop3A_639 : i32
        %parallel_loop3A_641 = arith.constant 0 : i32
        %parallel_loop3A_642 = arith.index_cast %parallel_loop3A_641 : i32 to index
        %parallel_loop3A_643 = arith.index_cast %parallel_loop3A_640 : i32 to index
        %parallel_loop3A_644 = arith.constant 48 : index
        %parallel_loop3A_645 = tpu.vector_load %arg6[%parallel_loop3A_642, %parallel_loop3A_643, %parallel_loop3A_644] {strides = array<i32>} : memref<2x160x128xf32, #tpu.memory_space<vmem>>, vector<1x1x16xf32>,
        %parallel_loop3A_646 = vector.shape_cast %parallel_loop3A_645 : vector<1x1x16xf32> to vector<16xf32>
        %parallel_loop3A_647 = arith.constant 6 : i32
        %parallel_loop3A_648 = arith.addi %parallel_loop3A_316, %parallel_loop3A_647 : i32
        %parallel_loop3A_649 = arith.constant 0 : i32
        %parallel_loop3A_650 = arith.index_cast %parallel_loop3A_649 : i32 to index
        %parallel_loop3A_651 = arith.index_cast %parallel_loop3A_648 : i32 to index
        %parallel_loop3A_652 = arith.constant 48 : index
        %parallel_loop3A_653 = tpu.vector_load %arg6[%parallel_loop3A_650, %parallel_loop3A_651, %parallel_loop3A_652] {strides = array<i32>} : memref<2x160x128xf32, #tpu.memory_space<vmem>>, vector<1x1x16xf32>,
        %parallel_loop3A_654 = vector.shape_cast %parallel_loop3A_653 : vector<1x1x16xf32> to vector<16xf32>
        %parallel_loop3A_655 = arith.constant 7 : i32
        %parallel_loop3A_656 = arith.addi %parallel_loop3A_316, %parallel_loop3A_655 : i32
        %parallel_loop3A_657 = arith.constant 0 : i32
        %parallel_loop3A_658 = arith.index_cast %parallel_loop3A_657 : i32 to index
        %parallel_loop3A_659 = arith.index_cast %parallel_loop3A_656 : i32 to index
        %parallel_loop3A_660 = arith.constant 48 : index
        %parallel_loop3A_661 = tpu.vector_load %arg6[%parallel_loop3A_658, %parallel_loop3A_659, %parallel_loop3A_660] {strides = array<i32>} : memref<2x160x128xf32, #tpu.memory_space<vmem>>, vector<1x1x16xf32>,
        %parallel_loop3A_662 = vector.shape_cast %parallel_loop3A_661 : vector<1x1x16xf32> to vector<16xf32>
        %parallel_loop3A_663 = arith.constant 8 : i32
        %parallel_loop3A_664 = arith.addi %parallel_loop3A_316, %parallel_loop3A_663 : i32
        %parallel_loop3A_665 = arith.constant 0 : i32
        %parallel_loop3A_666 = arith.index_cast %parallel_loop3A_665 : i32 to index
        %parallel_loop3A_667 = arith.index_cast %parallel_loop3A_664 : i32 to index
        %parallel_loop3A_668 = arith.constant 48 : index
        %parallel_loop3A_669 = tpu.vector_load %arg6[%parallel_loop3A_666, %parallel_loop3A_667, %parallel_loop3A_668] {strides = array<i32>} : memref<2x160x128xf32, #tpu.memory_space<vmem>>, vector<1x1x16xf32>,
        %parallel_loop3A_670 = vector.shape_cast %parallel_loop3A_669 : vector<1x1x16xf32> to vector<16xf32>
        %parallel_loop3A_671 = arith.constant 9 : i32
        %parallel_loop3A_672 = arith.addi %parallel_loop3A_316, %parallel_loop3A_671 : i32
        %parallel_loop3A_673 = arith.constant 0 : i32
        %parallel_loop3A_674 = arith.index_cast %parallel_loop3A_673 : i32 to index
        %parallel_loop3A_675 = arith.index_cast %parallel_loop3A_672 : i32 to index
        %parallel_loop3A_676 = arith.constant 48 : index
        %parallel_loop3A_677 = tpu.vector_load %arg6[%parallel_loop3A_674, %parallel_loop3A_675, %parallel_loop3A_676] {strides = array<i32>} : memref<2x160x128xf32, #tpu.memory_space<vmem>>, vector<1x1x16xf32>,
        %parallel_loop3A_678 = vector.shape_cast %parallel_loop3A_677 : vector<1x1x16xf32> to vector<16xf32>
        %parallel_loop3A_679 = arith.addf %parallel_loop3A_606, %parallel_loop3A_614 : vector<16xf32>
        %parallel_loop3A_680 = arith.addf %parallel_loop3A_622, %parallel_loop3A_630 : vector<16xf32>
        %parallel_loop3A_681 = arith.addf %parallel_loop3A_638, %parallel_loop3A_646 : vector<16xf32>
        %parallel_loop3A_682 = arith.addf %parallel_loop3A_654, %parallel_loop3A_662 : vector<16xf32>
        %parallel_loop3A_683 = arith.addf %parallel_loop3A_670, %parallel_loop3A_678 : vector<16xf32>
        %parallel_loop3A_684 = arith.addf %parallel_loop3A_679, %parallel_loop3A_680 : vector<16xf32>
        %parallel_loop3A_685 = arith.addf %parallel_loop3A_681, %parallel_loop3A_682 : vector<16xf32>
        %parallel_loop3A_686 = arith.addf %parallel_loop3A_684, %parallel_loop3A_685 : vector<16xf32>
        %parallel_loop3A_687 = arith.addf %parallel_loop3A_686, %parallel_loop3A_683 : vector<16xf32>
        %parallel_loop3A_688 = arith.index_cast %parallel_loop3A_314 : i32 to index
        %parallel_loop3A_689 = arith.constant 48 : index
        %parallel_loop3A_690 = tpu.vector_load %arg7[%parallel_loop3A_688, %parallel_loop3A_689] {strides = array<i32>} : memref<288x128xf32, #tpu.memory_space<vmem>>, vector<1x16xf32>,
        %parallel_loop3A_691 = vector.shape_cast %parallel_loop3A_690 : vector<1x16xf32> to vector<16xf32>
        %parallel_loop3A_692 = vector.shape_cast %parallel_loop3A_687 : vector<16xf32> to vector<1x16xf32>
        tpu.vector_store %arg7[%parallel_loop3A_688, %parallel_loop3A_689], %parallel_loop3A_692 {strides = array<i32>} : memref<288x128xf32, #tpu.memory_space<vmem>>, vector<1x16xf32>,
        %parallel_loop3A_693 = arith.constant 0 : i32
        %parallel_loop3A_694 = arith.addi %parallel_loop3A_316, %parallel_loop3A_693 : i32
        %parallel_loop3A_695 = arith.constant 0 : i32
        %parallel_loop3A_696 = arith.index_cast %parallel_loop3A_695 : i32 to index
        %parallel_loop3A_697 = arith.index_cast %parallel_loop3A_694 : i32 to index
        %parallel_loop3A_698 = arith.constant 64 : index
        %parallel_loop3A_699 = tpu.vector_load %arg6[%parallel_loop3A_696, %parallel_loop3A_697, %parallel_loop3A_698] {strides = array<i32>} : memref<2x160x128xf32, #tpu.memory_space<vmem>>, vector<1x1x16xf32>,
        %parallel_loop3A_700 = vector.shape_cast %parallel_loop3A_699 : vector<1x1x16xf32> to vector<16xf32>
        %parallel_loop3A_701 = arith.constant 1 : i32
        %parallel_loop3A_702 = arith.addi %parallel_loop3A_316, %parallel_loop3A_701 : i32
        %parallel_loop3A_703 = arith.constant 0 : i32
        %parallel_loop3A_704 = arith.index_cast %parallel_loop3A_703 : i32 to index
        %parallel_loop3A_705 = arith.index_cast %parallel_loop3A_702 : i32 to index
        %parallel_loop3A_706 = arith.constant 64 : index
        %parallel_loop3A_707 = tpu.vector_load %arg6[%parallel_loop3A_704, %parallel_loop3A_705, %parallel_loop3A_706] {strides = array<i32>} : memref<2x160x128xf32, #tpu.memory_space<vmem>>, vector<1x1x16xf32>,
        %parallel_loop3A_708 = vector.shape_cast %parallel_loop3A_707 : vector<1x1x16xf32> to vector<16xf32>
        %parallel_loop3A_709 = arith.constant 2 : i32
        %parallel_loop3A_710 = arith.addi %parallel_loop3A_316, %parallel_loop3A_709 : i32
        %parallel_loop3A_711 = arith.constant 0 : i32
        %parallel_loop3A_712 = arith.index_cast %parallel_loop3A_711 : i32 to index
        %parallel_loop3A_713 = arith.index_cast %parallel_loop3A_710 : i32 to index
        %parallel_loop3A_714 = arith.constant 64 : index
        %parallel_loop3A_715 = tpu.vector_load %arg6[%parallel_loop3A_712, %parallel_loop3A_713, %parallel_loop3A_714] {strides = array<i32>} : memref<2x160x128xf32, #tpu.memory_space<vmem>>, vector<1x1x16xf32>,
        %parallel_loop3A_716 = vector.shape_cast %parallel_loop3A_715 : vector<1x1x16xf32> to vector<16xf32>
        %parallel_loop3A_717 = arith.constant 3 : i32
        %parallel_loop3A_718 = arith.addi %parallel_loop3A_316, %parallel_loop3A_717 : i32
        %parallel_loop3A_719 = arith.constant 0 : i32
        %parallel_loop3A_720 = arith.index_cast %parallel_loop3A_719 : i32 to index
        %parallel_loop3A_721 = arith.index_cast %parallel_loop3A_718 : i32 to index
        %parallel_loop3A_722 = arith.constant 64 : index
        %parallel_loop3A_723 = tpu.vector_load %arg6[%parallel_loop3A_720, %parallel_loop3A_721, %parallel_loop3A_722] {strides = array<i32>} : memref<2x160x128xf32, #tpu.memory_space<vmem>>, vector<1x1x16xf32>,
        %parallel_loop3A_724 = vector.shape_cast %parallel_loop3A_723 : vector<1x1x16xf32> to vector<16xf32>
        %parallel_loop3A_725 = arith.constant 4 : i32
        %parallel_loop3A_726 = arith.addi %parallel_loop3A_316, %parallel_loop3A_725 : i32
        %parallel_loop3A_727 = arith.constant 0 : i32
        %parallel_loop3A_728 = arith.index_cast %parallel_loop3A_727 : i32 to index
        %parallel_loop3A_729 = arith.index_cast %parallel_loop3A_726 : i32 to index
        %parallel_loop3A_730 = arith.constant 64 : index
        %parallel_loop3A_731 = tpu.vector_load %arg6[%parallel_loop3A_728, %parallel_loop3A_729, %parallel_loop3A_730] {strides = array<i32>} : memref<2x160x128xf32, #tpu.memory_space<vmem>>, vector<1x1x16xf32>,
        %parallel_loop3A_732 = vector.shape_cast %parallel_loop3A_731 : vector<1x1x16xf32> to vector<16xf32>
        %parallel_loop3A_733 = arith.constant 5 : i32
        %parallel_loop3A_734 = arith.addi %parallel_loop3A_316, %parallel_loop3A_733 : i32
        %parallel_loop3A_735 = arith.constant 0 : i32
        %parallel_loop3A_736 = arith.index_cast %parallel_loop3A_735 : i32 to index
        %parallel_loop3A_737 = arith.index_cast %parallel_loop3A_734 : i32 to index
        %parallel_loop3A_738 = arith.constant 64 : index
        %parallel_loop3A_739 = tpu.vector_load %arg6[%parallel_loop3A_736, %parallel_loop3A_737, %parallel_loop3A_738] {strides = array<i32>} : memref<2x160x128xf32, #tpu.memory_space<vmem>>, vector<1x1x16xf32>,
        %parallel_loop3A_740 = vector.shape_cast %parallel_loop3A_739 : vector<1x1x16xf32> to vector<16xf32>
        %parallel_loop3A_741 = arith.constant 6 : i32
        %parallel_loop3A_742 = arith.addi %parallel_loop3A_316, %parallel_loop3A_741 : i32
        %parallel_loop3A_743 = arith.constant 0 : i32
        %parallel_loop3A_744 = arith.index_cast %parallel_loop3A_743 : i32 to index
        %parallel_loop3A_745 = arith.index_cast %parallel_loop3A_742 : i32 to index
        %parallel_loop3A_746 = arith.constant 64 : index
        %parallel_loop3A_747 = tpu.vector_load %arg6[%parallel_loop3A_744, %parallel_loop3A_745, %parallel_loop3A_746] {strides = array<i32>} : memref<2x160x128xf32, #tpu.memory_space<vmem>>, vector<1x1x16xf32>,
        %parallel_loop3A_748 = vector.shape_cast %parallel_loop3A_747 : vector<1x1x16xf32> to vector<16xf32>
        %parallel_loop3A_749 = arith.constant 7 : i32
        %parallel_loop3A_750 = arith.addi %parallel_loop3A_316, %parallel_loop3A_749 : i32
        %parallel_loop3A_751 = arith.constant 0 : i32
        %parallel_loop3A_752 = arith.index_cast %parallel_loop3A_751 : i32 to index
        %parallel_loop3A_753 = arith.index_cast %parallel_loop3A_750 : i32 to index
        %parallel_loop3A_754 = arith.constant 64 : index
        %parallel_loop3A_755 = tpu.vector_load %arg6[%parallel_loop3A_752, %parallel_loop3A_753, %parallel_loop3A_754] {strides = array<i32>} : memref<2x160x128xf32, #tpu.memory_space<vmem>>, vector<1x1x16xf32>,
        %parallel_loop3A_756 = vector.shape_cast %parallel_loop3A_755 : vector<1x1x16xf32> to vector<16xf32>
        %parallel_loop3A_757 = arith.constant 8 : i32
        %parallel_loop3A_758 = arith.addi %parallel_loop3A_316, %parallel_loop3A_757 : i32
        %parallel_loop3A_759 = arith.constant 0 : i32
        %parallel_loop3A_760 = arith.index_cast %parallel_loop3A_759 : i32 to index
        %parallel_loop3A_761 = arith.index_cast %parallel_loop3A_758 : i32 to index
        %parallel_loop3A_762 = arith.constant 64 : index
        %parallel_loop3A_763 = tpu.vector_load %arg6[%parallel_loop3A_760, %parallel_loop3A_761, %parallel_loop3A_762] {strides = array<i32>} : memref<2x160x128xf32, #tpu.memory_space<vmem>>, vector<1x1x16xf32>,
        %parallel_loop3A_764 = vector.shape_cast %parallel_loop3A_763 : vector<1x1x16xf32> to vector<16xf32>
        %parallel_loop3A_765 = arith.constant 9 : i32
        %parallel_loop3A_766 = arith.addi %parallel_loop3A_316, %parallel_loop3A_765 : i32
        %parallel_loop3A_767 = arith.constant 0 : i32
        %parallel_loop3A_768 = arith.index_cast %parallel_loop3A_767 : i32 to index
        %parallel_loop3A_769 = arith.index_cast %parallel_loop3A_766 : i32 to index
        %parallel_loop3A_770 = arith.constant 64 : index
        %parallel_loop3A_771 = tpu.vector_load %arg6[%parallel_loop3A_768, %parallel_loop3A_769, %parallel_loop3A_770] {strides = array<i32>} : memref<2x160x128xf32, #tpu.memory_space<vmem>>, vector<1x1x16xf32>,
        %parallel_loop3A_772 = vector.shape_cast %parallel_loop3A_771 : vector<1x1x16xf32> to vector<16xf32>
        %parallel_loop3A_773 = arith.addf %parallel_loop3A_700, %parallel_loop3A_708 : vector<16xf32>
        %parallel_loop3A_774 = arith.addf %parallel_loop3A_716, %parallel_loop3A_724 : vector<16xf32>
        %parallel_loop3A_775 = arith.addf %parallel_loop3A_732, %parallel_loop3A_740 : vector<16xf32>
        %parallel_loop3A_776 = arith.addf %parallel_loop3A_748, %parallel_loop3A_756 : vector<16xf32>
        %parallel_loop3A_777 = arith.addf %parallel_loop3A_764, %parallel_loop3A_772 : vector<16xf32>
        %parallel_loop3A_778 = arith.addf %parallel_loop3A_773, %parallel_loop3A_774 : vector<16xf32>
        %parallel_loop3A_779 = arith.addf %parallel_loop3A_775, %parallel_loop3A_776 : vector<16xf32>
        %parallel_loop3A_780 = arith.addf %parallel_loop3A_778, %parallel_loop3A_779 : vector<16xf32>
        %parallel_loop3A_781 = arith.addf %parallel_loop3A_780, %parallel_loop3A_777 : vector<16xf32>
        %parallel_loop3A_782 = arith.index_cast %parallel_loop3A_314 : i32 to index
        %parallel_loop3A_783 = arith.constant 64 : index
        %parallel_loop3A_784 = tpu.vector_load %arg7[%parallel_loop3A_782, %parallel_loop3A_783] {strides = array<i32>} : memref<288x128xf32, #tpu.memory_space<vmem>>, vector<1x16xf32>,
        %parallel_loop3A_785 = vector.shape_cast %parallel_loop3A_784 : vector<1x16xf32> to vector<16xf32>
        %parallel_loop3A_786 = vector.shape_cast %parallel_loop3A_781 : vector<16xf32> to vector<1x16xf32>
        tpu.vector_store %arg7[%parallel_loop3A_782, %parallel_loop3A_783], %parallel_loop3A_786 {strides = array<i32>} : memref<288x128xf32, #tpu.memory_space<vmem>>, vector<1x16xf32>,
        %parallel_loop3A_787 = arith.constant 0 : i32
        %parallel_loop3A_788 = arith.addi %parallel_loop3A_316, %parallel_loop3A_787 : i32
        %parallel_loop3A_789 = arith.constant 0 : i32
        %parallel_loop3A_790 = arith.index_cast %parallel_loop3A_789 : i32 to index
        %parallel_loop3A_791 = arith.index_cast %parallel_loop3A_788 : i32 to index
        %parallel_loop3A_792 = arith.constant 80 : index
        %parallel_loop3A_793 = tpu.vector_load %arg6[%parallel_loop3A_790, %parallel_loop3A_791, %parallel_loop3A_792] {strides = array<i32>} : memref<2x160x128xf32, #tpu.memory_space<vmem>>, vector<1x1x16xf32>,
        %parallel_loop3A_794 = vector.shape_cast %parallel_loop3A_793 : vector<1x1x16xf32> to vector<16xf32>
        %parallel_loop3A_795 = arith.constant 1 : i32
        %parallel_loop3A_796 = arith.addi %parallel_loop3A_316, %parallel_loop3A_795 : i32
        %parallel_loop3A_797 = arith.constant 0 : i32
        %parallel_loop3A_798 = arith.index_cast %parallel_loop3A_797 : i32 to index
        %parallel_loop3A_799 = arith.index_cast %parallel_loop3A_796 : i32 to index
        %parallel_loop3A_800 = arith.constant 80 : index
        %parallel_loop3A_801 = tpu.vector_load %arg6[%parallel_loop3A_798, %parallel_loop3A_799, %parallel_loop3A_800] {strides = array<i32>} : memref<2x160x128xf32, #tpu.memory_space<vmem>>, vector<1x1x16xf32>,
        %parallel_loop3A_802 = vector.shape_cast %parallel_loop3A_801 : vector<1x1x16xf32> to vector<16xf32>
        %parallel_loop3A_803 = arith.constant 2 : i32
        %parallel_loop3A_804 = arith.addi %parallel_loop3A_316, %parallel_loop3A_803 : i32
        %parallel_loop3A_805 = arith.constant 0 : i32
        %parallel_loop3A_806 = arith.index_cast %parallel_loop3A_805 : i32 to index
        %parallel_loop3A_807 = arith.index_cast %parallel_loop3A_804 : i32 to index
        %parallel_loop3A_808 = arith.constant 80 : index
        %parallel_loop3A_809 = tpu.vector_load %arg6[%parallel_loop3A_806, %parallel_loop3A_807, %parallel_loop3A_808] {strides = array<i32>} : memref<2x160x128xf32, #tpu.memory_space<vmem>>, vector<1x1x16xf32>,
        %parallel_loop3A_810 = vector.shape_cast %parallel_loop3A_809 : vector<1x1x16xf32> to vector<16xf32>
        %parallel_loop3A_811 = arith.constant 3 : i32
        %parallel_loop3A_812 = arith.addi %parallel_loop3A_316, %parallel_loop3A_811 : i32
        %parallel_loop3A_813 = arith.constant 0 : i32
        %parallel_loop3A_814 = arith.index_cast %parallel_loop3A_813 : i32 to index
        %parallel_loop3A_815 = arith.index_cast %parallel_loop3A_812 : i32 to index
        %parallel_loop3A_816 = arith.constant 80 : index
        %parallel_loop3A_817 = tpu.vector_load %arg6[%parallel_loop3A_814, %parallel_loop3A_815, %parallel_loop3A_816] {strides = array<i32>} : memref<2x160x128xf32, #tpu.memory_space<vmem>>, vector<1x1x16xf32>,
        %parallel_loop3A_818 = vector.shape_cast %parallel_loop3A_817 : vector<1x1x16xf32> to vector<16xf32>
        %parallel_loop3A_819 = arith.constant 4 : i32
        %parallel_loop3A_820 = arith.addi %parallel_loop3A_316, %parallel_loop3A_819 : i32
        %parallel_loop3A_821 = arith.constant 0 : i32
        %parallel_loop3A_822 = arith.index_cast %parallel_loop3A_821 : i32 to index
        %parallel_loop3A_823 = arith.index_cast %parallel_loop3A_820 : i32 to index
        %parallel_loop3A_824 = arith.constant 80 : index
        %parallel_loop3A_825 = tpu.vector_load %arg6[%parallel_loop3A_822, %parallel_loop3A_823, %parallel_loop3A_824] {strides = array<i32>} : memref<2x160x128xf32, #tpu.memory_space<vmem>>, vector<1x1x16xf32>,
        %parallel_loop3A_826 = vector.shape_cast %parallel_loop3A_825 : vector<1x1x16xf32> to vector<16xf32>
        %parallel_loop3A_827 = arith.constant 5 : i32
        %parallel_loop3A_828 = arith.addi %parallel_loop3A_316, %parallel_loop3A_827 : i32
        %parallel_loop3A_829 = arith.constant 0 : i32
        %parallel_loop3A_830 = arith.index_cast %parallel_loop3A_829 : i32 to index
        %parallel_loop3A_831 = arith.index_cast %parallel_loop3A_828 : i32 to index
        %parallel_loop3A_832 = arith.constant 80 : index
        %parallel_loop3A_833 = tpu.vector_load %arg6[%parallel_loop3A_830, %parallel_loop3A_831, %parallel_loop3A_832] {strides = array<i32>} : memref<2x160x128xf32, #tpu.memory_space<vmem>>, vector<1x1x16xf32>,
        %parallel_loop3A_834 = vector.shape_cast %parallel_loop3A_833 : vector<1x1x16xf32> to vector<16xf32>
        %parallel_loop3A_835 = arith.constant 6 : i32
        %parallel_loop3A_836 = arith.addi %parallel_loop3A_316, %parallel_loop3A_835 : i32
        %parallel_loop3A_837 = arith.constant 0 : i32
        %parallel_loop3A_838 = arith.index_cast %parallel_loop3A_837 : i32 to index
        %parallel_loop3A_839 = arith.index_cast %parallel_loop3A_836 : i32 to index
        %parallel_loop3A_840 = arith.constant 80 : index
        %parallel_loop3A_841 = tpu.vector_load %arg6[%parallel_loop3A_838, %parallel_loop3A_839, %parallel_loop3A_840] {strides = array<i32>} : memref<2x160x128xf32, #tpu.memory_space<vmem>>, vector<1x1x16xf32>,
        %parallel_loop3A_842 = vector.shape_cast %parallel_loop3A_841 : vector<1x1x16xf32> to vector<16xf32>
        %parallel_loop3A_843 = arith.constant 7 : i32
        %parallel_loop3A_844 = arith.addi %parallel_loop3A_316, %parallel_loop3A_843 : i32
        %parallel_loop3A_845 = arith.constant 0 : i32
        %parallel_loop3A_846 = arith.index_cast %parallel_loop3A_845 : i32 to index
        %parallel_loop3A_847 = arith.index_cast %parallel_loop3A_844 : i32 to index
        %parallel_loop3A_848 = arith.constant 80 : index
        %parallel_loop3A_849 = tpu.vector_load %arg6[%parallel_loop3A_846, %parallel_loop3A_847, %parallel_loop3A_848] {strides = array<i32>} : memref<2x160x128xf32, #tpu.memory_space<vmem>>, vector<1x1x16xf32>,
        %parallel_loop3A_850 = vector.shape_cast %parallel_loop3A_849 : vector<1x1x16xf32> to vector<16xf32>
        %parallel_loop3A_851 = arith.constant 8 : i32
        %parallel_loop3A_852 = arith.addi %parallel_loop3A_316, %parallel_loop3A_851 : i32
        %parallel_loop3A_853 = arith.constant 0 : i32
        %parallel_loop3A_854 = arith.index_cast %parallel_loop3A_853 : i32 to index
        %parallel_loop3A_855 = arith.index_cast %parallel_loop3A_852 : i32 to index
        %parallel_loop3A_856 = arith.constant 80 : index
        %parallel_loop3A_857 = tpu.vector_load %arg6[%parallel_loop3A_854, %parallel_loop3A_855, %parallel_loop3A_856] {strides = array<i32>} : memref<2x160x128xf32, #tpu.memory_space<vmem>>, vector<1x1x16xf32>,
        %parallel_loop3A_858 = vector.shape_cast %parallel_loop3A_857 : vector<1x1x16xf32> to vector<16xf32>
        %parallel_loop3A_859 = arith.constant 9 : i32
        %parallel_loop3A_860 = arith.addi %parallel_loop3A_316, %parallel_loop3A_859 : i32
        %parallel_loop3A_861 = arith.constant 0 : i32
        %parallel_loop3A_862 = arith.index_cast %parallel_loop3A_861 : i32 to index
        %parallel_loop3A_863 = arith.index_cast %parallel_loop3A_860 : i32 to index
        %parallel_loop3A_864 = arith.constant 80 : index
        %parallel_loop3A_865 = tpu.vector_load %arg6[%parallel_loop3A_862, %parallel_loop3A_863, %parallel_loop3A_864] {strides = array<i32>} : memref<2x160x128xf32, #tpu.memory_space<vmem>>, vector<1x1x16xf32>,
        %parallel_loop3A_866 = vector.shape_cast %parallel_loop3A_865 : vector<1x1x16xf32> to vector<16xf32>
        %parallel_loop3A_867 = arith.addf %parallel_loop3A_794, %parallel_loop3A_802 : vector<16xf32>
        %parallel_loop3A_868 = arith.addf %parallel_loop3A_810, %parallel_loop3A_818 : vector<16xf32>
        %parallel_loop3A_869 = arith.addf %parallel_loop3A_826, %parallel_loop3A_834 : vector<16xf32>
        %parallel_loop3A_870 = arith.addf %parallel_loop3A_842, %parallel_loop3A_850 : vector<16xf32>
        %parallel_loop3A_871 = arith.addf %parallel_loop3A_858, %parallel_loop3A_866 : vector<16xf32>
        %parallel_loop3A_872 = arith.addf %parallel_loop3A_867, %parallel_loop3A_868 : vector<16xf32>
        %parallel_loop3A_873 = arith.addf %parallel_loop3A_869, %parallel_loop3A_870 : vector<16xf32>
        %parallel_loop3A_874 = arith.addf %parallel_loop3A_872, %parallel_loop3A_873 : vector<16xf32>
        %parallel_loop3A_875 = arith.addf %parallel_loop3A_874, %parallel_loop3A_871 : vector<16xf32>
        %parallel_loop3A_876 = arith.index_cast %parallel_loop3A_314 : i32 to index
        %parallel_loop3A_877 = arith.constant 80 : index
        %parallel_loop3A_878 = tpu.vector_load %arg7[%parallel_loop3A_876, %parallel_loop3A_877] {strides = array<i32>} : memref<288x128xf32, #tpu.memory_space<vmem>>, vector<1x16xf32>,
        %parallel_loop3A_879 = vector.shape_cast %parallel_loop3A_878 : vector<1x16xf32> to vector<16xf32>
        %parallel_loop3A_880 = vector.shape_cast %parallel_loop3A_875 : vector<16xf32> to vector<1x16xf32>
        tpu.vector_store %arg7[%parallel_loop3A_876, %parallel_loop3A_877], %parallel_loop3A_880 {strides = array<i32>} : memref<288x128xf32, #tpu.memory_space<vmem>>, vector<1x16xf32>,
        %parallel_loop3A_881 = arith.constant 0 : i32
        %parallel_loop3A_882 = arith.addi %parallel_loop3A_316, %parallel_loop3A_881 : i32
        %parallel_loop3A_883 = arith.constant 0 : i32
        %parallel_loop3A_884 = arith.index_cast %parallel_loop3A_883 : i32 to index
        %parallel_loop3A_885 = arith.index_cast %parallel_loop3A_882 : i32 to index
        %parallel_loop3A_886 = arith.constant 96 : index
        %parallel_loop3A_887 = tpu.vector_load %arg6[%parallel_loop3A_884, %parallel_loop3A_885, %parallel_loop3A_886] {strides = array<i32>} : memref<2x160x128xf32, #tpu.memory_space<vmem>>, vector<1x1x16xf32>,
        %parallel_loop3A_888 = vector.shape_cast %parallel_loop3A_887 : vector<1x1x16xf32> to vector<16xf32>
        %parallel_loop3A_889 = arith.constant 1 : i32
        %parallel_loop3A_890 = arith.addi %parallel_loop3A_316, %parallel_loop3A_889 : i32
        %parallel_loop3A_891 = arith.constant 0 : i32
        %parallel_loop3A_892 = arith.index_cast %parallel_loop3A_891 : i32 to index
        %parallel_loop3A_893 = arith.index_cast %parallel_loop3A_890 : i32 to index
        %parallel_loop3A_894 = arith.constant 96 : index
        %parallel_loop3A_895 = tpu.vector_load %arg6[%parallel_loop3A_892, %parallel_loop3A_893, %parallel_loop3A_894] {strides = array<i32>} : memref<2x160x128xf32, #tpu.memory_space<vmem>>, vector<1x1x16xf32>,
        %parallel_loop3A_896 = vector.shape_cast %parallel_loop3A_895 : vector<1x1x16xf32> to vector<16xf32>
        %parallel_loop3A_897 = arith.constant 2 : i32
        %parallel_loop3A_898 = arith.addi %parallel_loop3A_316, %parallel_loop3A_897 : i32
        %parallel_loop3A_899 = arith.constant 0 : i32
        %parallel_loop3A_900 = arith.index_cast %parallel_loop3A_899 : i32 to index
        %parallel_loop3A_901 = arith.index_cast %parallel_loop3A_898 : i32 to index
        %parallel_loop3A_902 = arith.constant 96 : index
        %parallel_loop3A_903 = tpu.vector_load %arg6[%parallel_loop3A_900, %parallel_loop3A_901, %parallel_loop3A_902] {strides = array<i32>} : memref<2x160x128xf32, #tpu.memory_space<vmem>>, vector<1x1x16xf32>,
        %parallel_loop3A_904 = vector.shape_cast %parallel_loop3A_903 : vector<1x1x16xf32> to vector<16xf32>
        %parallel_loop3A_905 = arith.constant 3 : i32
        %parallel_loop3A_906 = arith.addi %parallel_loop3A_316, %parallel_loop3A_905 : i32
        %parallel_loop3A_907 = arith.constant 0 : i32
        %parallel_loop3A_908 = arith.index_cast %parallel_loop3A_907 : i32 to index
        %parallel_loop3A_909 = arith.index_cast %parallel_loop3A_906 : i32 to index
        %parallel_loop3A_910 = arith.constant 96 : index
        %parallel_loop3A_911 = tpu.vector_load %arg6[%parallel_loop3A_908, %parallel_loop3A_909, %parallel_loop3A_910] {strides = array<i32>} : memref<2x160x128xf32, #tpu.memory_space<vmem>>, vector<1x1x16xf32>,
        %parallel_loop3A_912 = vector.shape_cast %parallel_loop3A_911 : vector<1x1x16xf32> to vector<16xf32>
        %parallel_loop3A_913 = arith.constant 4 : i32
        %parallel_loop3A_914 = arith.addi %parallel_loop3A_316, %parallel_loop3A_913 : i32
        %parallel_loop3A_915 = arith.constant 0 : i32
        %parallel_loop3A_916 = arith.index_cast %parallel_loop3A_915 : i32 to index
        %parallel_loop3A_917 = arith.index_cast %parallel_loop3A_914 : i32 to index
        %parallel_loop3A_918 = arith.constant 96 : index
        %parallel_loop3A_919 = tpu.vector_load %arg6[%parallel_loop3A_916, %parallel_loop3A_917, %parallel_loop3A_918] {strides = array<i32>} : memref<2x160x128xf32, #tpu.memory_space<vmem>>, vector<1x1x16xf32>,
        %parallel_loop3A_920 = vector.shape_cast %parallel_loop3A_919 : vector<1x1x16xf32> to vector<16xf32>
        %parallel_loop3A_921 = arith.constant 5 : i32
        %parallel_loop3A_922 = arith.addi %parallel_loop3A_316, %parallel_loop3A_921 : i32
        %parallel_loop3A_923 = arith.constant 0 : i32
        %parallel_loop3A_924 = arith.index_cast %parallel_loop3A_923 : i32 to index
        %parallel_loop3A_925 = arith.index_cast %parallel_loop3A_922 : i32 to index
        %parallel_loop3A_926 = arith.constant 96 : index
        %parallel_loop3A_927 = tpu.vector_load %arg6[%parallel_loop3A_924, %parallel_loop3A_925, %parallel_loop3A_926] {strides = array<i32>} : memref<2x160x128xf32, #tpu.memory_space<vmem>>, vector<1x1x16xf32>,
        %parallel_loop3A_928 = vector.shape_cast %parallel_loop3A_927 : vector<1x1x16xf32> to vector<16xf32>
        %parallel_loop3A_929 = arith.constant 6 : i32
        %parallel_loop3A_930 = arith.addi %parallel_loop3A_316, %parallel_loop3A_929 : i32
        %parallel_loop3A_931 = arith.constant 0 : i32
        %parallel_loop3A_932 = arith.index_cast %parallel_loop3A_931 : i32 to index
        %parallel_loop3A_933 = arith.index_cast %parallel_loop3A_930 : i32 to index
        %parallel_loop3A_934 = arith.constant 96 : index
        %parallel_loop3A_935 = tpu.vector_load %arg6[%parallel_loop3A_932, %parallel_loop3A_933, %parallel_loop3A_934] {strides = array<i32>} : memref<2x160x128xf32, #tpu.memory_space<vmem>>, vector<1x1x16xf32>,
        %parallel_loop3A_936 = vector.shape_cast %parallel_loop3A_935 : vector<1x1x16xf32> to vector<16xf32>
        %parallel_loop3A_937 = arith.constant 7 : i32
        %parallel_loop3A_938 = arith.addi %parallel_loop3A_316, %parallel_loop3A_937 : i32
        %parallel_loop3A_939 = arith.constant 0 : i32
        %parallel_loop3A_940 = arith.index_cast %parallel_loop3A_939 : i32 to index
        %parallel_loop3A_941 = arith.index_cast %parallel_loop3A_938 : i32 to index
        %parallel_loop3A_942 = arith.constant 96 : index
        %parallel_loop3A_943 = tpu.vector_load %arg6[%parallel_loop3A_940, %parallel_loop3A_941, %parallel_loop3A_942] {strides = array<i32>} : memref<2x160x128xf32, #tpu.memory_space<vmem>>, vector<1x1x16xf32>,
        %parallel_loop3A_944 = vector.shape_cast %parallel_loop3A_943 : vector<1x1x16xf32> to vector<16xf32>
        %parallel_loop3A_945 = arith.constant 8 : i32
        %parallel_loop3A_946 = arith.addi %parallel_loop3A_316, %parallel_loop3A_945 : i32
        %parallel_loop3A_947 = arith.constant 0 : i32
        %parallel_loop3A_948 = arith.index_cast %parallel_loop3A_947 : i32 to index
        %parallel_loop3A_949 = arith.index_cast %parallel_loop3A_946 : i32 to index
        %parallel_loop3A_950 = arith.constant 96 : index
        %parallel_loop3A_951 = tpu.vector_load %arg6[%parallel_loop3A_948, %parallel_loop3A_949, %parallel_loop3A_950] {strides = array<i32>} : memref<2x160x128xf32, #tpu.memory_space<vmem>>, vector<1x1x16xf32>,
        %parallel_loop3A_952 = vector.shape_cast %parallel_loop3A_951 : vector<1x1x16xf32> to vector<16xf32>
        %parallel_loop3A_953 = arith.constant 9 : i32
        %parallel_loop3A_954 = arith.addi %parallel_loop3A_316, %parallel_loop3A_953 : i32
        %parallel_loop3A_955 = arith.constant 0 : i32
        %parallel_loop3A_956 = arith.index_cast %parallel_loop3A_955 : i32 to index
        %parallel_loop3A_957 = arith.index_cast %parallel_loop3A_954 : i32 to index
        %parallel_loop3A_958 = arith.constant 96 : index
        %parallel_loop3A_959 = tpu.vector_load %arg6[%parallel_loop3A_956, %parallel_loop3A_957, %parallel_loop3A_958] {strides = array<i32>} : memref<2x160x128xf32, #tpu.memory_space<vmem>>, vector<1x1x16xf32>,
        %parallel_loop3A_960 = vector.shape_cast %parallel_loop3A_959 : vector<1x1x16xf32> to vector<16xf32>
        %parallel_loop3A_961 = arith.addf %parallel_loop3A_888, %parallel_loop3A_896 : vector<16xf32>
        %parallel_loop3A_962 = arith.addf %parallel_loop3A_904, %parallel_loop3A_912 : vector<16xf32>
        %parallel_loop3A_963 = arith.addf %parallel_loop3A_920, %parallel_loop3A_928 : vector<16xf32>
        %parallel_loop3A_964 = arith.addf %parallel_loop3A_936, %parallel_loop3A_944 : vector<16xf32>
        %parallel_loop3A_965 = arith.addf %parallel_loop3A_952, %parallel_loop3A_960 : vector<16xf32>
        %parallel_loop3A_966 = arith.addf %parallel_loop3A_961, %parallel_loop3A_962 : vector<16xf32>
        %parallel_loop3A_967 = arith.addf %parallel_loop3A_963, %parallel_loop3A_964 : vector<16xf32>
        %parallel_loop3A_968 = arith.addf %parallel_loop3A_966, %parallel_loop3A_967 : vector<16xf32>
        %parallel_loop3A_969 = arith.addf %parallel_loop3A_968, %parallel_loop3A_965 : vector<16xf32>
        %parallel_loop3A_970 = arith.index_cast %parallel_loop3A_314 : i32 to index
        %parallel_loop3A_971 = arith.constant 96 : index
        %parallel_loop3A_972 = tpu.vector_load %arg7[%parallel_loop3A_970, %parallel_loop3A_971] {strides = array<i32>} : memref<288x128xf32, #tpu.memory_space<vmem>>, vector<1x16xf32>,
        %parallel_loop3A_973 = vector.shape_cast %parallel_loop3A_972 : vector<1x16xf32> to vector<16xf32>
        %parallel_loop3A_974 = vector.shape_cast %parallel_loop3A_969 : vector<16xf32> to vector<1x16xf32>
        tpu.vector_store %arg7[%parallel_loop3A_970, %parallel_loop3A_971], %parallel_loop3A_974 {strides = array<i32>} : memref<288x128xf32, #tpu.memory_space<vmem>>, vector<1x16xf32>,
        %parallel_loop3A_975 = arith.constant 0 : i32
        %parallel_loop3A_976 = arith.addi %parallel_loop3A_316, %parallel_loop3A_975 : i32
        %parallel_loop3A_977 = arith.constant 0 : i32
        %parallel_loop3A_978 = arith.index_cast %parallel_loop3A_977 : i32 to index
        %parallel_loop3A_979 = arith.index_cast %parallel_loop3A_976 : i32 to index
        %parallel_loop3A_980 = arith.constant 112 : index
        %parallel_loop3A_981 = tpu.vector_load %arg6[%parallel_loop3A_978, %parallel_loop3A_979, %parallel_loop3A_980] {strides = array<i32>} : memref<2x160x128xf32, #tpu.memory_space<vmem>>, vector<1x1x16xf32>,
        %parallel_loop3A_982 = vector.shape_cast %parallel_loop3A_981 : vector<1x1x16xf32> to vector<16xf32>
        %parallel_loop3A_983 = arith.constant 1 : i32
        %parallel_loop3A_984 = arith.addi %parallel_loop3A_316, %parallel_loop3A_983 : i32
        %parallel_loop3A_985 = arith.constant 0 : i32
        %parallel_loop3A_986 = arith.index_cast %parallel_loop3A_985 : i32 to index
        %parallel_loop3A_987 = arith.index_cast %parallel_loop3A_984 : i32 to index
        %parallel_loop3A_988 = arith.constant 112 : index
        %parallel_loop3A_989 = tpu.vector_load %arg6[%parallel_loop3A_986, %parallel_loop3A_987, %parallel_loop3A_988] {strides = array<i32>} : memref<2x160x128xf32, #tpu.memory_space<vmem>>, vector<1x1x16xf32>,
        %parallel_loop3A_990 = vector.shape_cast %parallel_loop3A_989 : vector<1x1x16xf32> to vector<16xf32>
        %parallel_loop3A_991 = arith.constant 2 : i32
        %parallel_loop3A_992 = arith.addi %parallel_loop3A_316, %parallel_loop3A_991 : i32
        %parallel_loop3A_993 = arith.constant 0 : i32
        %parallel_loop3A_994 = arith.index_cast %parallel_loop3A_993 : i32 to index
        %parallel_loop3A_995 = arith.index_cast %parallel_loop3A_992 : i32 to index
        %parallel_loop3A_996 = arith.constant 112 : index
        %parallel_loop3A_997 = tpu.vector_load %arg6[%parallel_loop3A_994, %parallel_loop3A_995, %parallel_loop3A_996] {strides = array<i32>} : memref<2x160x128xf32, #tpu.memory_space<vmem>>, vector<1x1x16xf32>,
        %parallel_loop3A_998 = vector.shape_cast %parallel_loop3A_997 : vector<1x1x16xf32> to vector<16xf32>
        %parallel_loop3A_999 = arith.constant 3 : i32
        %parallel_loop3A_1000 = arith.addi %parallel_loop3A_316, %parallel_loop3A_999 : i32
        %parallel_loop3A_1001 = arith.constant 0 : i32
        %parallel_loop3A_1002 = arith.index_cast %parallel_loop3A_1001 : i32 to index
        %parallel_loop3A_1003 = arith.index_cast %parallel_loop3A_1000 : i32 to index
        %parallel_loop3A_1004 = arith.constant 112 : index
        %parallel_loop3A_1005 = tpu.vector_load %arg6[%parallel_loop3A_1002, %parallel_loop3A_1003, %parallel_loop3A_1004] {strides = array<i32>} : memref<2x160x128xf32, #tpu.memory_space<vmem>>, vector<1x1x16xf32>,
        %parallel_loop3A_1006 = vector.shape_cast %parallel_loop3A_1005 : vector<1x1x16xf32> to vector<16xf32>
        %parallel_loop3A_1007 = arith.constant 4 : i32
        %parallel_loop3A_1008 = arith.addi %parallel_loop3A_316, %parallel_loop3A_1007 : i32
        %parallel_loop3A_1009 = arith.constant 0 : i32
        %parallel_loop3A_1010 = arith.index_cast %parallel_loop3A_1009 : i32 to index
        %parallel_loop3A_1011 = arith.index_cast %parallel_loop3A_1008 : i32 to index
        %parallel_loop3A_1012 = arith.constant 112 : index
        %parallel_loop3A_1013 = tpu.vector_load %arg6[%parallel_loop3A_1010, %parallel_loop3A_1011, %parallel_loop3A_1012] {strides = array<i32>} : memref<2x160x128xf32, #tpu.memory_space<vmem>>, vector<1x1x16xf32>,
        %parallel_loop3A_1014 = vector.shape_cast %parallel_loop3A_1013 : vector<1x1x16xf32> to vector<16xf32>
        %parallel_loop3A_1015 = arith.constant 5 : i32
        %parallel_loop3A_1016 = arith.addi %parallel_loop3A_316, %parallel_loop3A_1015 : i32
        %parallel_loop3A_1017 = arith.constant 0 : i32
        %parallel_loop3A_1018 = arith.index_cast %parallel_loop3A_1017 : i32 to index
        %parallel_loop3A_1019 = arith.index_cast %parallel_loop3A_1016 : i32 to index
        %parallel_loop3A_1020 = arith.constant 112 : index
        %parallel_loop3A_1021 = tpu.vector_load %arg6[%parallel_loop3A_1018, %parallel_loop3A_1019, %parallel_loop3A_1020] {strides = array<i32>} : memref<2x160x128xf32, #tpu.memory_space<vmem>>, vector<1x1x16xf32>,
        %parallel_loop3A_1022 = vector.shape_cast %parallel_loop3A_1021 : vector<1x1x16xf32> to vector<16xf32>
        %parallel_loop3A_1023 = arith.constant 6 : i32
        %parallel_loop3A_1024 = arith.addi %parallel_loop3A_316, %parallel_loop3A_1023 : i32
        %parallel_loop3A_1025 = arith.constant 0 : i32
        %parallel_loop3A_1026 = arith.index_cast %parallel_loop3A_1025 : i32 to index
        %parallel_loop3A_1027 = arith.index_cast %parallel_loop3A_1024 : i32 to index
        %parallel_loop3A_1028 = arith.constant 112 : index
        %parallel_loop3A_1029 = tpu.vector_load %arg6[%parallel_loop3A_1026, %parallel_loop3A_1027, %parallel_loop3A_1028] {strides = array<i32>} : memref<2x160x128xf32, #tpu.memory_space<vmem>>, vector<1x1x16xf32>,
        %parallel_loop3A_1030 = vector.shape_cast %parallel_loop3A_1029 : vector<1x1x16xf32> to vector<16xf32>
        %parallel_loop3A_1031 = arith.constant 7 : i32
        %parallel_loop3A_1032 = arith.addi %parallel_loop3A_316, %parallel_loop3A_1031 : i32
        %parallel_loop3A_1033 = arith.constant 0 : i32
        %parallel_loop3A_1034 = arith.index_cast %parallel_loop3A_1033 : i32 to index
        %parallel_loop3A_1035 = arith.index_cast %parallel_loop3A_1032 : i32 to index
        %parallel_loop3A_1036 = arith.constant 112 : index
        %parallel_loop3A_1037 = tpu.vector_load %arg6[%parallel_loop3A_1034, %parallel_loop3A_1035, %parallel_loop3A_1036] {strides = array<i32>} : memref<2x160x128xf32, #tpu.memory_space<vmem>>, vector<1x1x16xf32>,
        %parallel_loop3A_1038 = vector.shape_cast %parallel_loop3A_1037 : vector<1x1x16xf32> to vector<16xf32>
        %parallel_loop3A_1039 = arith.constant 8 : i32
        %parallel_loop3A_1040 = arith.addi %parallel_loop3A_316, %parallel_loop3A_1039 : i32
        %parallel_loop3A_1041 = arith.constant 0 : i32
        %parallel_loop3A_1042 = arith.index_cast %parallel_loop3A_1041 : i32 to index
        %parallel_loop3A_1043 = arith.index_cast %parallel_loop3A_1040 : i32 to index
        %parallel_loop3A_1044 = arith.constant 112 : index
        %parallel_loop3A_1045 = tpu.vector_load %arg6[%parallel_loop3A_1042, %parallel_loop3A_1043, %parallel_loop3A_1044] {strides = array<i32>} : memref<2x160x128xf32, #tpu.memory_space<vmem>>, vector<1x1x16xf32>,
        %parallel_loop3A_1046 = vector.shape_cast %parallel_loop3A_1045 : vector<1x1x16xf32> to vector<16xf32>
        %parallel_loop3A_1047 = arith.constant 9 : i32
        %parallel_loop3A_1048 = arith.addi %parallel_loop3A_316, %parallel_loop3A_1047 : i32
        %parallel_loop3A_1049 = arith.constant 0 : i32
        %parallel_loop3A_1050 = arith.index_cast %parallel_loop3A_1049 : i32 to index
        %parallel_loop3A_1051 = arith.index_cast %parallel_loop3A_1048 : i32 to index
        %parallel_loop3A_1052 = arith.constant 112 : index
        %parallel_loop3A_1053 = tpu.vector_load %arg6[%parallel_loop3A_1050, %parallel_loop3A_1051, %parallel_loop3A_1052] {strides = array<i32>} : memref<2x160x128xf32, #tpu.memory_space<vmem>>, vector<1x1x16xf32>,
        %parallel_loop3A_1054 = vector.shape_cast %parallel_loop3A_1053 : vector<1x1x16xf32> to vector<16xf32>
        %parallel_loop3A_1055 = arith.addf %parallel_loop3A_982, %parallel_loop3A_990 : vector<16xf32>
        %parallel_loop3A_1056 = arith.addf %parallel_loop3A_998, %parallel_loop3A_1006 : vector<16xf32>
        %parallel_loop3A_1057 = arith.addf %parallel_loop3A_1014, %parallel_loop3A_1022 : vector<16xf32>
        %parallel_loop3A_1058 = arith.addf %parallel_loop3A_1030, %parallel_loop3A_1038 : vector<16xf32>
        %parallel_loop3A_1059 = arith.addf %parallel_loop3A_1046, %parallel_loop3A_1054 : vector<16xf32>
        %parallel_loop3A_1060 = arith.addf %parallel_loop3A_1055, %parallel_loop3A_1056 : vector<16xf32>
        %parallel_loop3A_1061 = arith.addf %parallel_loop3A_1057, %parallel_loop3A_1058 : vector<16xf32>
        %parallel_loop3A_1062 = arith.addf %parallel_loop3A_1060, %parallel_loop3A_1061 : vector<16xf32>
        %parallel_loop3A_1063 = arith.addf %parallel_loop3A_1062, %parallel_loop3A_1059 : vector<16xf32>
        %parallel_loop3A_1064 = arith.index_cast %parallel_loop3A_314 : i32 to index
        %parallel_loop3A_1065 = arith.constant 112 : index
        %parallel_loop3A_1066 = tpu.vector_load %arg7[%parallel_loop3A_1064, %parallel_loop3A_1065] {strides = array<i32>} : memref<288x128xf32, #tpu.memory_space<vmem>>, vector<1x16xf32>,
        %parallel_loop3A_1067 = vector.shape_cast %parallel_loop3A_1066 : vector<1x16xf32> to vector<16xf32>
        %parallel_loop3A_1068 = vector.shape_cast %parallel_loop3A_1063 : vector<16xf32> to vector<1x16xf32>
        tpu.vector_store %arg7[%parallel_loop3A_1064, %parallel_loop3A_1065], %parallel_loop3A_1068 {strides = array<i32>} : memref<288x128xf32, #tpu.memory_space<vmem>>, vector<1x16xf32>,
      } {sc.loop_unroll_factor = 2 : i64, sc.parallel_access}
      %add3A_239 = arith.constant 2 : i32
      %add3A_240 = arith.addi %add3A_221, %add3A_239 : i32
      %rem3A_241 = arith.constant 18 : i32
      %rem3A_242 = arith.remsi %add3A_240, %rem3A_241 : i32
      %mul3A_243 = arith.constant 160 : i32
      %mul3A_244 = arith.muli %rem3A_242, %mul3A_243 : i32
      %dma_start3A_245 = arith.constant 0 : i32
      %dma_start3A_246 = arith.constant 0 : i32
      %dma_start3A_247 = arith.constant 0 : i32
      %dma_start3A_248 = tpu.memref_slice %arg6[%dma_start3A_245, %dma_start3A_246, %dma_start3A_247] : memref<2x160x128xf32, #tpu.memory_space<vmem>> -> memref<1x128x128xf32, #tpu.memory_space<vmem>>
      %dma_start3A_249 = tpu.memref_squeeze %dma_start3A_248 : memref<1x128x128xf32, #tpu.memory_space<vmem>> -> memref<128x128xf32, #tpu.memory_space<vmem>>
      %dma_start3A_250 = tpu.memref_slice %arg5[%mul3A_244] : memref<2880xi32, #tpu.memory_space<vmem>> -> memref<128xi32, #tpu.memory_space<vmem>>
      %dma_start3A_251 = arith.constant 0 : i32
      %dma_start3A_252 = arith.constant 0 : i32
      %dma_start3A_253 = tpu.memref_slice %arg2[%dma_start3A_251, %dma_start3A_252] : memref<5000x128xf32, #tpu.memory_space<hbm>> -> memref<5000x128xf32, #tpu.memory_space<hbm>>
      tpu.enqueue_indirect_dma source(%dma_start3A_253 : memref<5000x128xf32, #tpu.memory_space<hbm>>) target(%dma_start3A_249 : memref<128x128xf32, #tpu.memory_space<vmem>>) offsets(%dma_start3A_250 : memref<128xi32, #tpu.memory_space<vmem>>) semaphore(%arg8 : memref<!tpu.dma_semaphore, #tpu.memory_space<semaphore_mem>>)
      %add3A_254 = arith.constant 128 : i32
      %add3A_255 = arith.addi %mul3A_244, %add3A_254 : i32
      %dma_start3A_256 = arith.constant 0 : i32
      %dma_start3A_257 = arith.constant 128 : i32
      %dma_start3A_258 = arith.constant 0 : i32
      %dma_start3A_259 = tpu.memref_slice %arg6[%dma_start3A_256, %dma_start3A_257, %dma_start3A_258] : memref<2x160x128xf32, #tpu.memory_space<vmem>> -> memref<1x32x128xf32, #tpu.memory_space<vmem>>
      %dma_start3A_260 = tpu.memref_squeeze %dma_start3A_259 : memref<1x32x128xf32, #tpu.memory_space<vmem>> -> memref<32x128xf32, #tpu.memory_space<vmem>>
      %dma_start3A_261 = tpu.memref_slice %arg5[%add3A_255] : memref<2880xi32, #tpu.memory_space<vmem>> -> memref<32xi32, #tpu.memory_space<vmem>>
      %dma_start3A_262 = arith.constant 0 : i32
      %dma_start3A_263 = arith.constant 0 : i32
      %dma_start3A_264 = tpu.memref_slice %arg2[%dma_start3A_262, %dma_start3A_263] : memref<5000x128xf32, #tpu.memory_space<hbm>> -> memref<5000x128xf32, #tpu.memory_space<hbm>>
      tpu.enqueue_indirect_dma source(%dma_start3A_264 : memref<5000x128xf32, #tpu.memory_space<hbm>>) target(%dma_start3A_260 : memref<32x128xf32, #tpu.memory_space<vmem>>) offsets(%dma_start3A_261 : memref<32xi32, #tpu.memory_space<vmem>>) semaphore(%arg8 : memref<!tpu.dma_semaphore, #tpu.memory_space<semaphore_mem>>)
      %add3A_265 = arith.constant 1 : i32
      %add3A_266 = arith.addi %add3A_219, %add3A_265 : i32
      %dma_wait3A_267 = arith.constant 1 : i32
      %dma_wait3A_268 = arith.constant 0 : i32
      %dma_wait3A_269 = arith.constant 0 : i32
      %dma_wait3A_270 = tpu.memref_slice %arg6[%dma_wait3A_267, %dma_wait3A_268, %dma_wait3A_269] : memref<2x160x128xf32, #tpu.memory_space<vmem>> -> memref<1x160x128xf32, #tpu.memory_space<vmem>>
      %dma_wait3A_271 = tpu.memref_squeeze %dma_wait3A_270 : memref<1x160x128xf32, #tpu.memory_space<vmem>> -> memref<160x128xf32, #tpu.memory_space<vmem>>
      %dma_wait3A_272 = arith.constant 0 : i32
      %dma_wait3A_273 = arith.constant 0 : i32
      %dma_wait3A_274 = tpu.memref_slice %arg2[%dma_wait3A_272, %dma_wait3A_273] : memref<5000x128xf32, #tpu.memory_space<hbm>> -> memref<160x128xf32, #tpu.memory_space<hbm>>
      %dma_wait3A_275 = arith.constant 0 : i32
      %dma_wait3A_276 = arith.constant 0 : i32
      %dma_wait3A_277 = tpu.memref_slice %arg6[%dma_wait3A_267, %dma_wait3A_275, %dma_wait3A_276] : memref<2x160x128xf32, #tpu.memory_space<vmem>> -> memref<1x160x128xf32, #tpu.memory_space<vmem>>
      %dma_wait3A_278 = tpu.memref_squeeze %dma_wait3A_277 : memref<1x160x128xf32, #tpu.memory_space<vmem>> -> memref<160x128xf32, #tpu.memory_space<vmem>>
      %dma_wait3A_279 = arith.constant 0 : i32
      %dma_wait3A_280 = arith.constant 0 : i32
      %dma_wait3A_281 = tpu.memref_slice %arg2[%dma_wait3A_279, %dma_wait3A_280] : memref<5000x128xf32, #tpu.memory_space<hbm>> -> memref<160x128xf32, #tpu.memory_space<hbm>>
      tpu.wait_dma2 semaphore(%arg9 : memref<!tpu.dma_semaphore, #tpu.memory_space<semaphore_mem>>) src(%dma_wait3A_281 : memref<160x128xf32, #tpu.memory_space<hbm>>) dst(%dma_wait3A_278 : memref<160x128xf32, #tpu.memory_space<vmem>>)
      %parallel_loop3A_282 = arith.constant 0 : i32
      %parallel_loop3A_283 = arith.constant 16 : i32
      %parallel_loop3A_284 = arith.constant 1 : i32
      scf.for %parallel_loop3A_311 = %parallel_loop3A_282 to %parallel_loop3A_283 step %parallel_loop3A_284  : i32 {
        %parallel_loop3A_312 = arith.constant 16 : i32
        %parallel_loop3A_313 = arith.muli %add3A_266, %parallel_loop3A_312 : i32
        %parallel_loop3A_314 = arith.addi %parallel_loop3A_313, %parallel_loop3A_311 : i32
        %parallel_loop3A_315 = arith.constant 10 : i32
        %parallel_loop3A_316 = arith.muli %parallel_loop3A_315, %parallel_loop3A_311 : i32
        %parallel_loop3A_317 = arith.constant 0 : i32
        %parallel_loop3A_318 = arith.addi %parallel_loop3A_316, %parallel_loop3A_317 : i32
        %parallel_loop3A_319 = arith.constant 1 : i32
        %parallel_loop3A_320 = arith.index_cast %parallel_loop3A_319 : i32 to index
        %parallel_loop3A_321 = arith.index_cast %parallel_loop3A_318 : i32 to index
        %parallel_loop3A_322 = arith.constant 0 : index
        %parallel_loop3A_323 = tpu.vector_load %arg6[%parallel_loop3A_320, %parallel_loop3A_321, %parallel_loop3A_322] {strides = array<i32>} : memref<2x160x128xf32, #tpu.memory_space<vmem>>, vector<1x1x16xf32>,
        %parallel_loop3A_324 = vector.shape_cast %parallel_loop3A_323 : vector<1x1x16xf32> to vector<16xf32>
        %parallel_loop3A_325 = arith.constant 1 : i32
        %parallel_loop3A_326 = arith.addi %parallel_loop3A_316, %parallel_loop3A_325 : i32
        %parallel_loop3A_327 = arith.constant 1 : i32
        %parallel_loop3A_328 = arith.index_cast %parallel_loop3A_327 : i32 to index
        %parallel_loop3A_329 = arith.index_cast %parallel_loop3A_326 : i32 to index
        %parallel_loop3A_330 = arith.constant 0 : index
        %parallel_loop3A_331 = tpu.vector_load %arg6[%parallel_loop3A_328, %parallel_loop3A_329, %parallel_loop3A_330] {strides = array<i32>} : memref<2x160x128xf32, #tpu.memory_space<vmem>>, vector<1x1x16xf32>,
        %parallel_loop3A_332 = vector.shape_cast %parallel_loop3A_331 : vector<1x1x16xf32> to vector<16xf32>
        %parallel_loop3A_333 = arith.constant 2 : i32
        %parallel_loop3A_334 = arith.addi %parallel_loop3A_316, %parallel_loop3A_333 : i32
        %parallel_loop3A_335 = arith.constant 1 : i32
        %parallel_loop3A_336 = arith.index_cast %parallel_loop3A_335 : i32 to index
        %parallel_loop3A_337 = arith.index_cast %parallel_loop3A_334 : i32 to index
        %parallel_loop3A_338 = arith.constant 0 : index
        %parallel_loop3A_339 = tpu.vector_load %arg6[%parallel_loop3A_336, %parallel_loop3A_337, %parallel_loop3A_338] {strides = array<i32>} : memref<2x160x128xf32, #tpu.memory_space<vmem>>, vector<1x1x16xf32>,
        %parallel_loop3A_340 = vector.shape_cast %parallel_loop3A_339 : vector<1x1x16xf32> to vector<16xf32>
        %parallel_loop3A_341 = arith.constant 3 : i32
        %parallel_loop3A_342 = arith.addi %parallel_loop3A_316, %parallel_loop3A_341 : i32
        %parallel_loop3A_343 = arith.constant 1 : i32
        %parallel_loop3A_344 = arith.index_cast %parallel_loop3A_343 : i32 to index
        %parallel_loop3A_345 = arith.index_cast %parallel_loop3A_342 : i32 to index
        %parallel_loop3A_346 = arith.constant 0 : index
        %parallel_loop3A_347 = tpu.vector_load %arg6[%parallel_loop3A_344, %parallel_loop3A_345, %parallel_loop3A_346] {strides = array<i32>} : memref<2x160x128xf32, #tpu.memory_space<vmem>>, vector<1x1x16xf32>,
        %parallel_loop3A_348 = vector.shape_cast %parallel_loop3A_347 : vector<1x1x16xf32> to vector<16xf32>
        %parallel_loop3A_349 = arith.constant 4 : i32
        %parallel_loop3A_350 = arith.addi %parallel_loop3A_316, %parallel_loop3A_349 : i32
        %parallel_loop3A_351 = arith.constant 1 : i32
        %parallel_loop3A_352 = arith.index_cast %parallel_loop3A_351 : i32 to index
        %parallel_loop3A_353 = arith.index_cast %parallel_loop3A_350 : i32 to index
        %parallel_loop3A_354 = arith.constant 0 : index
        %parallel_loop3A_355 = tpu.vector_load %arg6[%parallel_loop3A_352, %parallel_loop3A_353, %parallel_loop3A_354] {strides = array<i32>} : memref<2x160x128xf32, #tpu.memory_space<vmem>>, vector<1x1x16xf32>,
        %parallel_loop3A_356 = vector.shape_cast %parallel_loop3A_355 : vector<1x1x16xf32> to vector<16xf32>
        %parallel_loop3A_357 = arith.constant 5 : i32
        %parallel_loop3A_358 = arith.addi %parallel_loop3A_316, %parallel_loop3A_357 : i32
        %parallel_loop3A_359 = arith.constant 1 : i32
        %parallel_loop3A_360 = arith.index_cast %parallel_loop3A_359 : i32 to index
        %parallel_loop3A_361 = arith.index_cast %parallel_loop3A_358 : i32 to index
        %parallel_loop3A_362 = arith.constant 0 : index
        %parallel_loop3A_363 = tpu.vector_load %arg6[%parallel_loop3A_360, %parallel_loop3A_361, %parallel_loop3A_362] {strides = array<i32>} : memref<2x160x128xf32, #tpu.memory_space<vmem>>, vector<1x1x16xf32>,
        %parallel_loop3A_364 = vector.shape_cast %parallel_loop3A_363 : vector<1x1x16xf32> to vector<16xf32>
        %parallel_loop3A_365 = arith.constant 6 : i32
        %parallel_loop3A_366 = arith.addi %parallel_loop3A_316, %parallel_loop3A_365 : i32
        %parallel_loop3A_367 = arith.constant 1 : i32
        %parallel_loop3A_368 = arith.index_cast %parallel_loop3A_367 : i32 to index
        %parallel_loop3A_369 = arith.index_cast %parallel_loop3A_366 : i32 to index
        %parallel_loop3A_370 = arith.constant 0 : index
        %parallel_loop3A_371 = tpu.vector_load %arg6[%parallel_loop3A_368, %parallel_loop3A_369, %parallel_loop3A_370] {strides = array<i32>} : memref<2x160x128xf32, #tpu.memory_space<vmem>>, vector<1x1x16xf32>,
        %parallel_loop3A_372 = vector.shape_cast %parallel_loop3A_371 : vector<1x1x16xf32> to vector<16xf32>
        %parallel_loop3A_373 = arith.constant 7 : i32
        %parallel_loop3A_374 = arith.addi %parallel_loop3A_316, %parallel_loop3A_373 : i32
        %parallel_loop3A_375 = arith.constant 1 : i32
        %parallel_loop3A_376 = arith.index_cast %parallel_loop3A_375 : i32 to index
        %parallel_loop3A_377 = arith.index_cast %parallel_loop3A_374 : i32 to index
        %parallel_loop3A_378 = arith.constant 0 : index
        %parallel_loop3A_379 = tpu.vector_load %arg6[%parallel_loop3A_376, %parallel_loop3A_377, %parallel_loop3A_378] {strides = array<i32>} : memref<2x160x128xf32, #tpu.memory_space<vmem>>, vector<1x1x16xf32>,
        %parallel_loop3A_380 = vector.shape_cast %parallel_loop3A_379 : vector<1x1x16xf32> to vector<16xf32>
        %parallel_loop3A_381 = arith.constant 8 : i32
        %parallel_loop3A_382 = arith.addi %parallel_loop3A_316, %parallel_loop3A_381 : i32
        %parallel_loop3A_383 = arith.constant 1 : i32
        %parallel_loop3A_384 = arith.index_cast %parallel_loop3A_383 : i32 to index
        %parallel_loop3A_385 = arith.index_cast %parallel_loop3A_382 : i32 to index
        %parallel_loop3A_386 = arith.constant 0 : index
        %parallel_loop3A_387 = tpu.vector_load %arg6[%parallel_loop3A_384, %parallel_loop3A_385, %parallel_loop3A_386] {strides = array<i32>} : memref<2x160x128xf32, #tpu.memory_space<vmem>>, vector<1x1x16xf32>,
        %parallel_loop3A_388 = vector.shape_cast %parallel_loop3A_387 : vector<1x1x16xf32> to vector<16xf32>
        %parallel_loop3A_389 = arith.constant 9 : i32
        %parallel_loop3A_390 = arith.addi %parallel_loop3A_316, %parallel_loop3A_389 : i32
        %parallel_loop3A_391 = arith.constant 1 : i32
        %parallel_loop3A_392 = arith.index_cast %parallel_loop3A_391 : i32 to index
        %parallel_loop3A_393 = arith.index_cast %parallel_loop3A_390 : i32 to index
        %parallel_loop3A_394 = arith.constant 0 : index
        %parallel_loop3A_395 = tpu.vector_load %arg6[%parallel_loop3A_392, %parallel_loop3A_393, %parallel_loop3A_394] {strides = array<i32>} : memref<2x160x128xf32, #tpu.memory_space<vmem>>, vector<1x1x16xf32>,
        %parallel_loop3A_396 = vector.shape_cast %parallel_loop3A_395 : vector<1x1x16xf32> to vector<16xf32>
        %parallel_loop3A_397 = arith.addf %parallel_loop3A_324, %parallel_loop3A_332 : vector<16xf32>
        %parallel_loop3A_398 = arith.addf %parallel_loop3A_340, %parallel_loop3A_348 : vector<16xf32>
        %parallel_loop3A_399 = arith.addf %parallel_loop3A_356, %parallel_loop3A_364 : vector<16xf32>
        %parallel_loop3A_400 = arith.addf %parallel_loop3A_372, %parallel_loop3A_380 : vector<16xf32>
        %parallel_loop3A_401 = arith.addf %parallel_loop3A_388, %parallel_loop3A_396 : vector<16xf32>
        %parallel_loop3A_402 = arith.addf %parallel_loop3A_397, %parallel_loop3A_398 : vector<16xf32>
        %parallel_loop3A_403 = arith.addf %parallel_loop3A_399, %parallel_loop3A_400 : vector<16xf32>
        %parallel_loop3A_404 = arith.addf %parallel_loop3A_402, %parallel_loop3A_403 : vector<16xf32>
        %parallel_loop3A_405 = arith.addf %parallel_loop3A_404, %parallel_loop3A_401 : vector<16xf32>
        %parallel_loop3A_406 = arith.index_cast %parallel_loop3A_314 : i32 to index
        %parallel_loop3A_407 = arith.constant 0 : index
        %parallel_loop3A_408 = tpu.vector_load %arg7[%parallel_loop3A_406, %parallel_loop3A_407] {strides = array<i32>} : memref<288x128xf32, #tpu.memory_space<vmem>>, vector<1x16xf32>,
        %parallel_loop3A_409 = vector.shape_cast %parallel_loop3A_408 : vector<1x16xf32> to vector<16xf32>
        %parallel_loop3A_410 = vector.shape_cast %parallel_loop3A_405 : vector<16xf32> to vector<1x16xf32>
        tpu.vector_store %arg7[%parallel_loop3A_406, %parallel_loop3A_407], %parallel_loop3A_410 {strides = array<i32>} : memref<288x128xf32, #tpu.memory_space<vmem>>, vector<1x16xf32>,
        %parallel_loop3A_411 = arith.constant 0 : i32
        %parallel_loop3A_412 = arith.addi %parallel_loop3A_316, %parallel_loop3A_411 : i32
        %parallel_loop3A_413 = arith.constant 1 : i32
        %parallel_loop3A_414 = arith.index_cast %parallel_loop3A_413 : i32 to index
        %parallel_loop3A_415 = arith.index_cast %parallel_loop3A_412 : i32 to index
        %parallel_loop3A_416 = arith.constant 16 : index
        %parallel_loop3A_417 = tpu.vector_load %arg6[%parallel_loop3A_414, %parallel_loop3A_415, %parallel_loop3A_416] {strides = array<i32>} : memref<2x160x128xf32, #tpu.memory_space<vmem>>, vector<1x1x16xf32>,
        %parallel_loop3A_418 = vector.shape_cast %parallel_loop3A_417 : vector<1x1x16xf32> to vector<16xf32>
        %parallel_loop3A_419 = arith.constant 1 : i32
        %parallel_loop3A_420 = arith.addi %parallel_loop3A_316, %parallel_loop3A_419 : i32
        %parallel_loop3A_421 = arith.constant 1 : i32
        %parallel_loop3A_422 = arith.index_cast %parallel_loop3A_421 : i32 to index
        %parallel_loop3A_423 = arith.index_cast %parallel_loop3A_420 : i32 to index
        %parallel_loop3A_424 = arith.constant 16 : index
        %parallel_loop3A_425 = tpu.vector_load %arg6[%parallel_loop3A_422, %parallel_loop3A_423, %parallel_loop3A_424] {strides = array<i32>} : memref<2x160x128xf32, #tpu.memory_space<vmem>>, vector<1x1x16xf32>,
        %parallel_loop3A_426 = vector.shape_cast %parallel_loop3A_425 : vector<1x1x16xf32> to vector<16xf32>
        %parallel_loop3A_427 = arith.constant 2 : i32
        %parallel_loop3A_428 = arith.addi %parallel_loop3A_316, %parallel_loop3A_427 : i32
        %parallel_loop3A_429 = arith.constant 1 : i32
        %parallel_loop3A_430 = arith.index_cast %parallel_loop3A_429 : i32 to index
        %parallel_loop3A_431 = arith.index_cast %parallel_loop3A_428 : i32 to index
        %parallel_loop3A_432 = arith.constant 16 : index
        %parallel_loop3A_433 = tpu.vector_load %arg6[%parallel_loop3A_430, %parallel_loop3A_431, %parallel_loop3A_432] {strides = array<i32>} : memref<2x160x128xf32, #tpu.memory_space<vmem>>, vector<1x1x16xf32>,
        %parallel_loop3A_434 = vector.shape_cast %parallel_loop3A_433 : vector<1x1x16xf32> to vector<16xf32>
        %parallel_loop3A_435 = arith.constant 3 : i32
        %parallel_loop3A_436 = arith.addi %parallel_loop3A_316, %parallel_loop3A_435 : i32
        %parallel_loop3A_437 = arith.constant 1 : i32
        %parallel_loop3A_438 = arith.index_cast %parallel_loop3A_437 : i32 to index
        %parallel_loop3A_439 = arith.index_cast %parallel_loop3A_436 : i32 to index
        %parallel_loop3A_440 = arith.constant 16 : index
        %parallel_loop3A_441 = tpu.vector_load %arg6[%parallel_loop3A_438, %parallel_loop3A_439, %parallel_loop3A_440] {strides = array<i32>} : memref<2x160x128xf32, #tpu.memory_space<vmem>>, vector<1x1x16xf32>,
        %parallel_loop3A_442 = vector.shape_cast %parallel_loop3A_441 : vector<1x1x16xf32> to vector<16xf32>
        %parallel_loop3A_443 = arith.constant 4 : i32
        %parallel_loop3A_444 = arith.addi %parallel_loop3A_316, %parallel_loop3A_443 : i32
        %parallel_loop3A_445 = arith.constant 1 : i32
        %parallel_loop3A_446 = arith.index_cast %parallel_loop3A_445 : i32 to index
        %parallel_loop3A_447 = arith.index_cast %parallel_loop3A_444 : i32 to index
        %parallel_loop3A_448 = arith.constant 16 : index
        %parallel_loop3A_449 = tpu.vector_load %arg6[%parallel_loop3A_446, %parallel_loop3A_447, %parallel_loop3A_448] {strides = array<i32>} : memref<2x160x128xf32, #tpu.memory_space<vmem>>, vector<1x1x16xf32>,
        %parallel_loop3A_450 = vector.shape_cast %parallel_loop3A_449 : vector<1x1x16xf32> to vector<16xf32>
        %parallel_loop3A_451 = arith.constant 5 : i32
        %parallel_loop3A_452 = arith.addi %parallel_loop3A_316, %parallel_loop3A_451 : i32
        %parallel_loop3A_453 = arith.constant 1 : i32
        %parallel_loop3A_454 = arith.index_cast %parallel_loop3A_453 : i32 to index
        %parallel_loop3A_455 = arith.index_cast %parallel_loop3A_452 : i32 to index
        %parallel_loop3A_456 = arith.constant 16 : index
        %parallel_loop3A_457 = tpu.vector_load %arg6[%parallel_loop3A_454, %parallel_loop3A_455, %parallel_loop3A_456] {strides = array<i32>} : memref<2x160x128xf32, #tpu.memory_space<vmem>>, vector<1x1x16xf32>,
        %parallel_loop3A_458 = vector.shape_cast %parallel_loop3A_457 : vector<1x1x16xf32> to vector<16xf32>
        %parallel_loop3A_459 = arith.constant 6 : i32
        %parallel_loop3A_460 = arith.addi %parallel_loop3A_316, %parallel_loop3A_459 : i32
        %parallel_loop3A_461 = arith.constant 1 : i32
        %parallel_loop3A_462 = arith.index_cast %parallel_loop3A_461 : i32 to index
        %parallel_loop3A_463 = arith.index_cast %parallel_loop3A_460 : i32 to index
        %parallel_loop3A_464 = arith.constant 16 : index
        %parallel_loop3A_465 = tpu.vector_load %arg6[%parallel_loop3A_462, %parallel_loop3A_463, %parallel_loop3A_464] {strides = array<i32>} : memref<2x160x128xf32, #tpu.memory_space<vmem>>, vector<1x1x16xf32>,
        %parallel_loop3A_466 = vector.shape_cast %parallel_loop3A_465 : vector<1x1x16xf32> to vector<16xf32>
        %parallel_loop3A_467 = arith.constant 7 : i32
        %parallel_loop3A_468 = arith.addi %parallel_loop3A_316, %parallel_loop3A_467 : i32
        %parallel_loop3A_469 = arith.constant 1 : i32
        %parallel_loop3A_470 = arith.index_cast %parallel_loop3A_469 : i32 to index
        %parallel_loop3A_471 = arith.index_cast %parallel_loop3A_468 : i32 to index
        %parallel_loop3A_472 = arith.constant 16 : index
        %parallel_loop3A_473 = tpu.vector_load %arg6[%parallel_loop3A_470, %parallel_loop3A_471, %parallel_loop3A_472] {strides = array<i32>} : memref<2x160x128xf32, #tpu.memory_space<vmem>>, vector<1x1x16xf32>,
        %parallel_loop3A_474 = vector.shape_cast %parallel_loop3A_473 : vector<1x1x16xf32> to vector<16xf32>
        %parallel_loop3A_475 = arith.constant 8 : i32
        %parallel_loop3A_476 = arith.addi %parallel_loop3A_316, %parallel_loop3A_475 : i32
        %parallel_loop3A_477 = arith.constant 1 : i32
        %parallel_loop3A_478 = arith.index_cast %parallel_loop3A_477 : i32 to index
        %parallel_loop3A_479 = arith.index_cast %parallel_loop3A_476 : i32 to index
        %parallel_loop3A_480 = arith.constant 16 : index
        %parallel_loop3A_481 = tpu.vector_load %arg6[%parallel_loop3A_478, %parallel_loop3A_479, %parallel_loop3A_480] {strides = array<i32>} : memref<2x160x128xf32, #tpu.memory_space<vmem>>, vector<1x1x16xf32>,
        %parallel_loop3A_482 = vector.shape_cast %parallel_loop3A_481 : vector<1x1x16xf32> to vector<16xf32>
        %parallel_loop3A_483 = arith.constant 9 : i32
        %parallel_loop3A_484 = arith.addi %parallel_loop3A_316, %parallel_loop3A_483 : i32
        %parallel_loop3A_485 = arith.constant 1 : i32
        %parallel_loop3A_486 = arith.index_cast %parallel_loop3A_485 : i32 to index
        %parallel_loop3A_487 = arith.index_cast %parallel_loop3A_484 : i32 to index
        %parallel_loop3A_488 = arith.constant 16 : index
        %parallel_loop3A_489 = tpu.vector_load %arg6[%parallel_loop3A_486, %parallel_loop3A_487, %parallel_loop3A_488] {strides = array<i32>} : memref<2x160x128xf32, #tpu.memory_space<vmem>>, vector<1x1x16xf32>,
        %parallel_loop3A_490 = vector.shape_cast %parallel_loop3A_489 : vector<1x1x16xf32> to vector<16xf32>
        %parallel_loop3A_491 = arith.addf %parallel_loop3A_418, %parallel_loop3A_426 : vector<16xf32>
        %parallel_loop3A_492 = arith.addf %parallel_loop3A_434, %parallel_loop3A_442 : vector<16xf32>
        %parallel_loop3A_493 = arith.addf %parallel_loop3A_450, %parallel_loop3A_458 : vector<16xf32>
        %parallel_loop3A_494 = arith.addf %parallel_loop3A_466, %parallel_loop3A_474 : vector<16xf32>
        %parallel_loop3A_495 = arith.addf %parallel_loop3A_482, %parallel_loop3A_490 : vector<16xf32>
        %parallel_loop3A_496 = arith.addf %parallel_loop3A_491, %parallel_loop3A_492 : vector<16xf32>
        %parallel_loop3A_497 = arith.addf %parallel_loop3A_493, %parallel_loop3A_494 : vector<16xf32>
        %parallel_loop3A_498 = arith.addf %parallel_loop3A_496, %parallel_loop3A_497 : vector<16xf32>
        %parallel_loop3A_499 = arith.addf %parallel_loop3A_498, %parallel_loop3A_495 : vector<16xf32>
        %parallel_loop3A_500 = arith.index_cast %parallel_loop3A_314 : i32 to index
        %parallel_loop3A_501 = arith.constant 16 : index
        %parallel_loop3A_502 = tpu.vector_load %arg7[%parallel_loop3A_500, %parallel_loop3A_501] {strides = array<i32>} : memref<288x128xf32, #tpu.memory_space<vmem>>, vector<1x16xf32>,
        %parallel_loop3A_503 = vector.shape_cast %parallel_loop3A_502 : vector<1x16xf32> to vector<16xf32>
        %parallel_loop3A_504 = vector.shape_cast %parallel_loop3A_499 : vector<16xf32> to vector<1x16xf32>
        tpu.vector_store %arg7[%parallel_loop3A_500, %parallel_loop3A_501], %parallel_loop3A_504 {strides = array<i32>} : memref<288x128xf32, #tpu.memory_space<vmem>>, vector<1x16xf32>,
        %parallel_loop3A_505 = arith.constant 0 : i32
        %parallel_loop3A_506 = arith.addi %parallel_loop3A_316, %parallel_loop3A_505 : i32
        %parallel_loop3A_507 = arith.constant 1 : i32
        %parallel_loop3A_508 = arith.index_cast %parallel_loop3A_507 : i32 to index
        %parallel_loop3A_509 = arith.index_cast %parallel_loop3A_506 : i32 to index
        %parallel_loop3A_510 = arith.constant 32 : index
        %parallel_loop3A_511 = tpu.vector_load %arg6[%parallel_loop3A_508, %parallel_loop3A_509, %parallel_loop3A_510] {strides = array<i32>} : memref<2x160x128xf32, #tpu.memory_space<vmem>>, vector<1x1x16xf32>,
        %parallel_loop3A_512 = vector.shape_cast %parallel_loop3A_511 : vector<1x1x16xf32> to vector<16xf32>
        %parallel_loop3A_513 = arith.constant 1 : i32
        %parallel_loop3A_514 = arith.addi %parallel_loop3A_316, %parallel_loop3A_513 : i32
        %parallel_loop3A_515 = arith.constant 1 : i32
        %parallel_loop3A_516 = arith.index_cast %parallel_loop3A_515 : i32 to index
        %parallel_loop3A_517 = arith.index_cast %parallel_loop3A_514 : i32 to index
        %parallel_loop3A_518 = arith.constant 32 : index
        %parallel_loop3A_519 = tpu.vector_load %arg6[%parallel_loop3A_516, %parallel_loop3A_517, %parallel_loop3A_518] {strides = array<i32>} : memref<2x160x128xf32, #tpu.memory_space<vmem>>, vector<1x1x16xf32>,
        %parallel_loop3A_520 = vector.shape_cast %parallel_loop3A_519 : vector<1x1x16xf32> to vector<16xf32>
        %parallel_loop3A_521 = arith.constant 2 : i32
        %parallel_loop3A_522 = arith.addi %parallel_loop3A_316, %parallel_loop3A_521 : i32
        %parallel_loop3A_523 = arith.constant 1 : i32
        %parallel_loop3A_524 = arith.index_cast %parallel_loop3A_523 : i32 to index
        %parallel_loop3A_525 = arith.index_cast %parallel_loop3A_522 : i32 to index
        %parallel_loop3A_526 = arith.constant 32 : index
        %parallel_loop3A_527 = tpu.vector_load %arg6[%parallel_loop3A_524, %parallel_loop3A_525, %parallel_loop3A_526] {strides = array<i32>} : memref<2x160x128xf32, #tpu.memory_space<vmem>>, vector<1x1x16xf32>,
        %parallel_loop3A_528 = vector.shape_cast %parallel_loop3A_527 : vector<1x1x16xf32> to vector<16xf32>
        %parallel_loop3A_529 = arith.constant 3 : i32
        %parallel_loop3A_530 = arith.addi %parallel_loop3A_316, %parallel_loop3A_529 : i32
        %parallel_loop3A_531 = arith.constant 1 : i32
        %parallel_loop3A_532 = arith.index_cast %parallel_loop3A_531 : i32 to index
        %parallel_loop3A_533 = arith.index_cast %parallel_loop3A_530 : i32 to index
        %parallel_loop3A_534 = arith.constant 32 : index
        %parallel_loop3A_535 = tpu.vector_load %arg6[%parallel_loop3A_532, %parallel_loop3A_533, %parallel_loop3A_534] {strides = array<i32>} : memref<2x160x128xf32, #tpu.memory_space<vmem>>, vector<1x1x16xf32>,
        %parallel_loop3A_536 = vector.shape_cast %parallel_loop3A_535 : vector<1x1x16xf32> to vector<16xf32>
        %parallel_loop3A_537 = arith.constant 4 : i32
        %parallel_loop3A_538 = arith.addi %parallel_loop3A_316, %parallel_loop3A_537 : i32
        %parallel_loop3A_539 = arith.constant 1 : i32
        %parallel_loop3A_540 = arith.index_cast %parallel_loop3A_539 : i32 to index
        %parallel_loop3A_541 = arith.index_cast %parallel_loop3A_538 : i32 to index
        %parallel_loop3A_542 = arith.constant 32 : index
        %parallel_loop3A_543 = tpu.vector_load %arg6[%parallel_loop3A_540, %parallel_loop3A_541, %parallel_loop3A_542] {strides = array<i32>} : memref<2x160x128xf32, #tpu.memory_space<vmem>>, vector<1x1x16xf32>,
        %parallel_loop3A_544 = vector.shape_cast %parallel_loop3A_543 : vector<1x1x16xf32> to vector<16xf32>
        %parallel_loop3A_545 = arith.constant 5 : i32
        %parallel_loop3A_546 = arith.addi %parallel_loop3A_316, %parallel_loop3A_545 : i32
        %parallel_loop3A_547 = arith.constant 1 : i32
        %parallel_loop3A_548 = arith.index_cast %parallel_loop3A_547 : i32 to index
        %parallel_loop3A_549 = arith.index_cast %parallel_loop3A_546 : i32 to index
        %parallel_loop3A_550 = arith.constant 32 : index
        %parallel_loop3A_551 = tpu.vector_load %arg6[%parallel_loop3A_548, %parallel_loop3A_549, %parallel_loop3A_550] {strides = array<i32>} : memref<2x160x128xf32, #tpu.memory_space<vmem>>, vector<1x1x16xf32>,
        %parallel_loop3A_552 = vector.shape_cast %parallel_loop3A_551 : vector<1x1x16xf32> to vector<16xf32>
        %parallel_loop3A_553 = arith.constant 6 : i32
        %parallel_loop3A_554 = arith.addi %parallel_loop3A_316, %parallel_loop3A_553 : i32
        %parallel_loop3A_555 = arith.constant 1 : i32
        %parallel_loop3A_556 = arith.index_cast %parallel_loop3A_555 : i32 to index
        %parallel_loop3A_557 = arith.index_cast %parallel_loop3A_554 : i32 to index
        %parallel_loop3A_558 = arith.constant 32 : index
        %parallel_loop3A_559 = tpu.vector_load %arg6[%parallel_loop3A_556, %parallel_loop3A_557, %parallel_loop3A_558] {strides = array<i32>} : memref<2x160x128xf32, #tpu.memory_space<vmem>>, vector<1x1x16xf32>,
        %parallel_loop3A_560 = vector.shape_cast %parallel_loop3A_559 : vector<1x1x16xf32> to vector<16xf32>
        %parallel_loop3A_561 = arith.constant 7 : i32
        %parallel_loop3A_562 = arith.addi %parallel_loop3A_316, %parallel_loop3A_561 : i32
        %parallel_loop3A_563 = arith.constant 1 : i32
        %parallel_loop3A_564 = arith.index_cast %parallel_loop3A_563 : i32 to index
        %parallel_loop3A_565 = arith.index_cast %parallel_loop3A_562 : i32 to index
        %parallel_loop3A_566 = arith.constant 32 : index
        %parallel_loop3A_567 = tpu.vector_load %arg6[%parallel_loop3A_564, %parallel_loop3A_565, %parallel_loop3A_566] {strides = array<i32>} : memref<2x160x128xf32, #tpu.memory_space<vmem>>, vector<1x1x16xf32>,
        %parallel_loop3A_568 = vector.shape_cast %parallel_loop3A_567 : vector<1x1x16xf32> to vector<16xf32>
        %parallel_loop3A_569 = arith.constant 8 : i32
        %parallel_loop3A_570 = arith.addi %parallel_loop3A_316, %parallel_loop3A_569 : i32
        %parallel_loop3A_571 = arith.constant 1 : i32
        %parallel_loop3A_572 = arith.index_cast %parallel_loop3A_571 : i32 to index
        %parallel_loop3A_573 = arith.index_cast %parallel_loop3A_570 : i32 to index
        %parallel_loop3A_574 = arith.constant 32 : index
        %parallel_loop3A_575 = tpu.vector_load %arg6[%parallel_loop3A_572, %parallel_loop3A_573, %parallel_loop3A_574] {strides = array<i32>} : memref<2x160x128xf32, #tpu.memory_space<vmem>>, vector<1x1x16xf32>,
        %parallel_loop3A_576 = vector.shape_cast %parallel_loop3A_575 : vector<1x1x16xf32> to vector<16xf32>
        %parallel_loop3A_577 = arith.constant 9 : i32
        %parallel_loop3A_578 = arith.addi %parallel_loop3A_316, %parallel_loop3A_577 : i32
        %parallel_loop3A_579 = arith.constant 1 : i32
        %parallel_loop3A_580 = arith.index_cast %parallel_loop3A_579 : i32 to index
        %parallel_loop3A_581 = arith.index_cast %parallel_loop3A_578 : i32 to index
        %parallel_loop3A_582 = arith.constant 32 : index
        %parallel_loop3A_583 = tpu.vector_load %arg6[%parallel_loop3A_580, %parallel_loop3A_581, %parallel_loop3A_582] {strides = array<i32>} : memref<2x160x128xf32, #tpu.memory_space<vmem>>, vector<1x1x16xf32>,
        %parallel_loop3A_584 = vector.shape_cast %parallel_loop3A_583 : vector<1x1x16xf32> to vector<16xf32>
        %parallel_loop3A_585 = arith.addf %parallel_loop3A_512, %parallel_loop3A_520 : vector<16xf32>
        %parallel_loop3A_586 = arith.addf %parallel_loop3A_528, %parallel_loop3A_536 : vector<16xf32>
        %parallel_loop3A_587 = arith.addf %parallel_loop3A_544, %parallel_loop3A_552 : vector<16xf32>
        %parallel_loop3A_588 = arith.addf %parallel_loop3A_560, %parallel_loop3A_568 : vector<16xf32>
        %parallel_loop3A_589 = arith.addf %parallel_loop3A_576, %parallel_loop3A_584 : vector<16xf32>
        %parallel_loop3A_590 = arith.addf %parallel_loop3A_585, %parallel_loop3A_586 : vector<16xf32>
        %parallel_loop3A_591 = arith.addf %parallel_loop3A_587, %parallel_loop3A_588 : vector<16xf32>
        %parallel_loop3A_592 = arith.addf %parallel_loop3A_590, %parallel_loop3A_591 : vector<16xf32>
        %parallel_loop3A_593 = arith.addf %parallel_loop3A_592, %parallel_loop3A_589 : vector<16xf32>
        %parallel_loop3A_594 = arith.index_cast %parallel_loop3A_314 : i32 to index
        %parallel_loop3A_595 = arith.constant 32 : index
        %parallel_loop3A_596 = tpu.vector_load %arg7[%parallel_loop3A_594, %parallel_loop3A_595] {strides = array<i32>} : memref<288x128xf32, #tpu.memory_space<vmem>>, vector<1x16xf32>,
        %parallel_loop3A_597 = vector.shape_cast %parallel_loop3A_596 : vector<1x16xf32> to vector<16xf32>
        %parallel_loop3A_598 = vector.shape_cast %parallel_loop3A_593 : vector<16xf32> to vector<1x16xf32>
        tpu.vector_store %arg7[%parallel_loop3A_594, %parallel_loop3A_595], %parallel_loop3A_598 {strides = array<i32>} : memref<288x128xf32, #tpu.memory_space<vmem>>, vector<1x16xf32>,
        %parallel_loop3A_599 = arith.constant 0 : i32
        %parallel_loop3A_600 = arith.addi %parallel_loop3A_316, %parallel_loop3A_599 : i32
        %parallel_loop3A_601 = arith.constant 1 : i32
        %parallel_loop3A_602 = arith.index_cast %parallel_loop3A_601 : i32 to index
        %parallel_loop3A_603 = arith.index_cast %parallel_loop3A_600 : i32 to index
        %parallel_loop3A_604 = arith.constant 48 : index
        %parallel_loop3A_605 = tpu.vector_load %arg6[%parallel_loop3A_602, %parallel_loop3A_603, %parallel_loop3A_604] {strides = array<i32>} : memref<2x160x128xf32, #tpu.memory_space<vmem>>, vector<1x1x16xf32>,
        %parallel_loop3A_606 = vector.shape_cast %parallel_loop3A_605 : vector<1x1x16xf32> to vector<16xf32>
        %parallel_loop3A_607 = arith.constant 1 : i32
        %parallel_loop3A_608 = arith.addi %parallel_loop3A_316, %parallel_loop3A_607 : i32
        %parallel_loop3A_609 = arith.constant 1 : i32
        %parallel_loop3A_610 = arith.index_cast %parallel_loop3A_609 : i32 to index
        %parallel_loop3A_611 = arith.index_cast %parallel_loop3A_608 : i32 to index
        %parallel_loop3A_612 = arith.constant 48 : index
        %parallel_loop3A_613 = tpu.vector_load %arg6[%parallel_loop3A_610, %parallel_loop3A_611, %parallel_loop3A_612] {strides = array<i32>} : memref<2x160x128xf32, #tpu.memory_space<vmem>>, vector<1x1x16xf32>,
        %parallel_loop3A_614 = vector.shape_cast %parallel_loop3A_613 : vector<1x1x16xf32> to vector<16xf32>
        %parallel_loop3A_615 = arith.constant 2 : i32
        %parallel_loop3A_616 = arith.addi %parallel_loop3A_316, %parallel_loop3A_615 : i32
        %parallel_loop3A_617 = arith.constant 1 : i32
        %parallel_loop3A_618 = arith.index_cast %parallel_loop3A_617 : i32 to index
        %parallel_loop3A_619 = arith.index_cast %parallel_loop3A_616 : i32 to index
        %parallel_loop3A_620 = arith.constant 48 : index
        %parallel_loop3A_621 = tpu.vector_load %arg6[%parallel_loop3A_618, %parallel_loop3A_619, %parallel_loop3A_620] {strides = array<i32>} : memref<2x160x128xf32, #tpu.memory_space<vmem>>, vector<1x1x16xf32>,
        %parallel_loop3A_622 = vector.shape_cast %parallel_loop3A_621 : vector<1x1x16xf32> to vector<16xf32>
        %parallel_loop3A_623 = arith.constant 3 : i32
        %parallel_loop3A_624 = arith.addi %parallel_loop3A_316, %parallel_loop3A_623 : i32
        %parallel_loop3A_625 = arith.constant 1 : i32
        %parallel_loop3A_626 = arith.index_cast %parallel_loop3A_625 : i32 to index
        %parallel_loop3A_627 = arith.index_cast %parallel_loop3A_624 : i32 to index
        %parallel_loop3A_628 = arith.constant 48 : index
        %parallel_loop3A_629 = tpu.vector_load %arg6[%parallel_loop3A_626, %parallel_loop3A_627, %parallel_loop3A_628] {strides = array<i32>} : memref<2x160x128xf32, #tpu.memory_space<vmem>>, vector<1x1x16xf32>,
        %parallel_loop3A_630 = vector.shape_cast %parallel_loop3A_629 : vector<1x1x16xf32> to vector<16xf32>
        %parallel_loop3A_631 = arith.constant 4 : i32
        %parallel_loop3A_632 = arith.addi %parallel_loop3A_316, %parallel_loop3A_631 : i32
        %parallel_loop3A_633 = arith.constant 1 : i32
        %parallel_loop3A_634 = arith.index_cast %parallel_loop3A_633 : i32 to index
        %parallel_loop3A_635 = arith.index_cast %parallel_loop3A_632 : i32 to index
        %parallel_loop3A_636 = arith.constant 48 : index
        %parallel_loop3A_637 = tpu.vector_load %arg6[%parallel_loop3A_634, %parallel_loop3A_635, %parallel_loop3A_636] {strides = array<i32>} : memref<2x160x128xf32, #tpu.memory_space<vmem>>, vector<1x1x16xf32>,
        %parallel_loop3A_638 = vector.shape_cast %parallel_loop3A_637 : vector<1x1x16xf32> to vector<16xf32>
        %parallel_loop3A_639 = arith.constant 5 : i32
        %parallel_loop3A_640 = arith.addi %parallel_loop3A_316, %parallel_loop3A_639 : i32
        %parallel_loop3A_641 = arith.constant 1 : i32
        %parallel_loop3A_642 = arith.index_cast %parallel_loop3A_641 : i32 to index
        %parallel_loop3A_643 = arith.index_cast %parallel_loop3A_640 : i32 to index
        %parallel_loop3A_644 = arith.constant 48 : index
        %parallel_loop3A_645 = tpu.vector_load %arg6[%parallel_loop3A_642, %parallel_loop3A_643, %parallel_loop3A_644] {strides = array<i32>} : memref<2x160x128xf32, #tpu.memory_space<vmem>>, vector<1x1x16xf32>,
        %parallel_loop3A_646 = vector.shape_cast %parallel_loop3A_645 : vector<1x1x16xf32> to vector<16xf32>
        %parallel_loop3A_647 = arith.constant 6 : i32
        %parallel_loop3A_648 = arith.addi %parallel_loop3A_316, %parallel_loop3A_647 : i32
        %parallel_loop3A_649 = arith.constant 1 : i32
        %parallel_loop3A_650 = arith.index_cast %parallel_loop3A_649 : i32 to index
        %parallel_loop3A_651 = arith.index_cast %parallel_loop3A_648 : i32 to index
        %parallel_loop3A_652 = arith.constant 48 : index
        %parallel_loop3A_653 = tpu.vector_load %arg6[%parallel_loop3A_650, %parallel_loop3A_651, %parallel_loop3A_652] {strides = array<i32>} : memref<2x160x128xf32, #tpu.memory_space<vmem>>, vector<1x1x16xf32>,
        %parallel_loop3A_654 = vector.shape_cast %parallel_loop3A_653 : vector<1x1x16xf32> to vector<16xf32>
        %parallel_loop3A_655 = arith.constant 7 : i32
        %parallel_loop3A_656 = arith.addi %parallel_loop3A_316, %parallel_loop3A_655 : i32
        %parallel_loop3A_657 = arith.constant 1 : i32
        %parallel_loop3A_658 = arith.index_cast %parallel_loop3A_657 : i32 to index
        %parallel_loop3A_659 = arith.index_cast %parallel_loop3A_656 : i32 to index
        %parallel_loop3A_660 = arith.constant 48 : index
        %parallel_loop3A_661 = tpu.vector_load %arg6[%parallel_loop3A_658, %parallel_loop3A_659, %parallel_loop3A_660] {strides = array<i32>} : memref<2x160x128xf32, #tpu.memory_space<vmem>>, vector<1x1x16xf32>,
        %parallel_loop3A_662 = vector.shape_cast %parallel_loop3A_661 : vector<1x1x16xf32> to vector<16xf32>
        %parallel_loop3A_663 = arith.constant 8 : i32
        %parallel_loop3A_664 = arith.addi %parallel_loop3A_316, %parallel_loop3A_663 : i32
        %parallel_loop3A_665 = arith.constant 1 : i32
        %parallel_loop3A_666 = arith.index_cast %parallel_loop3A_665 : i32 to index
        %parallel_loop3A_667 = arith.index_cast %parallel_loop3A_664 : i32 to index
        %parallel_loop3A_668 = arith.constant 48 : index
        %parallel_loop3A_669 = tpu.vector_load %arg6[%parallel_loop3A_666, %parallel_loop3A_667, %parallel_loop3A_668] {strides = array<i32>} : memref<2x160x128xf32, #tpu.memory_space<vmem>>, vector<1x1x16xf32>,
        %parallel_loop3A_670 = vector.shape_cast %parallel_loop3A_669 : vector<1x1x16xf32> to vector<16xf32>
        %parallel_loop3A_671 = arith.constant 9 : i32
        %parallel_loop3A_672 = arith.addi %parallel_loop3A_316, %parallel_loop3A_671 : i32
        %parallel_loop3A_673 = arith.constant 1 : i32
        %parallel_loop3A_674 = arith.index_cast %parallel_loop3A_673 : i32 to index
        %parallel_loop3A_675 = arith.index_cast %parallel_loop3A_672 : i32 to index
        %parallel_loop3A_676 = arith.constant 48 : index
        %parallel_loop3A_677 = tpu.vector_load %arg6[%parallel_loop3A_674, %parallel_loop3A_675, %parallel_loop3A_676] {strides = array<i32>} : memref<2x160x128xf32, #tpu.memory_space<vmem>>, vector<1x1x16xf32>,
        %parallel_loop3A_678 = vector.shape_cast %parallel_loop3A_677 : vector<1x1x16xf32> to vector<16xf32>
        %parallel_loop3A_679 = arith.addf %parallel_loop3A_606, %parallel_loop3A_614 : vector<16xf32>
        %parallel_loop3A_680 = arith.addf %parallel_loop3A_622, %parallel_loop3A_630 : vector<16xf32>
        %parallel_loop3A_681 = arith.addf %parallel_loop3A_638, %parallel_loop3A_646 : vector<16xf32>
        %parallel_loop3A_682 = arith.addf %parallel_loop3A_654, %parallel_loop3A_662 : vector<16xf32>
        %parallel_loop3A_683 = arith.addf %parallel_loop3A_670, %parallel_loop3A_678 : vector<16xf32>
        %parallel_loop3A_684 = arith.addf %parallel_loop3A_679, %parallel_loop3A_680 : vector<16xf32>
        %parallel_loop3A_685 = arith.addf %parallel_loop3A_681, %parallel_loop3A_682 : vector<16xf32>
        %parallel_loop3A_686 = arith.addf %parallel_loop3A_684, %parallel_loop3A_685 : vector<16xf32>
        %parallel_loop3A_687 = arith.addf %parallel_loop3A_686, %parallel_loop3A_683 : vector<16xf32>
        %parallel_loop3A_688 = arith.index_cast %parallel_loop3A_314 : i32 to index
        %parallel_loop3A_689 = arith.constant 48 : index
        %parallel_loop3A_690 = tpu.vector_load %arg7[%parallel_loop3A_688, %parallel_loop3A_689] {strides = array<i32>} : memref<288x128xf32, #tpu.memory_space<vmem>>, vector<1x16xf32>,
        %parallel_loop3A_691 = vector.shape_cast %parallel_loop3A_690 : vector<1x16xf32> to vector<16xf32>
        %parallel_loop3A_692 = vector.shape_cast %parallel_loop3A_687 : vector<16xf32> to vector<1x16xf32>
        tpu.vector_store %arg7[%parallel_loop3A_688, %parallel_loop3A_689], %parallel_loop3A_692 {strides = array<i32>} : memref<288x128xf32, #tpu.memory_space<vmem>>, vector<1x16xf32>,
        %parallel_loop3A_693 = arith.constant 0 : i32
        %parallel_loop3A_694 = arith.addi %parallel_loop3A_316, %parallel_loop3A_693 : i32
        %parallel_loop3A_695 = arith.constant 1 : i32
        %parallel_loop3A_696 = arith.index_cast %parallel_loop3A_695 : i32 to index
        %parallel_loop3A_697 = arith.index_cast %parallel_loop3A_694 : i32 to index
        %parallel_loop3A_698 = arith.constant 64 : index
        %parallel_loop3A_699 = tpu.vector_load %arg6[%parallel_loop3A_696, %parallel_loop3A_697, %parallel_loop3A_698] {strides = array<i32>} : memref<2x160x128xf32, #tpu.memory_space<vmem>>, vector<1x1x16xf32>,
        %parallel_loop3A_700 = vector.shape_cast %parallel_loop3A_699 : vector<1x1x16xf32> to vector<16xf32>
        %parallel_loop3A_701 = arith.constant 1 : i32
        %parallel_loop3A_702 = arith.addi %parallel_loop3A_316, %parallel_loop3A_701 : i32
        %parallel_loop3A_703 = arith.constant 1 : i32
        %parallel_loop3A_704 = arith.index_cast %parallel_loop3A_703 : i32 to index
        %parallel_loop3A_705 = arith.index_cast %parallel_loop3A_702 : i32 to index
        %parallel_loop3A_706 = arith.constant 64 : index
        %parallel_loop3A_707 = tpu.vector_load %arg6[%parallel_loop3A_704, %parallel_loop3A_705, %parallel_loop3A_706] {strides = array<i32>} : memref<2x160x128xf32, #tpu.memory_space<vmem>>, vector<1x1x16xf32>,
        %parallel_loop3A_708 = vector.shape_cast %parallel_loop3A_707 : vector<1x1x16xf32> to vector<16xf32>
        %parallel_loop3A_709 = arith.constant 2 : i32
        %parallel_loop3A_710 = arith.addi %parallel_loop3A_316, %parallel_loop3A_709 : i32
        %parallel_loop3A_711 = arith.constant 1 : i32
        %parallel_loop3A_712 = arith.index_cast %parallel_loop3A_711 : i32 to index
        %parallel_loop3A_713 = arith.index_cast %parallel_loop3A_710 : i32 to index
        %parallel_loop3A_714 = arith.constant 64 : index
        %parallel_loop3A_715 = tpu.vector_load %arg6[%parallel_loop3A_712, %parallel_loop3A_713, %parallel_loop3A_714] {strides = array<i32>} : memref<2x160x128xf32, #tpu.memory_space<vmem>>, vector<1x1x16xf32>,
        %parallel_loop3A_716 = vector.shape_cast %parallel_loop3A_715 : vector<1x1x16xf32> to vector<16xf32>
        %parallel_loop3A_717 = arith.constant 3 : i32
        %parallel_loop3A_718 = arith.addi %parallel_loop3A_316, %parallel_loop3A_717 : i32
        %parallel_loop3A_719 = arith.constant 1 : i32
        %parallel_loop3A_720 = arith.index_cast %parallel_loop3A_719 : i32 to index
        %parallel_loop3A_721 = arith.index_cast %parallel_loop3A_718 : i32 to index
        %parallel_loop3A_722 = arith.constant 64 : index
        %parallel_loop3A_723 = tpu.vector_load %arg6[%parallel_loop3A_720, %parallel_loop3A_721, %parallel_loop3A_722] {strides = array<i32>} : memref<2x160x128xf32, #tpu.memory_space<vmem>>, vector<1x1x16xf32>,
        %parallel_loop3A_724 = vector.shape_cast %parallel_loop3A_723 : vector<1x1x16xf32> to vector<16xf32>
        %parallel_loop3A_725 = arith.constant 4 : i32
        %parallel_loop3A_726 = arith.addi %parallel_loop3A_316, %parallel_loop3A_725 : i32
        %parallel_loop3A_727 = arith.constant 1 : i32
        %parallel_loop3A_728 = arith.index_cast %parallel_loop3A_727 : i32 to index
        %parallel_loop3A_729 = arith.index_cast %parallel_loop3A_726 : i32 to index
        %parallel_loop3A_730 = arith.constant 64 : index
        %parallel_loop3A_731 = tpu.vector_load %arg6[%parallel_loop3A_728, %parallel_loop3A_729, %parallel_loop3A_730] {strides = array<i32>} : memref<2x160x128xf32, #tpu.memory_space<vmem>>, vector<1x1x16xf32>,
        %parallel_loop3A_732 = vector.shape_cast %parallel_loop3A_731 : vector<1x1x16xf32> to vector<16xf32>
        %parallel_loop3A_733 = arith.constant 5 : i32
        %parallel_loop3A_734 = arith.addi %parallel_loop3A_316, %parallel_loop3A_733 : i32
        %parallel_loop3A_735 = arith.constant 1 : i32
        %parallel_loop3A_736 = arith.index_cast %parallel_loop3A_735 : i32 to index
        %parallel_loop3A_737 = arith.index_cast %parallel_loop3A_734 : i32 to index
        %parallel_loop3A_738 = arith.constant 64 : index
        %parallel_loop3A_739 = tpu.vector_load %arg6[%parallel_loop3A_736, %parallel_loop3A_737, %parallel_loop3A_738] {strides = array<i32>} : memref<2x160x128xf32, #tpu.memory_space<vmem>>, vector<1x1x16xf32>,
        %parallel_loop3A_740 = vector.shape_cast %parallel_loop3A_739 : vector<1x1x16xf32> to vector<16xf32>
        %parallel_loop3A_741 = arith.constant 6 : i32
        %parallel_loop3A_742 = arith.addi %parallel_loop3A_316, %parallel_loop3A_741 : i32
        %parallel_loop3A_743 = arith.constant 1 : i32
        %parallel_loop3A_744 = arith.index_cast %parallel_loop3A_743 : i32 to index
        %parallel_loop3A_745 = arith.index_cast %parallel_loop3A_742 : i32 to index
        %parallel_loop3A_746 = arith.constant 64 : index
        %parallel_loop3A_747 = tpu.vector_load %arg6[%parallel_loop3A_744, %parallel_loop3A_745, %parallel_loop3A_746] {strides = array<i32>} : memref<2x160x128xf32, #tpu.memory_space<vmem>>, vector<1x1x16xf32>,
        %parallel_loop3A_748 = vector.shape_cast %parallel_loop3A_747 : vector<1x1x16xf32> to vector<16xf32>
        %parallel_loop3A_749 = arith.constant 7 : i32
        %parallel_loop3A_750 = arith.addi %parallel_loop3A_316, %parallel_loop3A_749 : i32
        %parallel_loop3A_751 = arith.constant 1 : i32
        %parallel_loop3A_752 = arith.index_cast %parallel_loop3A_751 : i32 to index
        %parallel_loop3A_753 = arith.index_cast %parallel_loop3A_750 : i32 to index
        %parallel_loop3A_754 = arith.constant 64 : index
        %parallel_loop3A_755 = tpu.vector_load %arg6[%parallel_loop3A_752, %parallel_loop3A_753, %parallel_loop3A_754] {strides = array<i32>} : memref<2x160x128xf32, #tpu.memory_space<vmem>>, vector<1x1x16xf32>,
        %parallel_loop3A_756 = vector.shape_cast %parallel_loop3A_755 : vector<1x1x16xf32> to vector<16xf32>
        %parallel_loop3A_757 = arith.constant 8 : i32
        %parallel_loop3A_758 = arith.addi %parallel_loop3A_316, %parallel_loop3A_757 : i32
        %parallel_loop3A_759 = arith.constant 1 : i32
        %parallel_loop3A_760 = arith.index_cast %parallel_loop3A_759 : i32 to index
        %parallel_loop3A_761 = arith.index_cast %parallel_loop3A_758 : i32 to index
        %parallel_loop3A_762 = arith.constant 64 : index
        %parallel_loop3A_763 = tpu.vector_load %arg6[%parallel_loop3A_760, %parallel_loop3A_761, %parallel_loop3A_762] {strides = array<i32>} : memref<2x160x128xf32, #tpu.memory_space<vmem>>, vector<1x1x16xf32>,
        %parallel_loop3A_764 = vector.shape_cast %parallel_loop3A_763 : vector<1x1x16xf32> to vector<16xf32>
        %parallel_loop3A_765 = arith.constant 9 : i32
        %parallel_loop3A_766 = arith.addi %parallel_loop3A_316, %parallel_loop3A_765 : i32
        %parallel_loop3A_767 = arith.constant 1 : i32
        %parallel_loop3A_768 = arith.index_cast %parallel_loop3A_767 : i32 to index
        %parallel_loop3A_769 = arith.index_cast %parallel_loop3A_766 : i32 to index
        %parallel_loop3A_770 = arith.constant 64 : index
        %parallel_loop3A_771 = tpu.vector_load %arg6[%parallel_loop3A_768, %parallel_loop3A_769, %parallel_loop3A_770] {strides = array<i32>} : memref<2x160x128xf32, #tpu.memory_space<vmem>>, vector<1x1x16xf32>,
        %parallel_loop3A_772 = vector.shape_cast %parallel_loop3A_771 : vector<1x1x16xf32> to vector<16xf32>
        %parallel_loop3A_773 = arith.addf %parallel_loop3A_700, %parallel_loop3A_708 : vector<16xf32>
        %parallel_loop3A_774 = arith.addf %parallel_loop3A_716, %parallel_loop3A_724 : vector<16xf32>
        %parallel_loop3A_775 = arith.addf %parallel_loop3A_732, %parallel_loop3A_740 : vector<16xf32>
        %parallel_loop3A_776 = arith.addf %parallel_loop3A_748, %parallel_loop3A_756 : vector<16xf32>
        %parallel_loop3A_777 = arith.addf %parallel_loop3A_764, %parallel_loop3A_772 : vector<16xf32>
        %parallel_loop3A_778 = arith.addf %parallel_loop3A_773, %parallel_loop3A_774 : vector<16xf32>
        %parallel_loop3A_779 = arith.addf %parallel_loop3A_775, %parallel_loop3A_776 : vector<16xf32>
        %parallel_loop3A_780 = arith.addf %parallel_loop3A_778, %parallel_loop3A_779 : vector<16xf32>
        %parallel_loop3A_781 = arith.addf %parallel_loop3A_780, %parallel_loop3A_777 : vector<16xf32>
        %parallel_loop3A_782 = arith.index_cast %parallel_loop3A_314 : i32 to index
        %parallel_loop3A_783 = arith.constant 64 : index
        %parallel_loop3A_784 = tpu.vector_load %arg7[%parallel_loop3A_782, %parallel_loop3A_783] {strides = array<i32>} : memref<288x128xf32, #tpu.memory_space<vmem>>, vector<1x16xf32>,
        %parallel_loop3A_785 = vector.shape_cast %parallel_loop3A_784 : vector<1x16xf32> to vector<16xf32>
        %parallel_loop3A_786 = vector.shape_cast %parallel_loop3A_781 : vector<16xf32> to vector<1x16xf32>
        tpu.vector_store %arg7[%parallel_loop3A_782, %parallel_loop3A_783], %parallel_loop3A_786 {strides = array<i32>} : memref<288x128xf32, #tpu.memory_space<vmem>>, vector<1x16xf32>,
        %parallel_loop3A_787 = arith.constant 0 : i32
        %parallel_loop3A_788 = arith.addi %parallel_loop3A_316, %parallel_loop3A_787 : i32
        %parallel_loop3A_789 = arith.constant 1 : i32
        %parallel_loop3A_790 = arith.index_cast %parallel_loop3A_789 : i32 to index
        %parallel_loop3A_791 = arith.index_cast %parallel_loop3A_788 : i32 to index
        %parallel_loop3A_792 = arith.constant 80 : index
        %parallel_loop3A_793 = tpu.vector_load %arg6[%parallel_loop3A_790, %parallel_loop3A_791, %parallel_loop3A_792] {strides = array<i32>} : memref<2x160x128xf32, #tpu.memory_space<vmem>>, vector<1x1x16xf32>,
        %parallel_loop3A_794 = vector.shape_cast %parallel_loop3A_793 : vector<1x1x16xf32> to vector<16xf32>
        %parallel_loop3A_795 = arith.constant 1 : i32
        %parallel_loop3A_796 = arith.addi %parallel_loop3A_316, %parallel_loop3A_795 : i32
        %parallel_loop3A_797 = arith.constant 1 : i32
        %parallel_loop3A_798 = arith.index_cast %parallel_loop3A_797 : i32 to index
        %parallel_loop3A_799 = arith.index_cast %parallel_loop3A_796 : i32 to index
        %parallel_loop3A_800 = arith.constant 80 : index
        %parallel_loop3A_801 = tpu.vector_load %arg6[%parallel_loop3A_798, %parallel_loop3A_799, %parallel_loop3A_800] {strides = array<i32>} : memref<2x160x128xf32, #tpu.memory_space<vmem>>, vector<1x1x16xf32>,
        %parallel_loop3A_802 = vector.shape_cast %parallel_loop3A_801 : vector<1x1x16xf32> to vector<16xf32>
        %parallel_loop3A_803 = arith.constant 2 : i32
        %parallel_loop3A_804 = arith.addi %parallel_loop3A_316, %parallel_loop3A_803 : i32
        %parallel_loop3A_805 = arith.constant 1 : i32
        %parallel_loop3A_806 = arith.index_cast %parallel_loop3A_805 : i32 to index
        %parallel_loop3A_807 = arith.index_cast %parallel_loop3A_804 : i32 to index
        %parallel_loop3A_808 = arith.constant 80 : index
        %parallel_loop3A_809 = tpu.vector_load %arg6[%parallel_loop3A_806, %parallel_loop3A_807, %parallel_loop3A_808] {strides = array<i32>} : memref<2x160x128xf32, #tpu.memory_space<vmem>>, vector<1x1x16xf32>,
        %parallel_loop3A_810 = vector.shape_cast %parallel_loop3A_809 : vector<1x1x16xf32> to vector<16xf32>
        %parallel_loop3A_811 = arith.constant 3 : i32
        %parallel_loop3A_812 = arith.addi %parallel_loop3A_316, %parallel_loop3A_811 : i32
        %parallel_loop3A_813 = arith.constant 1 : i32
        %parallel_loop3A_814 = arith.index_cast %parallel_loop3A_813 : i32 to index
        %parallel_loop3A_815 = arith.index_cast %parallel_loop3A_812 : i32 to index
        %parallel_loop3A_816 = arith.constant 80 : index
        %parallel_loop3A_817 = tpu.vector_load %arg6[%parallel_loop3A_814, %parallel_loop3A_815, %parallel_loop3A_816] {strides = array<i32>} : memref<2x160x128xf32, #tpu.memory_space<vmem>>, vector<1x1x16xf32>,
        %parallel_loop3A_818 = vector.shape_cast %parallel_loop3A_817 : vector<1x1x16xf32> to vector<16xf32>
        %parallel_loop3A_819 = arith.constant 4 : i32
        %parallel_loop3A_820 = arith.addi %parallel_loop3A_316, %parallel_loop3A_819 : i32
        %parallel_loop3A_821 = arith.constant 1 : i32
        %parallel_loop3A_822 = arith.index_cast %parallel_loop3A_821 : i32 to index
        %parallel_loop3A_823 = arith.index_cast %parallel_loop3A_820 : i32 to index
        %parallel_loop3A_824 = arith.constant 80 : index
        %parallel_loop3A_825 = tpu.vector_load %arg6[%parallel_loop3A_822, %parallel_loop3A_823, %parallel_loop3A_824] {strides = array<i32>} : memref<2x160x128xf32, #tpu.memory_space<vmem>>, vector<1x1x16xf32>,
        %parallel_loop3A_826 = vector.shape_cast %parallel_loop3A_825 : vector<1x1x16xf32> to vector<16xf32>
        %parallel_loop3A_827 = arith.constant 5 : i32
        %parallel_loop3A_828 = arith.addi %parallel_loop3A_316, %parallel_loop3A_827 : i32
        %parallel_loop3A_829 = arith.constant 1 : i32
        %parallel_loop3A_830 = arith.index_cast %parallel_loop3A_829 : i32 to index
        %parallel_loop3A_831 = arith.index_cast %parallel_loop3A_828 : i32 to index
        %parallel_loop3A_832 = arith.constant 80 : index
        %parallel_loop3A_833 = tpu.vector_load %arg6[%parallel_loop3A_830, %parallel_loop3A_831, %parallel_loop3A_832] {strides = array<i32>} : memref<2x160x128xf32, #tpu.memory_space<vmem>>, vector<1x1x16xf32>,
        %parallel_loop3A_834 = vector.shape_cast %parallel_loop3A_833 : vector<1x1x16xf32> to vector<16xf32>
        %parallel_loop3A_835 = arith.constant 6 : i32
        %parallel_loop3A_836 = arith.addi %parallel_loop3A_316, %parallel_loop3A_835 : i32
        %parallel_loop3A_837 = arith.constant 1 : i32
        %parallel_loop3A_838 = arith.index_cast %parallel_loop3A_837 : i32 to index
        %parallel_loop3A_839 = arith.index_cast %parallel_loop3A_836 : i32 to index
        %parallel_loop3A_840 = arith.constant 80 : index
        %parallel_loop3A_841 = tpu.vector_load %arg6[%parallel_loop3A_838, %parallel_loop3A_839, %parallel_loop3A_840] {strides = array<i32>} : memref<2x160x128xf32, #tpu.memory_space<vmem>>, vector<1x1x16xf32>,
        %parallel_loop3A_842 = vector.shape_cast %parallel_loop3A_841 : vector<1x1x16xf32> to vector<16xf32>
        %parallel_loop3A_843 = arith.constant 7 : i32
        %parallel_loop3A_844 = arith.addi %parallel_loop3A_316, %parallel_loop3A_843 : i32
        %parallel_loop3A_845 = arith.constant 1 : i32
        %parallel_loop3A_846 = arith.index_cast %parallel_loop3A_845 : i32 to index
        %parallel_loop3A_847 = arith.index_cast %parallel_loop3A_844 : i32 to index
        %parallel_loop3A_848 = arith.constant 80 : index
        %parallel_loop3A_849 = tpu.vector_load %arg6[%parallel_loop3A_846, %parallel_loop3A_847, %parallel_loop3A_848] {strides = array<i32>} : memref<2x160x128xf32, #tpu.memory_space<vmem>>, vector<1x1x16xf32>,
        %parallel_loop3A_850 = vector.shape_cast %parallel_loop3A_849 : vector<1x1x16xf32> to vector<16xf32>
        %parallel_loop3A_851 = arith.constant 8 : i32
        %parallel_loop3A_852 = arith.addi %parallel_loop3A_316, %parallel_loop3A_851 : i32
        %parallel_loop3A_853 = arith.constant 1 : i32
        %parallel_loop3A_854 = arith.index_cast %parallel_loop3A_853 : i32 to index
        %parallel_loop3A_855 = arith.index_cast %parallel_loop3A_852 : i32 to index
        %parallel_loop3A_856 = arith.constant 80 : index
        %parallel_loop3A_857 = tpu.vector_load %arg6[%parallel_loop3A_854, %parallel_loop3A_855, %parallel_loop3A_856] {strides = array<i32>} : memref<2x160x128xf32, #tpu.memory_space<vmem>>, vector<1x1x16xf32>,
        %parallel_loop3A_858 = vector.shape_cast %parallel_loop3A_857 : vector<1x1x16xf32> to vector<16xf32>
        %parallel_loop3A_859 = arith.constant 9 : i32
        %parallel_loop3A_860 = arith.addi %parallel_loop3A_316, %parallel_loop3A_859 : i32
        %parallel_loop3A_861 = arith.constant 1 : i32
        %parallel_loop3A_862 = arith.index_cast %parallel_loop3A_861 : i32 to index
        %parallel_loop3A_863 = arith.index_cast %parallel_loop3A_860 : i32 to index
        %parallel_loop3A_864 = arith.constant 80 : index
        %parallel_loop3A_865 = tpu.vector_load %arg6[%parallel_loop3A_862, %parallel_loop3A_863, %parallel_loop3A_864] {strides = array<i32>} : memref<2x160x128xf32, #tpu.memory_space<vmem>>, vector<1x1x16xf32>,
        %parallel_loop3A_866 = vector.shape_cast %parallel_loop3A_865 : vector<1x1x16xf32> to vector<16xf32>
        %parallel_loop3A_867 = arith.addf %parallel_loop3A_794, %parallel_loop3A_802 : vector<16xf32>
        %parallel_loop3A_868 = arith.addf %parallel_loop3A_810, %parallel_loop3A_818 : vector<16xf32>
        %parallel_loop3A_869 = arith.addf %parallel_loop3A_826, %parallel_loop3A_834 : vector<16xf32>
        %parallel_loop3A_870 = arith.addf %parallel_loop3A_842, %parallel_loop3A_850 : vector<16xf32>
        %parallel_loop3A_871 = arith.addf %parallel_loop3A_858, %parallel_loop3A_866 : vector<16xf32>
        %parallel_loop3A_872 = arith.addf %parallel_loop3A_867, %parallel_loop3A_868 : vector<16xf32>
        %parallel_loop3A_873 = arith.addf %parallel_loop3A_869, %parallel_loop3A_870 : vector<16xf32>
        %parallel_loop3A_874 = arith.addf %parallel_loop3A_872, %parallel_loop3A_873 : vector<16xf32>
        %parallel_loop3A_875 = arith.addf %parallel_loop3A_874, %parallel_loop3A_871 : vector<16xf32>
        %parallel_loop3A_876 = arith.index_cast %parallel_loop3A_314 : i32 to index
        %parallel_loop3A_877 = arith.constant 80 : index
        %parallel_loop3A_878 = tpu.vector_load %arg7[%parallel_loop3A_876, %parallel_loop3A_877] {strides = array<i32>} : memref<288x128xf32, #tpu.memory_space<vmem>>, vector<1x16xf32>,
        %parallel_loop3A_879 = vector.shape_cast %parallel_loop3A_878 : vector<1x16xf32> to vector<16xf32>
        %parallel_loop3A_880 = vector.shape_cast %parallel_loop3A_875 : vector<16xf32> to vector<1x16xf32>
        tpu.vector_store %arg7[%parallel_loop3A_876, %parallel_loop3A_877], %parallel_loop3A_880 {strides = array<i32>} : memref<288x128xf32, #tpu.memory_space<vmem>>, vector<1x16xf32>,
        %parallel_loop3A_881 = arith.constant 0 : i32
        %parallel_loop3A_882 = arith.addi %parallel_loop3A_316, %parallel_loop3A_881 : i32
        %parallel_loop3A_883 = arith.constant 1 : i32
        %parallel_loop3A_884 = arith.index_cast %parallel_loop3A_883 : i32 to index
        %parallel_loop3A_885 = arith.index_cast %parallel_loop3A_882 : i32 to index
        %parallel_loop3A_886 = arith.constant 96 : index
        %parallel_loop3A_887 = tpu.vector_load %arg6[%parallel_loop3A_884, %parallel_loop3A_885, %parallel_loop3A_886] {strides = array<i32>} : memref<2x160x128xf32, #tpu.memory_space<vmem>>, vector<1x1x16xf32>,
        %parallel_loop3A_888 = vector.shape_cast %parallel_loop3A_887 : vector<1x1x16xf32> to vector<16xf32>
        %parallel_loop3A_889 = arith.constant 1 : i32
        %parallel_loop3A_890 = arith.addi %parallel_loop3A_316, %parallel_loop3A_889 : i32
        %parallel_loop3A_891 = arith.constant 1 : i32
        %parallel_loop3A_892 = arith.index_cast %parallel_loop3A_891 : i32 to index
        %parallel_loop3A_893 = arith.index_cast %parallel_loop3A_890 : i32 to index
        %parallel_loop3A_894 = arith.constant 96 : index
        %parallel_loop3A_895 = tpu.vector_load %arg6[%parallel_loop3A_892, %parallel_loop3A_893, %parallel_loop3A_894] {strides = array<i32>} : memref<2x160x128xf32, #tpu.memory_space<vmem>>, vector<1x1x16xf32>,
        %parallel_loop3A_896 = vector.shape_cast %parallel_loop3A_895 : vector<1x1x16xf32> to vector<16xf32>
        %parallel_loop3A_897 = arith.constant 2 : i32
        %parallel_loop3A_898 = arith.addi %parallel_loop3A_316, %parallel_loop3A_897 : i32
        %parallel_loop3A_899 = arith.constant 1 : i32
        %parallel_loop3A_900 = arith.index_cast %parallel_loop3A_899 : i32 to index
        %parallel_loop3A_901 = arith.index_cast %parallel_loop3A_898 : i32 to index
        %parallel_loop3A_902 = arith.constant 96 : index
        %parallel_loop3A_903 = tpu.vector_load %arg6[%parallel_loop3A_900, %parallel_loop3A_901, %parallel_loop3A_902] {strides = array<i32>} : memref<2x160x128xf32, #tpu.memory_space<vmem>>, vector<1x1x16xf32>,
        %parallel_loop3A_904 = vector.shape_cast %parallel_loop3A_903 : vector<1x1x16xf32> to vector<16xf32>
        %parallel_loop3A_905 = arith.constant 3 : i32
        %parallel_loop3A_906 = arith.addi %parallel_loop3A_316, %parallel_loop3A_905 : i32
        %parallel_loop3A_907 = arith.constant 1 : i32
        %parallel_loop3A_908 = arith.index_cast %parallel_loop3A_907 : i32 to index
        %parallel_loop3A_909 = arith.index_cast %parallel_loop3A_906 : i32 to index
        %parallel_loop3A_910 = arith.constant 96 : index
        %parallel_loop3A_911 = tpu.vector_load %arg6[%parallel_loop3A_908, %parallel_loop3A_909, %parallel_loop3A_910] {strides = array<i32>} : memref<2x160x128xf32, #tpu.memory_space<vmem>>, vector<1x1x16xf32>,
        %parallel_loop3A_912 = vector.shape_cast %parallel_loop3A_911 : vector<1x1x16xf32> to vector<16xf32>
        %parallel_loop3A_913 = arith.constant 4 : i32
        %parallel_loop3A_914 = arith.addi %parallel_loop3A_316, %parallel_loop3A_913 : i32
        %parallel_loop3A_915 = arith.constant 1 : i32
        %parallel_loop3A_916 = arith.index_cast %parallel_loop3A_915 : i32 to index
        %parallel_loop3A_917 = arith.index_cast %parallel_loop3A_914 : i32 to index
        %parallel_loop3A_918 = arith.constant 96 : index
        %parallel_loop3A_919 = tpu.vector_load %arg6[%parallel_loop3A_916, %parallel_loop3A_917, %parallel_loop3A_918] {strides = array<i32>} : memref<2x160x128xf32, #tpu.memory_space<vmem>>, vector<1x1x16xf32>,
        %parallel_loop3A_920 = vector.shape_cast %parallel_loop3A_919 : vector<1x1x16xf32> to vector<16xf32>
        %parallel_loop3A_921 = arith.constant 5 : i32
        %parallel_loop3A_922 = arith.addi %parallel_loop3A_316, %parallel_loop3A_921 : i32
        %parallel_loop3A_923 = arith.constant 1 : i32
        %parallel_loop3A_924 = arith.index_cast %parallel_loop3A_923 : i32 to index
        %parallel_loop3A_925 = arith.index_cast %parallel_loop3A_922 : i32 to index
        %parallel_loop3A_926 = arith.constant 96 : index
        %parallel_loop3A_927 = tpu.vector_load %arg6[%parallel_loop3A_924, %parallel_loop3A_925, %parallel_loop3A_926] {strides = array<i32>} : memref<2x160x128xf32, #tpu.memory_space<vmem>>, vector<1x1x16xf32>,
        %parallel_loop3A_928 = vector.shape_cast %parallel_loop3A_927 : vector<1x1x16xf32> to vector<16xf32>
        %parallel_loop3A_929 = arith.constant 6 : i32
        %parallel_loop3A_930 = arith.addi %parallel_loop3A_316, %parallel_loop3A_929 : i32
        %parallel_loop3A_931 = arith.constant 1 : i32
        %parallel_loop3A_932 = arith.index_cast %parallel_loop3A_931 : i32 to index
        %parallel_loop3A_933 = arith.index_cast %parallel_loop3A_930 : i32 to index
        %parallel_loop3A_934 = arith.constant 96 : index
        %parallel_loop3A_935 = tpu.vector_load %arg6[%parallel_loop3A_932, %parallel_loop3A_933, %parallel_loop3A_934] {strides = array<i32>} : memref<2x160x128xf32, #tpu.memory_space<vmem>>, vector<1x1x16xf32>,
        %parallel_loop3A_936 = vector.shape_cast %parallel_loop3A_935 : vector<1x1x16xf32> to vector<16xf32>
        %parallel_loop3A_937 = arith.constant 7 : i32
        %parallel_loop3A_938 = arith.addi %parallel_loop3A_316, %parallel_loop3A_937 : i32
        %parallel_loop3A_939 = arith.constant 1 : i32
        %parallel_loop3A_940 = arith.index_cast %parallel_loop3A_939 : i32 to index
        %parallel_loop3A_941 = arith.index_cast %parallel_loop3A_938 : i32 to index
        %parallel_loop3A_942 = arith.constant 96 : index
        %parallel_loop3A_943 = tpu.vector_load %arg6[%parallel_loop3A_940, %parallel_loop3A_941, %parallel_loop3A_942] {strides = array<i32>} : memref<2x160x128xf32, #tpu.memory_space<vmem>>, vector<1x1x16xf32>,
        %parallel_loop3A_944 = vector.shape_cast %parallel_loop3A_943 : vector<1x1x16xf32> to vector<16xf32>
        %parallel_loop3A_945 = arith.constant 8 : i32
        %parallel_loop3A_946 = arith.addi %parallel_loop3A_316, %parallel_loop3A_945 : i32
        %parallel_loop3A_947 = arith.constant 1 : i32
        %parallel_loop3A_948 = arith.index_cast %parallel_loop3A_947 : i32 to index
        %parallel_loop3A_949 = arith.index_cast %parallel_loop3A_946 : i32 to index
        %parallel_loop3A_950 = arith.constant 96 : index
        %parallel_loop3A_951 = tpu.vector_load %arg6[%parallel_loop3A_948, %parallel_loop3A_949, %parallel_loop3A_950] {strides = array<i32>} : memref<2x160x128xf32, #tpu.memory_space<vmem>>, vector<1x1x16xf32>,
        %parallel_loop3A_952 = vector.shape_cast %parallel_loop3A_951 : vector<1x1x16xf32> to vector<16xf32>
        %parallel_loop3A_953 = arith.constant 9 : i32
        %parallel_loop3A_954 = arith.addi %parallel_loop3A_316, %parallel_loop3A_953 : i32
        %parallel_loop3A_955 = arith.constant 1 : i32
        %parallel_loop3A_956 = arith.index_cast %parallel_loop3A_955 : i32 to index
        %parallel_loop3A_957 = arith.index_cast %parallel_loop3A_954 : i32 to index
        %parallel_loop3A_958 = arith.constant 96 : index
        %parallel_loop3A_959 = tpu.vector_load %arg6[%parallel_loop3A_956, %parallel_loop3A_957, %parallel_loop3A_958] {strides = array<i32>} : memref<2x160x128xf32, #tpu.memory_space<vmem>>, vector<1x1x16xf32>,
        %parallel_loop3A_960 = vector.shape_cast %parallel_loop3A_959 : vector<1x1x16xf32> to vector<16xf32>
        %parallel_loop3A_961 = arith.addf %parallel_loop3A_888, %parallel_loop3A_896 : vector<16xf32>
        %parallel_loop3A_962 = arith.addf %parallel_loop3A_904, %parallel_loop3A_912 : vector<16xf32>
        %parallel_loop3A_963 = arith.addf %parallel_loop3A_920, %parallel_loop3A_928 : vector<16xf32>
        %parallel_loop3A_964 = arith.addf %parallel_loop3A_936, %parallel_loop3A_944 : vector<16xf32>
        %parallel_loop3A_965 = arith.addf %parallel_loop3A_952, %parallel_loop3A_960 : vector<16xf32>
        %parallel_loop3A_966 = arith.addf %parallel_loop3A_961, %parallel_loop3A_962 : vector<16xf32>
        %parallel_loop3A_967 = arith.addf %parallel_loop3A_963, %parallel_loop3A_964 : vector<16xf32>
        %parallel_loop3A_968 = arith.addf %parallel_loop3A_966, %parallel_loop3A_967 : vector<16xf32>
        %parallel_loop3A_969 = arith.addf %parallel_loop3A_968, %parallel_loop3A_965 : vector<16xf32>
        %parallel_loop3A_970 = arith.index_cast %parallel_loop3A_314 : i32 to index
        %parallel_loop3A_971 = arith.constant 96 : index
        %parallel_loop3A_972 = tpu.vector_load %arg7[%parallel_loop3A_970, %parallel_loop3A_971] {strides = array<i32>} : memref<288x128xf32, #tpu.memory_space<vmem>>, vector<1x16xf32>,
        %parallel_loop3A_973 = vector.shape_cast %parallel_loop3A_972 : vector<1x16xf32> to vector<16xf32>
        %parallel_loop3A_974 = vector.shape_cast %parallel_loop3A_969 : vector<16xf32> to vector<1x16xf32>
        tpu.vector_store %arg7[%parallel_loop3A_970, %parallel_loop3A_971], %parallel_loop3A_974 {strides = array<i32>} : memref<288x128xf32, #tpu.memory_space<vmem>>, vector<1x16xf32>,
        %parallel_loop3A_975 = arith.constant 0 : i32
        %parallel_loop3A_976 = arith.addi %parallel_loop3A_316, %parallel_loop3A_975 : i32
        %parallel_loop3A_977 = arith.constant 1 : i32
        %parallel_loop3A_978 = arith.index_cast %parallel_loop3A_977 : i32 to index
        %parallel_loop3A_979 = arith.index_cast %parallel_loop3A_976 : i32 to index
        %parallel_loop3A_980 = arith.constant 112 : index
        %parallel_loop3A_981 = tpu.vector_load %arg6[%parallel_loop3A_978, %parallel_loop3A_979, %parallel_loop3A_980] {strides = array<i32>} : memref<2x160x128xf32, #tpu.memory_space<vmem>>, vector<1x1x16xf32>,
        %parallel_loop3A_982 = vector.shape_cast %parallel_loop3A_981 : vector<1x1x16xf32> to vector<16xf32>
        %parallel_loop3A_983 = arith.constant 1 : i32
        %parallel_loop3A_984 = arith.addi %parallel_loop3A_316, %parallel_loop3A_983 : i32
        %parallel_loop3A_985 = arith.constant 1 : i32
        %parallel_loop3A_986 = arith.index_cast %parallel_loop3A_985 : i32 to index
        %parallel_loop3A_987 = arith.index_cast %parallel_loop3A_984 : i32 to index
        %parallel_loop3A_988 = arith.constant 112 : index
        %parallel_loop3A_989 = tpu.vector_load %arg6[%parallel_loop3A_986, %parallel_loop3A_987, %parallel_loop3A_988] {strides = array<i32>} : memref<2x160x128xf32, #tpu.memory_space<vmem>>, vector<1x1x16xf32>,
        %parallel_loop3A_990 = vector.shape_cast %parallel_loop3A_989 : vector<1x1x16xf32> to vector<16xf32>
        %parallel_loop3A_991 = arith.constant 2 : i32
        %parallel_loop3A_992 = arith.addi %parallel_loop3A_316, %parallel_loop3A_991 : i32
        %parallel_loop3A_993 = arith.constant 1 : i32
        %parallel_loop3A_994 = arith.index_cast %parallel_loop3A_993 : i32 to index
        %parallel_loop3A_995 = arith.index_cast %parallel_loop3A_992 : i32 to index
        %parallel_loop3A_996 = arith.constant 112 : index
        %parallel_loop3A_997 = tpu.vector_load %arg6[%parallel_loop3A_994, %parallel_loop3A_995, %parallel_loop3A_996] {strides = array<i32>} : memref<2x160x128xf32, #tpu.memory_space<vmem>>, vector<1x1x16xf32>,
        %parallel_loop3A_998 = vector.shape_cast %parallel_loop3A_997 : vector<1x1x16xf32> to vector<16xf32>
        %parallel_loop3A_999 = arith.constant 3 : i32
        %parallel_loop3A_1000 = arith.addi %parallel_loop3A_316, %parallel_loop3A_999 : i32
        %parallel_loop3A_1001 = arith.constant 1 : i32
        %parallel_loop3A_1002 = arith.index_cast %parallel_loop3A_1001 : i32 to index
        %parallel_loop3A_1003 = arith.index_cast %parallel_loop3A_1000 : i32 to index
        %parallel_loop3A_1004 = arith.constant 112 : index
        %parallel_loop3A_1005 = tpu.vector_load %arg6[%parallel_loop3A_1002, %parallel_loop3A_1003, %parallel_loop3A_1004] {strides = array<i32>} : memref<2x160x128xf32, #tpu.memory_space<vmem>>, vector<1x1x16xf32>,
        %parallel_loop3A_1006 = vector.shape_cast %parallel_loop3A_1005 : vector<1x1x16xf32> to vector<16xf32>
        %parallel_loop3A_1007 = arith.constant 4 : i32
        %parallel_loop3A_1008 = arith.addi %parallel_loop3A_316, %parallel_loop3A_1007 : i32
        %parallel_loop3A_1009 = arith.constant 1 : i32
        %parallel_loop3A_1010 = arith.index_cast %parallel_loop3A_1009 : i32 to index
        %parallel_loop3A_1011 = arith.index_cast %parallel_loop3A_1008 : i32 to index
        %parallel_loop3A_1012 = arith.constant 112 : index
        %parallel_loop3A_1013 = tpu.vector_load %arg6[%parallel_loop3A_1010, %parallel_loop3A_1011, %parallel_loop3A_1012] {strides = array<i32>} : memref<2x160x128xf32, #tpu.memory_space<vmem>>, vector<1x1x16xf32>,
        %parallel_loop3A_1014 = vector.shape_cast %parallel_loop3A_1013 : vector<1x1x16xf32> to vector<16xf32>
        %parallel_loop3A_1015 = arith.constant 5 : i32
        %parallel_loop3A_1016 = arith.addi %parallel_loop3A_316, %parallel_loop3A_1015 : i32
        %parallel_loop3A_1017 = arith.constant 1 : i32
        %parallel_loop3A_1018 = arith.index_cast %parallel_loop3A_1017 : i32 to index
        %parallel_loop3A_1019 = arith.index_cast %parallel_loop3A_1016 : i32 to index
        %parallel_loop3A_1020 = arith.constant 112 : index
        %parallel_loop3A_1021 = tpu.vector_load %arg6[%parallel_loop3A_1018, %parallel_loop3A_1019, %parallel_loop3A_1020] {strides = array<i32>} : memref<2x160x128xf32, #tpu.memory_space<vmem>>, vector<1x1x16xf32>,
        %parallel_loop3A_1022 = vector.shape_cast %parallel_loop3A_1021 : vector<1x1x16xf32> to vector<16xf32>
        %parallel_loop3A_1023 = arith.constant 6 : i32
        %parallel_loop3A_1024 = arith.addi %parallel_loop3A_316, %parallel_loop3A_1023 : i32
        %parallel_loop3A_1025 = arith.constant 1 : i32
        %parallel_loop3A_1026 = arith.index_cast %parallel_loop3A_1025 : i32 to index
        %parallel_loop3A_1027 = arith.index_cast %parallel_loop3A_1024 : i32 to index
        %parallel_loop3A_1028 = arith.constant 112 : index
        %parallel_loop3A_1029 = tpu.vector_load %arg6[%parallel_loop3A_1026, %parallel_loop3A_1027, %parallel_loop3A_1028] {strides = array<i32>} : memref<2x160x128xf32, #tpu.memory_space<vmem>>, vector<1x1x16xf32>,
        %parallel_loop3A_1030 = vector.shape_cast %parallel_loop3A_1029 : vector<1x1x16xf32> to vector<16xf32>
        %parallel_loop3A_1031 = arith.constant 7 : i32
        %parallel_loop3A_1032 = arith.addi %parallel_loop3A_316, %parallel_loop3A_1031 : i32
        %parallel_loop3A_1033 = arith.constant 1 : i32
        %parallel_loop3A_1034 = arith.index_cast %parallel_loop3A_1033 : i32 to index
        %parallel_loop3A_1035 = arith.index_cast %parallel_loop3A_1032 : i32 to index
        %parallel_loop3A_1036 = arith.constant 112 : index
        %parallel_loop3A_1037 = tpu.vector_load %arg6[%parallel_loop3A_1034, %parallel_loop3A_1035, %parallel_loop3A_1036] {strides = array<i32>} : memref<2x160x128xf32, #tpu.memory_space<vmem>>, vector<1x1x16xf32>,
        %parallel_loop3A_1038 = vector.shape_cast %parallel_loop3A_1037 : vector<1x1x16xf32> to vector<16xf32>
        %parallel_loop3A_1039 = arith.constant 8 : i32
        %parallel_loop3A_1040 = arith.addi %parallel_loop3A_316, %parallel_loop3A_1039 : i32
        %parallel_loop3A_1041 = arith.constant 1 : i32
        %parallel_loop3A_1042 = arith.index_cast %parallel_loop3A_1041 : i32 to index
        %parallel_loop3A_1043 = arith.index_cast %parallel_loop3A_1040 : i32 to index
        %parallel_loop3A_1044 = arith.constant 112 : index
        %parallel_loop3A_1045 = tpu.vector_load %arg6[%parallel_loop3A_1042, %parallel_loop3A_1043, %parallel_loop3A_1044] {strides = array<i32>} : memref<2x160x128xf32, #tpu.memory_space<vmem>>, vector<1x1x16xf32>,
        %parallel_loop3A_1046 = vector.shape_cast %parallel_loop3A_1045 : vector<1x1x16xf32> to vector<16xf32>
        %parallel_loop3A_1047 = arith.constant 9 : i32
        %parallel_loop3A_1048 = arith.addi %parallel_loop3A_316, %parallel_loop3A_1047 : i32
        %parallel_loop3A_1049 = arith.constant 1 : i32
        %parallel_loop3A_1050 = arith.index_cast %parallel_loop3A_1049 : i32 to index
        %parallel_loop3A_1051 = arith.index_cast %parallel_loop3A_1048 : i32 to index
        %parallel_loop3A_1052 = arith.constant 112 : index
        %parallel_loop3A_1053 = tpu.vector_load %arg6[%parallel_loop3A_1050, %parallel_loop3A_1051, %parallel_loop3A_1052] {strides = array<i32>} : memref<2x160x128xf32, #tpu.memory_space<vmem>>, vector<1x1x16xf32>,
        %parallel_loop3A_1054 = vector.shape_cast %parallel_loop3A_1053 : vector<1x1x16xf32> to vector<16xf32>
        %parallel_loop3A_1055 = arith.addf %parallel_loop3A_982, %parallel_loop3A_990 : vector<16xf32>
        %parallel_loop3A_1056 = arith.addf %parallel_loop3A_998, %parallel_loop3A_1006 : vector<16xf32>
        %parallel_loop3A_1057 = arith.addf %parallel_loop3A_1014, %parallel_loop3A_1022 : vector<16xf32>
        %parallel_loop3A_1058 = arith.addf %parallel_loop3A_1030, %parallel_loop3A_1038 : vector<16xf32>
        %parallel_loop3A_1059 = arith.addf %parallel_loop3A_1046, %parallel_loop3A_1054 : vector<16xf32>
        %parallel_loop3A_1060 = arith.addf %parallel_loop3A_1055, %parallel_loop3A_1056 : vector<16xf32>
        %parallel_loop3A_1061 = arith.addf %parallel_loop3A_1057, %parallel_loop3A_1058 : vector<16xf32>
        %parallel_loop3A_1062 = arith.addf %parallel_loop3A_1060, %parallel_loop3A_1061 : vector<16xf32>
        %parallel_loop3A_1063 = arith.addf %parallel_loop3A_1062, %parallel_loop3A_1059 : vector<16xf32>
        %parallel_loop3A_1064 = arith.index_cast %parallel_loop3A_314 : i32 to index
        %parallel_loop3A_1065 = arith.constant 112 : index
        %parallel_loop3A_1066 = tpu.vector_load %arg7[%parallel_loop3A_1064, %parallel_loop3A_1065] {strides = array<i32>} : memref<288x128xf32, #tpu.memory_space<vmem>>, vector<1x16xf32>,
        %parallel_loop3A_1067 = vector.shape_cast %parallel_loop3A_1066 : vector<1x16xf32> to vector<16xf32>
        %parallel_loop3A_1068 = vector.shape_cast %parallel_loop3A_1063 : vector<16xf32> to vector<1x16xf32>
        tpu.vector_store %arg7[%parallel_loop3A_1064, %parallel_loop3A_1065], %parallel_loop3A_1068 {strides = array<i32>} : memref<288x128xf32, #tpu.memory_space<vmem>>, vector<1x16xf32>,
      } {sc.loop_unroll_factor = 2 : i64, sc.parallel_access}
      %add3A_285 = arith.constant 2 : i32
      %add3A_286 = arith.addi %add3A_266, %add3A_285 : i32
      %rem3A_287 = arith.constant 18 : i32
      %rem3A_288 = arith.remsi %add3A_286, %rem3A_287 : i32
      %mul3A_289 = arith.constant 160 : i32
      %mul3A_290 = arith.muli %rem3A_288, %mul3A_289 : i32
      %dma_start3A_291 = arith.constant 1 : i32
      %dma_start3A_292 = arith.constant 0 : i32
      %dma_start3A_293 = arith.constant 0 : i32
      %dma_start3A_294 = tpu.memref_slice %arg6[%dma_start3A_291, %dma_start3A_292, %dma_start3A_293] : memref<2x160x128xf32, #tpu.memory_space<vmem>> -> memref<1x128x128xf32, #tpu.memory_space<vmem>>
      %dma_start3A_295 = tpu.memref_squeeze %dma_start3A_294 : memref<1x128x128xf32, #tpu.memory_space<vmem>> -> memref<128x128xf32, #tpu.memory_space<vmem>>
      %dma_start3A_296 = tpu.memref_slice %arg5[%mul3A_290] : memref<2880xi32, #tpu.memory_space<vmem>> -> memref<128xi32, #tpu.memory_space<vmem>>
      %dma_start3A_297 = arith.constant 0 : i32
      %dma_start3A_298 = arith.constant 0 : i32
      %dma_start3A_299 = tpu.memref_slice %arg2[%dma_start3A_297, %dma_start3A_298] : memref<5000x128xf32, #tpu.memory_space<hbm>> -> memref<5000x128xf32, #tpu.memory_space<hbm>>
      tpu.enqueue_indirect_dma source(%dma_start3A_299 : memref<5000x128xf32, #tpu.memory_space<hbm>>) target(%dma_start3A_295 : memref<128x128xf32, #tpu.memory_space<vmem>>) offsets(%dma_start3A_296 : memref<128xi32, #tpu.memory_space<vmem>>) semaphore(%arg9 : memref<!tpu.dma_semaphore, #tpu.memory_space<semaphore_mem>>)
      %add3A_300 = arith.constant 128 : i32
      %add3A_301 = arith.addi %mul3A_290, %add3A_300 : i32
      %dma_start3A_302 = arith.constant 1 : i32
      %dma_start3A_303 = arith.constant 128 : i32
      %dma_start3A_304 = arith.constant 0 : i32
      %dma_start3A_305 = tpu.memref_slice %arg6[%dma_start3A_302, %dma_start3A_303, %dma_start3A_304] : memref<2x160x128xf32, #tpu.memory_space<vmem>> -> memref<1x32x128xf32, #tpu.memory_space<vmem>>
      %dma_start3A_306 = tpu.memref_squeeze %dma_start3A_305 : memref<1x32x128xf32, #tpu.memory_space<vmem>> -> memref<32x128xf32, #tpu.memory_space<vmem>>
      %dma_start3A_307 = tpu.memref_slice %arg5[%add3A_301] : memref<2880xi32, #tpu.memory_space<vmem>> -> memref<32xi32, #tpu.memory_space<vmem>>
      %dma_start3A_308 = arith.constant 0 : i32
      %dma_start3A_309 = arith.constant 0 : i32
      %dma_start3A_310 = tpu.memref_slice %arg2[%dma_start3A_308, %dma_start3A_309] : memref<5000x128xf32, #tpu.memory_space<hbm>> -> memref<5000x128xf32, #tpu.memory_space<hbm>>
      tpu.enqueue_indirect_dma source(%dma_start3A_310 : memref<5000x128xf32, #tpu.memory_space<hbm>>) target(%dma_start3A_306 : memref<32x128xf32, #tpu.memory_space<vmem>>) offsets(%dma_start3A_307 : memref<32xi32, #tpu.memory_space<vmem>>) semaphore(%arg9 : memref<!tpu.dma_semaphore, #tpu.memory_space<semaphore_mem>>)
    }
    %scan3A_183 = arith.constant 9 : i32
    %dma_wait3A = arith.constant 0 : i32
    %dma_wait3A_184 = arith.constant 0 : i32
    %dma_wait3A_185 = arith.constant 0 : i32
    %dma_wait3A_186 = tpu.memref_slice %arg6[%dma_wait3A, %dma_wait3A_184, %dma_wait3A_185] : memref<2x160x128xf32, #tpu.memory_space<vmem>> -> memref<1x160x128xf32, #tpu.memory_space<vmem>>
    %dma_wait3A_187 = tpu.memref_squeeze %dma_wait3A_186 : memref<1x160x128xf32, #tpu.memory_space<vmem>> -> memref<160x128xf32, #tpu.memory_space<vmem>>
    %dma_wait3A_188 = arith.constant 0 : i32
    %dma_wait3A_189 = arith.constant 0 : i32
    %dma_wait3A_190 = tpu.memref_slice %arg2[%dma_wait3A_188, %dma_wait3A_189] : memref<5000x128xf32, #tpu.memory_space<hbm>> -> memref<160x128xf32, #tpu.memory_space<hbm>>
    %dma_wait3A_191 = arith.constant 0 : i32
    %dma_wait3A_192 = arith.constant 0 : i32
    %dma_wait3A_193 = tpu.memref_slice %arg6[%dma_wait3A, %dma_wait3A_191, %dma_wait3A_192] : memref<2x160x128xf32, #tpu.memory_space<vmem>> -> memref<1x160x128xf32, #tpu.memory_space<vmem>>
    %dma_wait3A_194 = tpu.memref_squeeze %dma_wait3A_193 : memref<1x160x128xf32, #tpu.memory_space<vmem>> -> memref<160x128xf32, #tpu.memory_space<vmem>>
    %dma_wait3A_195 = arith.constant 0 : i32
    %dma_wait3A_196 = arith.constant 0 : i32
    %dma_wait3A_197 = tpu.memref_slice %arg2[%dma_wait3A_195, %dma_wait3A_196] : memref<5000x128xf32, #tpu.memory_space<hbm>> -> memref<160x128xf32, #tpu.memory_space<hbm>>
    tpu.wait_dma2 semaphore(%arg8 : memref<!tpu.dma_semaphore, #tpu.memory_space<semaphore_mem>>) src(%dma_wait3A_197 : memref<160x128xf32, #tpu.memory_space<hbm>>) dst(%dma_wait3A_194 : memref<160x128xf32, #tpu.memory_space<vmem>>)
    %dma_wait3A_198 = arith.constant 1 : i32
    %dma_wait3A_199 = arith.constant 0 : i32
    %dma_wait3A_200 = arith.constant 0 : i32
    %dma_wait3A_201 = tpu.memref_slice %arg6[%dma_wait3A_198, %dma_wait3A_199, %dma_wait3A_200] : memref<2x160x128xf32, #tpu.memory_space<vmem>> -> memref<1x160x128xf32, #tpu.memory_space<vmem>>
    %dma_wait3A_202 = tpu.memref_squeeze %dma_wait3A_201 : memref<1x160x128xf32, #tpu.memory_space<vmem>> -> memref<160x128xf32, #tpu.memory_space<vmem>>
    %dma_wait3A_203 = arith.constant 0 : i32
    %dma_wait3A_204 = arith.constant 0 : i32
    %dma_wait3A_205 = tpu.memref_slice %arg2[%dma_wait3A_203, %dma_wait3A_204] : memref<5000x128xf32, #tpu.memory_space<hbm>> -> memref<160x128xf32, #tpu.memory_space<hbm>>
    %dma_wait3A_206 = arith.constant 0 : i32
    %dma_wait3A_207 = arith.constant 0 : i32
    %dma_wait3A_208 = tpu.memref_slice %arg6[%dma_wait3A_198, %dma_wait3A_206, %dma_wait3A_207] : memref<2x160x128xf32, #tpu.memory_space<vmem>> -> memref<1x160x128xf32, #tpu.memory_space<vmem>>
    %dma_wait3A_209 = tpu.memref_squeeze %dma_wait3A_208 : memref<1x160x128xf32, #tpu.memory_space<vmem>> -> memref<160x128xf32, #tpu.memory_space<vmem>>
    %dma_wait3A_210 = arith.constant 0 : i32
    %dma_wait3A_211 = arith.constant 0 : i32
    %dma_wait3A_212 = tpu.memref_slice %arg2[%dma_wait3A_210, %dma_wait3A_211] : memref<5000x128xf32, #tpu.memory_space<hbm>> -> memref<160x128xf32, #tpu.memory_space<hbm>>
    tpu.wait_dma2 semaphore(%arg9 : memref<!tpu.dma_semaphore, #tpu.memory_space<semaphore_mem>>) src(%dma_wait3A_212 : memref<160x128xf32, #tpu.memory_space<hbm>>) dst(%dma_wait3A_209 : memref<160x128xf32, #tpu.memory_space<vmem>>)
    %mul3A_213 = arith.constant 288 : i32
    %mul3A_214 = arith.muli %add3A, %mul3A_213 : i32
    "tpu.region"() ({
      %run_scoped3A = tpu.sem_alloc : memref<!tpu.dma_semaphore, #tpu.memory_space<semaphore_mem>>
      %dma_start3A_215 = arith.constant 0 : i32
      %dma_start3A_216 = tpu.memref_slice %arg4[%mul3A_214, %dma_start3A_215] : memref<9216x128xf32, #tpu.memory_space<hbm>> -> memref<288x128xf32, #tpu.memory_space<hbm>>
      %dma_start3A_217 = arith.constant 0 : i32
      %dma_start3A_218 = tpu.memref_slice %arg4[%mul3A_214, %dma_start3A_217] : memref<9216x128xf32, #tpu.memory_space<hbm>> -> memref<288x128xf32, #tpu.memory_space<hbm>>
      tpu.enqueue_dma source(%arg7 : memref<288x128xf32, #tpu.memory_space<vmem>>) target(%dma_start3A_218 : memref<288x128xf32, #tpu.memory_space<hbm>>) target_semaphore(%run_scoped3A : memref<!tpu.dma_semaphore, #tpu.memory_space<semaphore_mem>>)
      %dma_wait3A_219 = arith.constant 0 : i32
      %dma_wait3A_220 = tpu.memref_slice %arg4[%mul3A_214, %dma_wait3A_219] : memref<9216x128xf32, #tpu.memory_space<hbm>> -> memref<288x128xf32, #tpu.memory_space<hbm>>
      %dma_wait3A_221 = arith.constant 0 : i32
      %dma_wait3A_222 = tpu.memref_slice %arg4[%mul3A_214, %dma_wait3A_221] : memref<9216x128xf32, #tpu.memory_space<hbm>> -> memref<288x128xf32, #tpu.memory_space<hbm>>
      tpu.wait_dma2 semaphore(%run_scoped3A : memref<!tpu.dma_semaphore, #tpu.memory_space<semaphore_mem>>) src(%arg7 : memref<288x128xf32, #tpu.memory_space<vmem>>) dst(%dma_wait3A_222 : memref<288x128xf32, #tpu.memory_space<hbm>>)
      tpu.yield
    }) : () -> ()
    return
  }
}

module attributes {stable_mosaic.version = 14 : i64} {
  func.func @body(%arg0: i32, %arg1: memref<16x256xi32, #tpu.memory_space<vmem>>, %arg2: memref<10x512x128xbf16, #tpu.memory_space<vmem>>, %arg3: memref<256x128xf32, #tpu.memory_space<vmem>>) attributes {dimension_semantics = [#tpu.dimension_semantics<arbitrary>], iteration_bounds = array<i64: 28>, scalar_prefetch = 0 : i64, scratch_operands = 0 : i64, tpu.core_type = #tpu.core_type<tc>, window_params = [{transform_indices = @transform_0, window_bounds = array<i64: 16, 256>}, {pipeline_mode = #tpu.pipeline_mode<synchronous>, transform_indices = @transform_1, window_bounds = array<i64: 10, 512, 128>}, {transform_indices = @transform_2, window_bounds = array<i64: 256, 128>}]} {
    %get3A = arith.constant 0 : index
    %get3A_0 = arith.constant 0 : index
    %get3A_1 = vector.load %arg1[%get3A, %get3A_0] : memref<16x256xi32, #tpu.memory_space<vmem>>, vector<16x256xi32>
    %iota3A = tpu.iota {dimensions = array<i32: 1>} : vector<256x512xi32>
    %broadcast_in_dim3A = arith.constant 0.000000e+00 : f32
    %broadcast_in_dim3A_2 = vector.broadcast %broadcast_in_dim3A : f32 to vector<256x128xf32>
    %slice3A = vector.extract_strided_slice %get3A_1 {offsets = [0, 0], sizes = [1, 256], strides = [1, 1]} : vector<16x256xi32> to vector<1x256xi32>
    %squeeze3A = vector.shape_cast %slice3A : vector<1x256xi32> to vector<256xi32>
    %broadcast_in_dim3A_3 = vector.shape_cast %squeeze3A : vector<256xi32> to vector<256x1xi32>
    %eq3A = vector.broadcast %broadcast_in_dim3A_3 : vector<256x1xi32> to vector<256x512xi32>
    %eq3A_4 = arith.cmpi eq, %iota3A, %eq3A : vector<256x512xi32>
    %jit3A = arith.constant 1.000000e+00 : f32
    %jit3A_5 = arith.constant 0.000000e+00 : f32
    %broadcast_in_dim3A_6 = vector.broadcast %jit3A : f32 to vector<256x512xf32>
    %broadcast_in_dim3A_7 = vector.broadcast %jit3A_5 : f32 to vector<256x512xf32>
    %select_n3A = arith.select %eq3A_4, %broadcast_in_dim3A_6, %broadcast_in_dim3A_7 : vector<256x512xi1>, vector<256x512xf32>
    %convert_element_type3A = arith.truncf %select_n3A : vector<256x512xf32> to vector<256x512xbf16>
    %get3A_8 = arith.constant 0 : index
    %get3A_9 = arith.constant 0 : index
    %get3A_10 = arith.constant 0 : index
    %get3A_11 = vector.load %arg2[%get3A_8, %get3A_9, %get3A_10] : memref<10x512x128xbf16, #tpu.memory_space<vmem>>, vector<1x512x128xbf16>
    %get3A_12 = vector.shape_cast %get3A_11 : vector<1x512x128xbf16> to vector<512x128xbf16>
    %dot_general3A = arith.constant dense<0.000000e+00> : vector<256x128xf32>
    %dot_general3A_13 = tpu.matmul %convert_element_type3A, %get3A_12, %dot_general3A {dimension_numbers = #tpu.dot_dimension_numbers<[1], [0], [0], [1], [0, 0, 1, 1], [], []>, transpose_lhs_hint = false} : vector<256x512xbf16>, vector<512x128xbf16>, vector<256x128xf32> -> vector<256x128xf32>
    %add3A = arith.addf %broadcast_in_dim3A_2, %dot_general3A_13 : vector<256x128xf32>
    %slice3A_14 = vector.extract_strided_slice %get3A_1 {offsets = [1, 0], sizes = [1, 256], strides = [1, 1]} : vector<16x256xi32> to vector<1x256xi32>
    %squeeze3A_15 = vector.shape_cast %slice3A_14 : vector<1x256xi32> to vector<256xi32>
    %broadcast_in_dim3A_16 = vector.shape_cast %squeeze3A_15 : vector<256xi32> to vector<256x1xi32>
    %eq3A_17 = vector.broadcast %broadcast_in_dim3A_16 : vector<256x1xi32> to vector<256x512xi32>
    %eq3A_18 = arith.cmpi eq, %iota3A, %eq3A_17 : vector<256x512xi32>
    %jit3A_19 = arith.constant 1.000000e+00 : f32
    %jit3A_20 = arith.constant 0.000000e+00 : f32
    %broadcast_in_dim3A_21 = vector.broadcast %jit3A_19 : f32 to vector<256x512xf32>
    %broadcast_in_dim3A_22 = vector.broadcast %jit3A_20 : f32 to vector<256x512xf32>
    %select_n3A_23 = arith.select %eq3A_18, %broadcast_in_dim3A_21, %broadcast_in_dim3A_22 : vector<256x512xi1>, vector<256x512xf32>
    %convert_element_type3A_24 = arith.truncf %select_n3A_23 : vector<256x512xf32> to vector<256x512xbf16>
    %get3A_25 = arith.constant 1 : index
    %get3A_26 = arith.constant 0 : index
    %get3A_27 = arith.constant 0 : index
    %get3A_28 = vector.load %arg2[%get3A_25, %get3A_26, %get3A_27] : memref<10x512x128xbf16, #tpu.memory_space<vmem>>, vector<1x512x128xbf16>
    %get3A_29 = vector.shape_cast %get3A_28 : vector<1x512x128xbf16> to vector<512x128xbf16>
    %dot_general3A_30 = arith.constant dense<0.000000e+00> : vector<256x128xf32>
    %dot_general3A_31 = tpu.matmul %convert_element_type3A_24, %get3A_29, %dot_general3A_30 {dimension_numbers = #tpu.dot_dimension_numbers<[1], [0], [0], [1], [0, 0, 1, 1], [], []>, transpose_lhs_hint = false} : vector<256x512xbf16>, vector<512x128xbf16>, vector<256x128xf32> -> vector<256x128xf32>
    %add3A_32 = arith.addf %add3A, %dot_general3A_31 : vector<256x128xf32>
    %slice3A_33 = vector.extract_strided_slice %get3A_1 {offsets = [2, 0], sizes = [1, 256], strides = [1, 1]} : vector<16x256xi32> to vector<1x256xi32>
    %squeeze3A_34 = vector.shape_cast %slice3A_33 : vector<1x256xi32> to vector<256xi32>
    %broadcast_in_dim3A_35 = vector.shape_cast %squeeze3A_34 : vector<256xi32> to vector<256x1xi32>
    %eq3A_36 = vector.broadcast %broadcast_in_dim3A_35 : vector<256x1xi32> to vector<256x512xi32>
    %eq3A_37 = arith.cmpi eq, %iota3A, %eq3A_36 : vector<256x512xi32>
    %jit3A_38 = arith.constant 1.000000e+00 : f32
    %jit3A_39 = arith.constant 0.000000e+00 : f32
    %broadcast_in_dim3A_40 = vector.broadcast %jit3A_38 : f32 to vector<256x512xf32>
    %broadcast_in_dim3A_41 = vector.broadcast %jit3A_39 : f32 to vector<256x512xf32>
    %select_n3A_42 = arith.select %eq3A_37, %broadcast_in_dim3A_40, %broadcast_in_dim3A_41 : vector<256x512xi1>, vector<256x512xf32>
    %convert_element_type3A_43 = arith.truncf %select_n3A_42 : vector<256x512xf32> to vector<256x512xbf16>
    %get3A_44 = arith.constant 2 : index
    %get3A_45 = arith.constant 0 : index
    %get3A_46 = arith.constant 0 : index
    %get3A_47 = vector.load %arg2[%get3A_44, %get3A_45, %get3A_46] : memref<10x512x128xbf16, #tpu.memory_space<vmem>>, vector<1x512x128xbf16>
    %get3A_48 = vector.shape_cast %get3A_47 : vector<1x512x128xbf16> to vector<512x128xbf16>
    %dot_general3A_49 = arith.constant dense<0.000000e+00> : vector<256x128xf32>
    %dot_general3A_50 = tpu.matmul %convert_element_type3A_43, %get3A_48, %dot_general3A_49 {dimension_numbers = #tpu.dot_dimension_numbers<[1], [0], [0], [1], [0, 0, 1, 1], [], []>, transpose_lhs_hint = false} : vector<256x512xbf16>, vector<512x128xbf16>, vector<256x128xf32> -> vector<256x128xf32>
    %add3A_51 = arith.addf %add3A_32, %dot_general3A_50 : vector<256x128xf32>
    %slice3A_52 = vector.extract_strided_slice %get3A_1 {offsets = [3, 0], sizes = [1, 256], strides = [1, 1]} : vector<16x256xi32> to vector<1x256xi32>
    %squeeze3A_53 = vector.shape_cast %slice3A_52 : vector<1x256xi32> to vector<256xi32>
    %broadcast_in_dim3A_54 = vector.shape_cast %squeeze3A_53 : vector<256xi32> to vector<256x1xi32>
    %eq3A_55 = vector.broadcast %broadcast_in_dim3A_54 : vector<256x1xi32> to vector<256x512xi32>
    %eq3A_56 = arith.cmpi eq, %iota3A, %eq3A_55 : vector<256x512xi32>
    %jit3A_57 = arith.constant 1.000000e+00 : f32
    %jit3A_58 = arith.constant 0.000000e+00 : f32
    %broadcast_in_dim3A_59 = vector.broadcast %jit3A_57 : f32 to vector<256x512xf32>
    %broadcast_in_dim3A_60 = vector.broadcast %jit3A_58 : f32 to vector<256x512xf32>
    %select_n3A_61 = arith.select %eq3A_56, %broadcast_in_dim3A_59, %broadcast_in_dim3A_60 : vector<256x512xi1>, vector<256x512xf32>
    %convert_element_type3A_62 = arith.truncf %select_n3A_61 : vector<256x512xf32> to vector<256x512xbf16>
    %get3A_63 = arith.constant 3 : index
    %get3A_64 = arith.constant 0 : index
    %get3A_65 = arith.constant 0 : index
    %get3A_66 = vector.load %arg2[%get3A_63, %get3A_64, %get3A_65] : memref<10x512x128xbf16, #tpu.memory_space<vmem>>, vector<1x512x128xbf16>
    %get3A_67 = vector.shape_cast %get3A_66 : vector<1x512x128xbf16> to vector<512x128xbf16>
    %dot_general3A_68 = arith.constant dense<0.000000e+00> : vector<256x128xf32>
    %dot_general3A_69 = tpu.matmul %convert_element_type3A_62, %get3A_67, %dot_general3A_68 {dimension_numbers = #tpu.dot_dimension_numbers<[1], [0], [0], [1], [0, 0, 1, 1], [], []>, transpose_lhs_hint = false} : vector<256x512xbf16>, vector<512x128xbf16>, vector<256x128xf32> -> vector<256x128xf32>
    %add3A_70 = arith.addf %add3A_51, %dot_general3A_69 : vector<256x128xf32>
    %slice3A_71 = vector.extract_strided_slice %get3A_1 {offsets = [4, 0], sizes = [1, 256], strides = [1, 1]} : vector<16x256xi32> to vector<1x256xi32>
    %squeeze3A_72 = vector.shape_cast %slice3A_71 : vector<1x256xi32> to vector<256xi32>
    %broadcast_in_dim3A_73 = vector.shape_cast %squeeze3A_72 : vector<256xi32> to vector<256x1xi32>
    %eq3A_74 = vector.broadcast %broadcast_in_dim3A_73 : vector<256x1xi32> to vector<256x512xi32>
    %eq3A_75 = arith.cmpi eq, %iota3A, %eq3A_74 : vector<256x512xi32>
    %jit3A_76 = arith.constant 1.000000e+00 : f32
    %jit3A_77 = arith.constant 0.000000e+00 : f32
    %broadcast_in_dim3A_78 = vector.broadcast %jit3A_76 : f32 to vector<256x512xf32>
    %broadcast_in_dim3A_79 = vector.broadcast %jit3A_77 : f32 to vector<256x512xf32>
    %select_n3A_80 = arith.select %eq3A_75, %broadcast_in_dim3A_78, %broadcast_in_dim3A_79 : vector<256x512xi1>, vector<256x512xf32>
    %convert_element_type3A_81 = arith.truncf %select_n3A_80 : vector<256x512xf32> to vector<256x512xbf16>
    %get3A_82 = arith.constant 4 : index
    %get3A_83 = arith.constant 0 : index
    %get3A_84 = arith.constant 0 : index
    %get3A_85 = vector.load %arg2[%get3A_82, %get3A_83, %get3A_84] : memref<10x512x128xbf16, #tpu.memory_space<vmem>>, vector<1x512x128xbf16>
    %get3A_86 = vector.shape_cast %get3A_85 : vector<1x512x128xbf16> to vector<512x128xbf16>
    %dot_general3A_87 = arith.constant dense<0.000000e+00> : vector<256x128xf32>
    %dot_general3A_88 = tpu.matmul %convert_element_type3A_81, %get3A_86, %dot_general3A_87 {dimension_numbers = #tpu.dot_dimension_numbers<[1], [0], [0], [1], [0, 0, 1, 1], [], []>, transpose_lhs_hint = false} : vector<256x512xbf16>, vector<512x128xbf16>, vector<256x128xf32> -> vector<256x128xf32>
    %add3A_89 = arith.addf %add3A_70, %dot_general3A_88 : vector<256x128xf32>
    %slice3A_90 = vector.extract_strided_slice %get3A_1 {offsets = [5, 0], sizes = [1, 256], strides = [1, 1]} : vector<16x256xi32> to vector<1x256xi32>
    %squeeze3A_91 = vector.shape_cast %slice3A_90 : vector<1x256xi32> to vector<256xi32>
    %broadcast_in_dim3A_92 = vector.shape_cast %squeeze3A_91 : vector<256xi32> to vector<256x1xi32>
    %eq3A_93 = vector.broadcast %broadcast_in_dim3A_92 : vector<256x1xi32> to vector<256x512xi32>
    %eq3A_94 = arith.cmpi eq, %iota3A, %eq3A_93 : vector<256x512xi32>
    %jit3A_95 = arith.constant 1.000000e+00 : f32
    %jit3A_96 = arith.constant 0.000000e+00 : f32
    %broadcast_in_dim3A_97 = vector.broadcast %jit3A_95 : f32 to vector<256x512xf32>
    %broadcast_in_dim3A_98 = vector.broadcast %jit3A_96 : f32 to vector<256x512xf32>
    %select_n3A_99 = arith.select %eq3A_94, %broadcast_in_dim3A_97, %broadcast_in_dim3A_98 : vector<256x512xi1>, vector<256x512xf32>
    %convert_element_type3A_100 = arith.truncf %select_n3A_99 : vector<256x512xf32> to vector<256x512xbf16>
    %get3A_101 = arith.constant 5 : index
    %get3A_102 = arith.constant 0 : index
    %get3A_103 = arith.constant 0 : index
    %get3A_104 = vector.load %arg2[%get3A_101, %get3A_102, %get3A_103] : memref<10x512x128xbf16, #tpu.memory_space<vmem>>, vector<1x512x128xbf16>
    %get3A_105 = vector.shape_cast %get3A_104 : vector<1x512x128xbf16> to vector<512x128xbf16>
    %dot_general3A_106 = arith.constant dense<0.000000e+00> : vector<256x128xf32>
    %dot_general3A_107 = tpu.matmul %convert_element_type3A_100, %get3A_105, %dot_general3A_106 {dimension_numbers = #tpu.dot_dimension_numbers<[1], [0], [0], [1], [0, 0, 1, 1], [], []>, transpose_lhs_hint = false} : vector<256x512xbf16>, vector<512x128xbf16>, vector<256x128xf32> -> vector<256x128xf32>
    %add3A_108 = arith.addf %add3A_89, %dot_general3A_107 : vector<256x128xf32>
    %slice3A_109 = vector.extract_strided_slice %get3A_1 {offsets = [6, 0], sizes = [1, 256], strides = [1, 1]} : vector<16x256xi32> to vector<1x256xi32>
    %squeeze3A_110 = vector.shape_cast %slice3A_109 : vector<1x256xi32> to vector<256xi32>
    %broadcast_in_dim3A_111 = vector.shape_cast %squeeze3A_110 : vector<256xi32> to vector<256x1xi32>
    %eq3A_112 = vector.broadcast %broadcast_in_dim3A_111 : vector<256x1xi32> to vector<256x512xi32>
    %eq3A_113 = arith.cmpi eq, %iota3A, %eq3A_112 : vector<256x512xi32>
    %jit3A_114 = arith.constant 1.000000e+00 : f32
    %jit3A_115 = arith.constant 0.000000e+00 : f32
    %broadcast_in_dim3A_116 = vector.broadcast %jit3A_114 : f32 to vector<256x512xf32>
    %broadcast_in_dim3A_117 = vector.broadcast %jit3A_115 : f32 to vector<256x512xf32>
    %select_n3A_118 = arith.select %eq3A_113, %broadcast_in_dim3A_116, %broadcast_in_dim3A_117 : vector<256x512xi1>, vector<256x512xf32>
    %convert_element_type3A_119 = arith.truncf %select_n3A_118 : vector<256x512xf32> to vector<256x512xbf16>
    %get3A_120 = arith.constant 6 : index
    %get3A_121 = arith.constant 0 : index
    %get3A_122 = arith.constant 0 : index
    %get3A_123 = vector.load %arg2[%get3A_120, %get3A_121, %get3A_122] : memref<10x512x128xbf16, #tpu.memory_space<vmem>>, vector<1x512x128xbf16>
    %get3A_124 = vector.shape_cast %get3A_123 : vector<1x512x128xbf16> to vector<512x128xbf16>
    %dot_general3A_125 = arith.constant dense<0.000000e+00> : vector<256x128xf32>
    %dot_general3A_126 = tpu.matmul %convert_element_type3A_119, %get3A_124, %dot_general3A_125 {dimension_numbers = #tpu.dot_dimension_numbers<[1], [0], [0], [1], [0, 0, 1, 1], [], []>, transpose_lhs_hint = false} : vector<256x512xbf16>, vector<512x128xbf16>, vector<256x128xf32> -> vector<256x128xf32>
    %add3A_127 = arith.addf %add3A_108, %dot_general3A_126 : vector<256x128xf32>
    %slice3A_128 = vector.extract_strided_slice %get3A_1 {offsets = [7, 0], sizes = [1, 256], strides = [1, 1]} : vector<16x256xi32> to vector<1x256xi32>
    %squeeze3A_129 = vector.shape_cast %slice3A_128 : vector<1x256xi32> to vector<256xi32>
    %broadcast_in_dim3A_130 = vector.shape_cast %squeeze3A_129 : vector<256xi32> to vector<256x1xi32>
    %eq3A_131 = vector.broadcast %broadcast_in_dim3A_130 : vector<256x1xi32> to vector<256x512xi32>
    %eq3A_132 = arith.cmpi eq, %iota3A, %eq3A_131 : vector<256x512xi32>
    %jit3A_133 = arith.constant 1.000000e+00 : f32
    %jit3A_134 = arith.constant 0.000000e+00 : f32
    %broadcast_in_dim3A_135 = vector.broadcast %jit3A_133 : f32 to vector<256x512xf32>
    %broadcast_in_dim3A_136 = vector.broadcast %jit3A_134 : f32 to vector<256x512xf32>
    %select_n3A_137 = arith.select %eq3A_132, %broadcast_in_dim3A_135, %broadcast_in_dim3A_136 : vector<256x512xi1>, vector<256x512xf32>
    %convert_element_type3A_138 = arith.truncf %select_n3A_137 : vector<256x512xf32> to vector<256x512xbf16>
    %get3A_139 = arith.constant 7 : index
    %get3A_140 = arith.constant 0 : index
    %get3A_141 = arith.constant 0 : index
    %get3A_142 = vector.load %arg2[%get3A_139, %get3A_140, %get3A_141] : memref<10x512x128xbf16, #tpu.memory_space<vmem>>, vector<1x512x128xbf16>
    %get3A_143 = vector.shape_cast %get3A_142 : vector<1x512x128xbf16> to vector<512x128xbf16>
    %dot_general3A_144 = arith.constant dense<0.000000e+00> : vector<256x128xf32>
    %dot_general3A_145 = tpu.matmul %convert_element_type3A_138, %get3A_143, %dot_general3A_144 {dimension_numbers = #tpu.dot_dimension_numbers<[1], [0], [0], [1], [0, 0, 1, 1], [], []>, transpose_lhs_hint = false} : vector<256x512xbf16>, vector<512x128xbf16>, vector<256x128xf32> -> vector<256x128xf32>
    %add3A_146 = arith.addf %add3A_127, %dot_general3A_145 : vector<256x128xf32>
    %slice3A_147 = vector.extract_strided_slice %get3A_1 {offsets = [8, 0], sizes = [1, 256], strides = [1, 1]} : vector<16x256xi32> to vector<1x256xi32>
    %squeeze3A_148 = vector.shape_cast %slice3A_147 : vector<1x256xi32> to vector<256xi32>
    %broadcast_in_dim3A_149 = vector.shape_cast %squeeze3A_148 : vector<256xi32> to vector<256x1xi32>
    %eq3A_150 = vector.broadcast %broadcast_in_dim3A_149 : vector<256x1xi32> to vector<256x512xi32>
    %eq3A_151 = arith.cmpi eq, %iota3A, %eq3A_150 : vector<256x512xi32>
    %jit3A_152 = arith.constant 1.000000e+00 : f32
    %jit3A_153 = arith.constant 0.000000e+00 : f32
    %broadcast_in_dim3A_154 = vector.broadcast %jit3A_152 : f32 to vector<256x512xf32>
    %broadcast_in_dim3A_155 = vector.broadcast %jit3A_153 : f32 to vector<256x512xf32>
    %select_n3A_156 = arith.select %eq3A_151, %broadcast_in_dim3A_154, %broadcast_in_dim3A_155 : vector<256x512xi1>, vector<256x512xf32>
    %convert_element_type3A_157 = arith.truncf %select_n3A_156 : vector<256x512xf32> to vector<256x512xbf16>
    %get3A_158 = arith.constant 8 : index
    %get3A_159 = arith.constant 0 : index
    %get3A_160 = arith.constant 0 : index
    %get3A_161 = vector.load %arg2[%get3A_158, %get3A_159, %get3A_160] : memref<10x512x128xbf16, #tpu.memory_space<vmem>>, vector<1x512x128xbf16>
    %get3A_162 = vector.shape_cast %get3A_161 : vector<1x512x128xbf16> to vector<512x128xbf16>
    %dot_general3A_163 = arith.constant dense<0.000000e+00> : vector<256x128xf32>
    %dot_general3A_164 = tpu.matmul %convert_element_type3A_157, %get3A_162, %dot_general3A_163 {dimension_numbers = #tpu.dot_dimension_numbers<[1], [0], [0], [1], [0, 0, 1, 1], [], []>, transpose_lhs_hint = false} : vector<256x512xbf16>, vector<512x128xbf16>, vector<256x128xf32> -> vector<256x128xf32>
    %add3A_165 = arith.addf %add3A_146, %dot_general3A_164 : vector<256x128xf32>
    %slice3A_166 = vector.extract_strided_slice %get3A_1 {offsets = [9, 0], sizes = [1, 256], strides = [1, 1]} : vector<16x256xi32> to vector<1x256xi32>
    %squeeze3A_167 = vector.shape_cast %slice3A_166 : vector<1x256xi32> to vector<256xi32>
    %broadcast_in_dim3A_168 = vector.shape_cast %squeeze3A_167 : vector<256xi32> to vector<256x1xi32>
    %eq3A_169 = vector.broadcast %broadcast_in_dim3A_168 : vector<256x1xi32> to vector<256x512xi32>
    %eq3A_170 = arith.cmpi eq, %iota3A, %eq3A_169 : vector<256x512xi32>
    %jit3A_171 = arith.constant 1.000000e+00 : f32
    %jit3A_172 = arith.constant 0.000000e+00 : f32
    %broadcast_in_dim3A_173 = vector.broadcast %jit3A_171 : f32 to vector<256x512xf32>
    %broadcast_in_dim3A_174 = vector.broadcast %jit3A_172 : f32 to vector<256x512xf32>
    %select_n3A_175 = arith.select %eq3A_170, %broadcast_in_dim3A_173, %broadcast_in_dim3A_174 : vector<256x512xi1>, vector<256x512xf32>
    %convert_element_type3A_176 = arith.truncf %select_n3A_175 : vector<256x512xf32> to vector<256x512xbf16>
    %get3A_177 = arith.constant 9 : index
    %get3A_178 = arith.constant 0 : index
    %get3A_179 = arith.constant 0 : index
    %get3A_180 = vector.load %arg2[%get3A_177, %get3A_178, %get3A_179] : memref<10x512x128xbf16, #tpu.memory_space<vmem>>, vector<1x512x128xbf16>
    %get3A_181 = vector.shape_cast %get3A_180 : vector<1x512x128xbf16> to vector<512x128xbf16>
    %dot_general3A_182 = arith.constant dense<0.000000e+00> : vector<256x128xf32>
    %dot_general3A_183 = tpu.matmul %convert_element_type3A_176, %get3A_181, %dot_general3A_182 {dimension_numbers = #tpu.dot_dimension_numbers<[1], [0], [0], [1], [0, 0, 1, 1], [], []>, transpose_lhs_hint = false} : vector<256x512xbf16>, vector<512x128xbf16>, vector<256x128xf32> -> vector<256x128xf32>
    %add3A_184 = arith.addf %add3A_165, %dot_general3A_183 : vector<256x128xf32>
    %swap3A = arith.constant 0 : index
    %swap3A_185 = arith.constant 0 : index
    %swap3A_186 = vector.load %arg3[%swap3A, %swap3A_185] : memref<256x128xf32, #tpu.memory_space<vmem>>, vector<256x128xf32>
    tpu.vector_store %arg3[%swap3A, %swap3A_185], %add3A_184 {strides = array<i32>} : memref<256x128xf32, #tpu.memory_space<vmem>>, vector<256x128xf32>,
    return
  }
  func.func @transform_0(%arg0: i32) -> (i32, i32) {
    %c0_i32 = arith.constant 0 : i32
    %c0_i32_0 = arith.constant 0 : i32
    return %c0_i32, %arg0 : i32, i32
  }
  func.func @transform_1(%arg0: i32) -> (i32, i32, i32) {
    %c0_i32 = arith.constant 0 : i32
    %c0_i32_0 = arith.constant 0 : i32
    %c0_i32_1 = arith.constant 0 : i32
    %c0_i32_2 = arith.constant 0 : i32
    return %c0_i32, %c0_i32_0, %c0_i32_1 : i32, i32, i32
  }
  func.func @transform_2(%arg0: i32) -> (i32, i32) {
    %c0_i32 = arith.constant 0 : i32
    %c0_i32_0 = arith.constant 0 : i32
    return %arg0, %c0_i32 : i32, i32
  }
}

</mosaic_0001>

<sc_bundles>
// kernel: kernel.4.cloned.1.call-start
scs
__scs_entry_jumppad:
0x0: {  	(pc) =	sbr.rel $0x88, $3  }
0x1: {  	(tag) =	ssettag $0x0;
	lr =	simm.s32 $0x1  }
0x2: {  	[smem:$0x3F9F] =	sst lr;
	_ =	strace $0xD0000000  }
0x3: {  	_ = 	snop  }
0x4: {  	_ = 	snop  }
0x5: {  	_ = 	snop  }
0x6: {  	_ = 	snop  }
0x7: {  	_ = 	snop  }
__scs_overlays_trampoline_lowered:
0x8: {  	[smem:$0x3FAE] =	sst s0  }
0x9: {  	[smem:$0x3FAF] =	sst s1  }
0xa: {  	[smem:$0x3FB0] =	sst s2  }
0xb: {  	[smem:$0x3FB1] =	sst s3  }
0xc: {  	[smem:$0x3FB2] =	sst s4  }
0xd: {  	[smem:$0x3FB3] =	sst s5  }
0xe: {  	[smem:$0x3FB4] =	sst s6  }
0xf: {  	[smem:$0x3FB5] =	sst s7  }
0x10: {  	[smem:$0x3FB6] =	sst s8  }
0x11: {  	[smem:$0x3FB7] =	sst s9;
	s0 =	simm.s32 @!p0 $0x0  }
0x12: {  	s1 =	sld [smem:$0x3F9D];
	s0 =	simm.s32 @p0 $0x1  }
0x13: {  	[smem:$0x3FB8] =	sst s0;
	s0 =	simm.s32 @!p1 $0x0  }
0x14: {  	s2 =	sld [smem:$0x3F9C];
	s0 =	simm.s32 @p1 $0x1  }
0x15: {  	[smem:$0x3FB9] =	sst s0;
	s0 =	simm.s32 @!p2 $0x0  }
0x16: {  	s3 =	sld [smem:$0x3FDB];
	s0 =	simm.s32 @p2 $0x1  }
0x17: {  	s4 =	simm.s32 $0x1BF5;
	[smem:$0x3FBB] =	sst s0  }
0x18: {  	s0 =	sld [smem:$0x3F9E];
	_ =	swait.ge [sflag:s4], $0x0  }
0x19: {  	s7 =	sld [smem:$0x3F9F]  }
0x1a: {  	s8 =	sadd.s32 $0xFFFFE003, lr  }
0x1b: {  	s9 =	sadd.s32 $0xFFFFFEF7, lr;
	s5 =	simm.s32 $0xFFFFFFFF;
	p2 =	slt.u32 s8, $0xFFFFF086  }
0x1c: {  	p1 =	slt.u32 s9, $0xF7A;
	s5 =	simm.s32 @!p2 $0x0  }
0x1d: {  	s5 =	simm.s32 @p1 $0x1;
	p0 =	seq.s32 s7, s2  }
0x1e: {  	s7 =	smul.u32 @!p0 $0xF7A, s2;
	p2 =	seq.s32 @!p0 s5, $0x0  }
0x1f: {  	s9 =	smul.u32 $0xF7A, s1;
	s8 =	simm.s32 @!p0 $0x1BF5;
	p2 =	por !p2, p0  }
0x20: {  	[sflag:s8] =	ssyncset.s32 @!p0 $0xFFFFF086;
	s6 =	sadd.s32 @!p0 s3, s7;
	s7 =	simm.s32 @!p0 $0x108  }
0x21: {  	s3 =	sadd.s32 s3, s9;
	s6 =	sadd.s32 @!p0 $0x88, s6;
	s7 =	simm.s32 @p2 $0x1082  }
0x22: {  	[simem:s7], [sflag:s8] =	dma.local @!p0 [hbm:s6], $0xF7A  }
0x23: {  	s9 =	sor.u32 $0xD0000000, s2;
	s6 =	simm.s32 $0x108;
	_ =	swait.ge @!p0 [sflag:s8], $0x0  }
0x24: {  	s3 =	sadd.s32 $0x88, s3;
	s6 =	simm.s32 @!p1 $0x1082;
	[sflag:s4] =	ssyncset.s32 $0xFFFFF086  }
0x25: {  	[simem:s6], [sflag:s4] =	dma.local [hbm:s3], $0xF7A  }
0x26: {  	[smem:$0x3F9F] =	sst s1;
	(tag) =	ssettag s2;
	_ =	strace s9  }
0x27: {  	s1 =	sld [smem:$0x3FAF]  }
0x28: {  	s2 =	sld [smem:$0x3FB0]  }
0x29: {  	s4 =	sld [smem:$0x3FB2]  }
0x2a: {  	p0 =	seq.s32 s5, $0x0;
	s5 =	sld [smem:$0x3FB3]  }
0x2b: {  	s6 =	sld [smem:$0x3FB4]  }
0x2c: {  	s7 =	sld [smem:$0x3FB5]  }
0x2d: {  	s3 =	simm.s32 $0x108;
	s8 =	sld [smem:$0x3FB6]  }
0x2e: {  	s3 =	simm.s32 @!p0 $0x1082;
	s9 =	sld [smem:$0x3FB7]  }
0x2f: {  	lr =	sadd.s32 s0, s3;
	s0 =	sld [smem:$0x3FAE]  }
0x30: {  	s3 =	sld [smem:$0x3FB1]  }
0x31: {  	[smem:$0x3FBA] =	sst s10  }
0x32: {  	s10 =	sld [smem:$0x3FB8];
	_ =	sdelay $0x3  }
0x33: {  	p0 =	seq.s32 s10, $0x1;
	s10 =	sld [smem:$0x3FBA];
	_ =	sdelay $0x3  }
0x34: {  	[smem:$0x3FBA] =	sst s10  }
0x35: {  	s10 =	sld [smem:$0x3FB9];
	_ =	sdelay $0x3  }
0x36: {  	p1 =	seq.s32 s10, $0x1;
	s10 =	sld [smem:$0x3FBA];
	_ =	sdelay $0x3  }
0x37: {  	[smem:$0x3FBA] =	sst s10  }
0x38: {  	s10 =	sld [smem:$0x3FBB]  }
0x39: {  	_ = 	snop;
	(pc) =	sbr.ind lr, $3  }
0x3a: {  	_ = 	snop  }
0x3b: {  	_ = 	snop  }
0x3c: {  	p2 =	seq.s32 s10, $0x1;
	s10 =	sld [smem:$0x3FBA]  }
0x3d: {  	_ =	shalt  }
0x3e: {  	_ =	shalt  }
0x3f: {  	_ =	shalt  }
0x40: {  	_ =	shalt  }
0x41: {  	_ =	shalt  }
0x42: {  	_ =	shalt  }
0x43: {  	_ =	shalt  }
0x44: {  	_ =	shalt  }
0x45: {  	_ =	shalt  }
0x46: {  	_ =	shalt  }
0x47: {  	_ =	shalt  }
0x48: {  	_ =	shalt  }
0x49: {  	_ =	shalt  }
0x4a: {  	_ =	shalt  }
0x4b: {  	_ =	shalt  }
0x4c: {  	_ =	shalt  }
0x4d: {  	_ =	shalt  }
0x4e: {  	_ =	shalt  }
0x4f: {  	_ =	shalt  }
0x50: {  	_ =	shalt  }
0x51: {  	_ =	shalt  }
0x52: {  	_ =	shalt  }
0x53: {  	_ =	shalt  }
0x54: {  	_ =	shalt  }
0x55: {  	_ =	shalt  }
0x56: {  	_ =	shalt  }
0x57: {  	_ =	shalt  }
0x58: {  	_ =	shalt  }
0x59: {  	_ =	shalt  }
0x5a: {  	_ =	shalt  }
0x5b: {  	_ =	shalt  }
0x5c: {  	_ =	shalt  }
0x5d: {  	_ =	shalt  }
0x5e: {  	_ =	shalt  }
0x5f: {  	_ =	shalt  }
0x60: {  	_ =	shalt  }
0x61: {  	_ =	shalt  }
0x62: {  	_ =	shalt  }
0x63: {  	_ =	shalt  }
0x64: {  	_ =	shalt  }
0x65: {  	_ =	shalt  }
0x66: {  	_ =	shalt  }
0x67: {  	_ =	shalt  }
0x68: {  	_ =	shalt  }
0x69: {  	_ =	shalt  }
0x6a: {  	_ =	shalt  }
0x6b: {  	_ =	shalt  }
0x6c: {  	_ =	shalt  }
0x6d: {  	_ =	shalt  }
0x6e: {  	_ =	shalt  }
0x6f: {  	_ =	shalt  }
0x70: {  	_ =	shalt  }
0x71: {  	_ =	shalt  }
0x72: {  	_ =	shalt  }
0x73: {  	_ =	shalt  }
0x74: {  	_ =	shalt  }
0x75: {  	_ =	shalt  }
0x76: {  	_ =	shalt  }
0x77: {  	_ =	shalt  }
0x78: {  	_ =	shalt  }
0x79: {  	_ =	shalt  }
0x7a: {  	_ =	shalt  }
0x7b: {  	_ =	shalt  }
0x7c: {  	_ =	shalt  }
0x7d: {  	_ =	shalt  }
0x7e: {  	_ =	shalt  }
0x7f: {  	_ =	shalt  }
0x80: {  	_ =	shalt  }
0x81: {  	_ =	shalt  }
0x82: {  	_ =	shalt  }
0x83: {  	_ =	shalt  }
0x84: {  	_ =	shalt  }
0x85: {  	_ =	shalt  }
0x86: {  	_ =	shalt  }
0x87: {  	_ =	shalt  }
.Lfunc_end0:
.L_simem_size_0:
called_computation_lowered:
.L_overlay_start_0:
0x88: {  	s2 =	sld [smem:$0x3FD9]  }
0x89: {  	s3 =	sld [smem:$0x3FFE];
	_ =	sdelay $0x1  }
0x8a: {  	s1 =	srdreg.scid  }
0x8b: {  	s0 =	sand.u32 $0x1, s1  }
0x8c: {  	s17 =	sshll.u32 s0, $0xA;
	s2 =	sadd.s32 s3, s2  }
0x8d: {  	s2 =	sadd.s32 s2, s17  }
0x8e: {  	[smem:$0x3FC6] =	sst s2  }
0x8f: {  	_ = 	snop  }
0x90: {  	s2 =	sld [smem:$0x3FD0];
	(tm) =	ssettm $0x1  }
0x91: {  	s18 =	sld [smem:$0x3FFB];
	_ =	sdelay $0x3  }
0x92: {  	_ =	strace s18  }
0x93: {  	s3 =	sld [smem:$0x3FFC];
	_ =	sdelay $0x3  }
0x94: {  	_ =	strace s3  }
0x95: {  	s3 =	sld [smem:$0x3FFD];
	_ =	sdelay $0x3  }
0x96: {  	_ =	strace s3  }
0x97: {  	_ =	strace $0x8FFFFFFF  }
0x98: {  	s19 =	sld [smem:$0x3FDB];
	_ =	sdelay $0x1  }
0x99: {  	s4 =	simm.s32 $_scs_section_size  }
0x9a: {  	s5 =	simm.s32 $_size__tile_overlayer_lowered;
	s6 =	simm.s32 $_tile_overlayer_lowered  }
0x9b: {  	s22 =	simm.s32 $0x1BFF;
	s21 =	sshll.u32 s6, $0x1;
	s3 =	sadd.s32 s4, s19  }
0x9c: {  	s7 =	simm.s32 $0x0;
	s20 =	sshll.u32 s5, $0x1;
	s5 =	sadd.s32 s21, s3  }
0x9d: {  	[timem:s7], [sflag:s22] =	dma.local [hbm:s5], s20  }
0x9e: {  	_ =	swait.ge [sflag:s22], s20  }
0x9f: {  	s4 =	ssub.s32 $0x0, s20;
	[sflag:s22] =	ssyncset.done $0x0  }
0xa0: {  	[sflag:s22] =	ssyncadd.s32 s4;
	_ =	sdelay $0x1  }
0xa1: {  	s23 =	simm.s32 $0x1B8B  }
0xa2: {  	_ =	swait.ge [sflag:s23], $0x1  }
0xa3: {  	[sflag:s23] =	ssyncset.done $0x0  }
0xa4: {  	s25 =	simm.s32 $0x1B8E;
	s24 =	sld [smem:$0x3FFE];
	[sflag:s23] =	ssyncadd.s32 $0xFFFFFFFF  }
0xa5: {  	s26 =	simm.s32 $execute0_lowered;
	[smem:$0x3FD2] =	sst s25  }
0xa6: {  	s5 =	sshll.u32 s26, $0x1;
	_ =	strace $0x80000046;
	[dreg:$0x1] =	wrdreg $0xFFFFFFFF  }
0xa7: {  	s28 =	simm.s32 $_size_execute0_lowered;
	s3 =	sadd.s32 s3, s5;
	[dreg:$0x0] =	wrdreg $0x0  }
0xa8: {  	s5 =	sshll.u32 s28, $0x1;
	[dreg:$0x2] =	wrdreg s3  }
0xa9: {  	[dreg:$0x3] =	wrdreg s5  }
0xaa: {  	[dreg:$0x4] =	wrdreg $0xC0  }
0xab: {  	_ =	task [dreg:s7], $0x5FFFF  }
0xac: {  	[dreg:$0x1] =	wrdreg $0xFFFFFFFF  }
0xad: {  	[dreg:$0x0] =	wrdreg $0x60  }
0xae: {  	[dreg:$0x2] =	wrdreg s2  }
0xaf: {  	[dreg:$0x3] =	wrdreg s24  }
0xb0: {  	[dreg:$0x4] =	wrdreg $0x9  }
0xb1: {  	_ =	task.clear_ibuf [dreg:s7], $0x5FFFF;
	_ =	strace $0x90000046  }
0xb2: {  	s29 =	simm.s32 $0x9;
	_ =	strace $0x80000048  }
0xb3: {  	_ =	swait.ge [sflag:s29], $0x1  }
0xb4: {  	[sflag:s29] =	ssyncadd.s32 $0xFFFFFFFF  }
0xb5: {  	_ =	strace $0x90000048  }
0xb6: {  	_ =	sfence  }
0xb7: {  	s30 =	sld [smem:$0x0];
	_ =	sdelay $0x2  }
0xb8: {  	s31 =	sshll.u32 s1, $0xD;
	s1 =	sshrl.u32 s1, $0x2  }
0xb9: {  	s3 =	sand.u32 $0x4000, s31;
	s1 =	sadd.s32 s1, s30  }
0xba: {  	s0 =	sor.u32 s3, s0;
	s1 =	sshll.u32 s1, $0x11  }
0xbb: {  	s0 =	sor.u32 s1, s0  }
0xbc: {  	s0 =	sadd.s32 $0x8F2B, s0  }
0xbd: {  	[sflag:s0] =	ssyncadd.remote.s32 $0x1  }
0xbe: {  	_ =	sfence.sel $0xFFFF  }
0xbf: {  	[dreg:$0x0] =	wrdreg $0xFFFFFFFF;
	(pc) =	sbr.abs _section_cstart, $3  }
0xc0: {  	[dreg:$0x1] =	wrdreg $0xFFFFFFFF  }
0xc1: {  	_ =	task.clear_ibuf [dreg:s7], $0x2FFFF;
	_ =	strace $0x9FFFFFFF  }
0xc2: {  	(tm) =	ssettm $0x7FFFFFFF  }
0xc3: {  	_ =	shalt  }
tec
execute0_lowered:
.L_overlay_start_1:
0x0: {  	(tag) =	ssettag $0x1  }
0x1: {  	vm12 =	vcmask $0x300;
	v0 =	vimm.s32 $0x9C4  }
0x2: {  	v1 =	vimm.s32 $0x1F4;
	vm13 =	vcmask $0x704;
	vm11 =	vcmask $0xB08  }
0x3: {  	vm10 =	vcmask $0xF0C;
	vm9 =	vcmask $0x1310;
	vm8 =	vcmask $0x1B18  }
0x4: {  	vm7 =	vcmask $0x1F1C;
	vm6 =	vcmask $0x2320;
	vm5 =	vcmask $0x2724  }
0x5: {  	vm3 =	vcmask $0x2B28;
	vm4 =	vcmask $0x2F2C;
	vm2 =	vcmask $0x3330  }
0x6: {  	vm1 =	vcmask $0x3734;
	vm0 =	vcmask $0x3B38;
	v2 =	vimm.s32 $0xDAC  }
0x7: {  	v3 =	vimm.s32 $0x5DC;
	v4 =	vimm.s32 $0x1194;
	v0 =	vsel vm12, $0x0, v0  }
0x8: {  	v1 =	vsel vm12, $0xBB8, v1;
	v2 =	vsel vm12, $0x3E8, v2;
	v3 =	vsel vm12, $0xFA0, v3  }
0x9: {  	v4 =	vsel vm12, $0x7D0, v4;
	v0 =	vsel vm13, $0x1F4, v0;
	v1 =	vsel vm13, $0xDAC, v1  }
0xa: {  	v2 =	vsel vm13, $0x5DC, v2;
	v3 =	vsel vm13, $0x1194, v3;
	v4 =	vsel vm13, $0x9C4, v4  }
0xb: {  	v0 =	vsel vm11, $0x3E8, v0;
	v1 =	vsel vm11, $0xFA0, v1;
	v2 =	vsel vm11, $0x7D0, v2  }
0xc: {  	v3 =	vsel vm11, $0x0, v3;
	v4 =	vsel vm11, $0xBB8, v4;
	v0 =	vsel vm10, $0x5DC, v0  }
0xd: {  	v1 =	vsel vm10, $0x1194, v1;
	v2 =	vsel vm10, $0x9C4, v2;
	v3 =	vsel vm10, $0x1F4, v3  }
0xe: {  	v4 =	vsel vm10, $0xDAC, v4;
	v0 =	vsel vm9, $0x7D0, v0;
	v1 =	vsel vm9, $0x0, v1  }
0xf: {  	v2 =	vsel vm9, $0xBB8, v2;
	v3 =	vsel vm9, $0x3E8, v3;
	v4 =	vsel vm9, $0xFA0, v4  }
0x10: {  	v0 =	vsel vm8, $0xBB8, v0;
	v1 =	vsel vm8, $0x3E8, v1;
	v2 =	vsel vm8, $0xFA0, v2  }
0x11: {  	v3 =	vsel vm8, $0x7D0, v3;
	v4 =	vsel vm8, $0x0, v4;
	v0 =	vsel vm7, $0xDAC, v0  }
0x12: {  	v1 =	vsel vm7, $0x5DC, v1;
	v2 =	vsel vm7, $0x1194, v2;
	v3 =	vsel vm7, $0x9C4, v3  }
0x13: {  	s2 =	srdreg.scid;
	s1 =	rddreg [dreg:$0x0];
	v4 =	vsel vm7, $0x1F4, v4;
	v0 =	vsel vm6, $0xFA0, v0;
	v1 =	vsel vm6, $0x7D0, v1  }
0x14: {  	s0 =	stileid.u32;
	s5 =	rddreg [dreg:$0x1];
	v2 =	vsel vm6, $0x0, v2;
	v3 =	vsel vm6, $0xBB8, v3;
	v4 =	vsel vm6, $0x3E8, v4  }
0x15: {  	s3 =	simm.s32 $0x0;
	s9 =	simm.s32 $0xB80;
	s10 =	simm.s32 $0x20;
	v0 =	vsel vm5, $0x1194, v0;
	v1 =	vsel vm5, $0x9C4, v1;
	v2 =	vsel vm5, $0x1F4, v2  }
0x16: {  	s11 =	simm.s32 $0x4B80;
	s12 =	simm.s32 $0xA0;
	s13 =	simm.s32 $0x5B80;
	v3 =	vsel vm5, $0xDAC, v3;
	v4 =	vsel vm5, $0x5DC, v4;
	v0 =	vsel vm3, $0x0, v0  }
0x17: {  	s14 =	simm.s32 $0x120;
	s15 =	simm.s32 $0x9B80;
	s16 =	simm.s32 $0x1;
	v1 =	vsel vm3, $0xBB8, v1;
	v2 =	vsel vm3, $0x3E8, v2;
	v3 =	vsel vm3, $0xFA0, v3  }
0x18: {  	s17 =	simm.s32 $0x2;
	s4 =	sand.u32 $0x1, s2;
	s30 =	sshll.u32 s0, $0x1;
	v4 =	vsel vm3, $0x7D0, v4;
	v0 =	vsel vm4, $0x1F4, v0;
	v1 =	vsel vm4, $0xDAC, v1  }
0x19: {  	s18 =	simm.s32 $0xAB80;
	s19 =	simm.s32 $0x0;
	s6 =	sor.u32 s4, s30;
	v2 =	vsel vm4, $0x5DC, v2;
	v3 =	vsel vm4, $0x1194, v3;
	v4 =	vsel vm4, $0x9C4, v4  }
0x1a: {  	s2 =	rddreg [dreg:$0x2];
	s4 =	ssub.s32 $0x2, s4;
	s7 =	smul.u32 $0x168, s6;
	v0 =	vsel vm2, $0x3E8, v0;
	v1 =	vsel vm2, $0xFA0, v1;
	v2 =	vsel vm2, $0x7D0, v2  }
0x1b: {  	[smem:$0x7FF] =	sst s3;
	s6 =	smul.u32 $0x1200, s6;
	s8 =	sshrl.u32 s4, $0x1;
	v3 =	vsel vm2, $0x0, v3;
	v4 =	vsel vm2, $0xBB8, v4;
	v0 =	vsel vm1, $0x5DC, v0  }
0x1c: {  	_ =	strace $0x80000047;
	s31 =	ssub.s32 s4, s8;
	s8 =	simm.s32 $0x80;
	v1 =	vsel vm1, $0x1194, v1;
	v2 =	vsel vm1, $0x9C4, v2;
	v3 =	vsel vm1, $0x1F4, v3  }
0x1d: {  	s7 =	sadd.s32 s7, s5;
	s5 =	sadd.s32 s6, s5;
	s6 =	smax.u32 s31, $0x1;
	v4 =	vsel vm1, $0xDAC, v4;
	v0 =	vsel vm0, $0x7D0, v0;
	v1 =	vsel vm0, $0x0, v1  }
0x1e: {  	s4 =	sadd.s32 $0xC00, s7;
	s5 =	sadd.s32 $0x3A00, s5;
	s7 =	simm.s32 $0x3;
	v2 =	vsel vm0, $0xBB8, v2;
	v3 =	vsel vm0, $0x3E8, v3;
	v4 =	vsel vm0, $0xFA0, v4  }
.LBB2_1:
0x1f: {  	[tilespmem:s3], [sflag:$0x3] =	stream.linear.gather [hbm4b:s4+s3], $0xB40, $0x38;
	[tilespmem:$0x13B80] =	vst v63  }
0x20: {  	_ =	swait.ge [sflag:s7], $0xB40  }
0x21: {  	[sflag:s7] =	ssyncset.done $0x0  }
0x22: {  	s20 =	simm.s32 $0x0;
	[sflag:s7] =	ssyncadd.s32 $0xFFFFF4C0  }
0x23: {  	v8 =	vld [tilespmem:s20+$0x0]  }
0x24: {  	v7 =	vld [tilespmem:s20+$0x10]  }
0x25: {  	v6 =	vld [tilespmem:s20+$0x20]  }
0x26: {  	s21 =	simm.s32 $0x140;
	v5 =	vld [tilespmem:s20+$0x30]  }
.LBB2_2:
0x27: {  	p0 =	sne.s32 s21, $0x2BC0;
	v9 =	vld [tilespmem:s20+$0x40]  }
0x28: {  	v8 =	vadd.s32 v0, v8  }
.Ltmp0:
0x29: {  	s22 =	sshra.s32 s21, $0x2;
	[tilespmem:s20+$0x0] =	vst v8;
	v7 =	vadd.s32 v1, v7;
	(pc) =	sbr.rel @p0 .LBB2_2-.Ltmp0, $4  }
0x2a: {  	v8 =	vld [tilespmem:s22+$0x0];
	[tilespmem:s20+$0x10] =	vst v7;
	v6 =	vadd.s32 v2, v6  }
0x2b: {  	v7 =	vld [tilespmem:s22+$0x10];
	[tilespmem:s20+$0x20] =	vst v6;
	v5 =	vadd.s32 v3, v5  }
0x2c: {  	v6 =	vld [tilespmem:s22+$0x20];
	[tilespmem:s20+$0x30] =	vst v5;
	v9 =	vadd.s32 v4, v9  }
0x2d: {  	s21 =	sadd.s32 $0x140, s21;
	v5 =	vld [tilespmem:s22+$0x30];
	[tilespmem:s20+$0x40] =	vst v9;
	s20 =	smov.u32 s22  }
0x2e: {  	v9 =	vld [tilespmem:s20+$0x40]  }
0x2f: {  	v8 =	vadd.s32 v0, v8  }
0x30: {  	[tilespmem:s20+$0x0] =	vst v8;
	v7 =	vadd.s32 v1, v7  }
0x31: {  	[tilespmem:s20+$0x10] =	vst v7;
	v6 =	vadd.s32 v2, v6  }
0x32: {  	[tilespmem:s20+$0x20] =	vst v6;
	v5 =	vadd.s32 v3, v5  }
0x33: {  	[tilespmem:s20+$0x30] =	vst v5;
	v5 =	vadd.s32 v4, v9  }
0x34: {  	[tilespmem:s20+$0x40] =	vst v5;
	s20 =	simm.s32 $0x0  }
0x35: {  	[tilespmem:s9], [sflag:$0x1] =	stream.indirect.gather [hbm4b:s1+s8], $0x80, s20, s8, $0xb8;
	[tilespmem:$0x13B80] =	vst v63  }
0x36: {  	_ = 	snop  }
0x37: {  	[tilespmem:s11], [sflag:$0x1] =	stream.indirect.gather [hbm4b:s1+s10], $0x80, s8, s10, $0xb8;
	[tilespmem:$0x13B80] =	vst v63  }
0x38: {  	_ = 	snop  }
0x39: {  	[tilespmem:s13], [sflag:$0x2] =	stream.indirect.gather [hbm4b:s1+s8], $0x80, s12, s8, $0xb8;
	[tilespmem:$0x13B80] =	vst v63  }
0x3a: {  	s21 =	simm.s32 $0xAC00;
	s22 =	simm.s32 $0xB470  }
0x3b: {  	[tilespmem:s15], [sflag:$0x2] =	stream.indirect.gather [hbm4b:s1+s10], $0x80, s14, s10, $0xb8;
	[tilespmem:$0x13B80] =	vst v63  }
.LBB2_4:
0x3c: {  	_ =	swait.ge [sflag:s16], $0x5000  }
0x3d: {  	[sflag:s16] =	ssyncset.done $0x0  }
0x3e: {  	s23 =	simm.s32 $0x1080;
	[sflag:s16] =	ssyncadd.s32 $0xFFFFB000  }
0x3f: {  	v5 =	vld [tilespmem:s23+$0x0]  }
0x40: {  	v6 =	vld [tilespmem:s23+$0x80]  }
0x41: {  	v7 =	vld [tilespmem:s23+$0x100]  }
0x42: {  	v8 =	vld [tilespmem:s23+$0x180]  }
0x43: {  	v9 =	vld [tilespmem:s23+$0x200]  }
0x44: {  	v10 =	vld [tilespmem:s23+$0x280]  }
0x45: {  	v11 =	vld [tilespmem:s23+$0x300]  }
0x46: {  	v12 =	vld [tilespmem:s23+$0x380];
	_ =	sdelay $0x1  }
0x47: {  	v14 =	vld [tilespmem:s23+$0x400]  }
0x48: {  	v15 =	vld [tilespmem:s23+$0x480]  }
0x49: {  	v13 =	vld [tilespmem:s23+$0xFFFFFB80];
	v5 =	vadd.f32 v6, v5;
	v6 =	vadd.f32 v8, v7  }
0x4a: {  	v7 =	vld [tilespmem:s23+$0xFFFFFC00];
	v8 =	vadd.f32 v10, v9;
	v9 =	vadd.f32 v12, v11  }
0x4b: {  	v10 =	vld [tilespmem:s23+$0xFFFFFC80]  }
0x4c: {  	v11 =	vld [tilespmem:s23+$0xFFFFFD00];
	v5 =	vadd.f32 v6, v5;
	v6 =	vadd.f32 v9, v8  }
0x4d: {  	v12 =	vadd.f32 v15, v14;
	v14 =	vld [tilespmem:s23+$0xFFFFFB00]  }
0x4e: {  	v15 =	vld [tilespmem:s23+$0xFFFFFF80];
	v5 =	vadd.f32 v6, v5  }
0x4f: {  	v8 =	vld [tilespmem:s23+$0xFFFFFD80]  }
0x50: {  	v9 =	vld [tilespmem:s23+$0xFFFFFE00];
	v5 =	vadd.f32 v12, v5  }
0x51: {  	v6 =	vld [tilespmem:s23+$0xFFFFFE80]  }
0x52: {  	v12 =	vld [tilespmem:s23+$0xFFFFFF00];
	[tilespmem:s21+$0x0] =	vst v5  }
0x53: {  	v5 =	vld [tilespmem:s23+$0x10]  }
0x54: {  	v16 =	vld [tilespmem:s23+$0x90]  }
0x55: {  	v17 =	vld [tilespmem:s23+$0x110]  }
0x56: {  	v7 =	vadd.f32 v10, v7;
	v8 =	vadd.f32 v8, v11;
	v10 =	vld [tilespmem:s23+$0x190]  }
0x57: {  	v6 =	vadd.f32 v6, v9;
	v9 =	vadd.f32 v13, v14;
	v11 =	vld [tilespmem:s23+$0x210]  }
0x58: {  	v13 =	vld [tilespmem:s23+$0x290]  }
0x59: {  	v6 =	vadd.f32 v6, v8;
	v7 =	vadd.f32 v7, v9;
	v8 =	vld [tilespmem:s23+$0x310]  }
0x5a: {  	v9 =	vld [tilespmem:s23+$0x390]  }
0x5b: {  	v12 =	vadd.f32 v15, v12;
	v6 =	vadd.f32 v6, v7;
	_ =	sdelay $0x1  }
0x5c: {  	v7 =	vld [tilespmem:s23+$0x410];
	v6 =	vadd.f32 v12, v6  }
0x5d: {  	v5 =	vadd.f32 v16, v5;
	v10 =	vadd.f32 v10, v17;
	v12 =	vld [tilespmem:s23+$0x490]  }
0x5e: {  	v8 =	vadd.f32 v9, v8;
	[tilespmem:s21+$0xFFFFFF80] =	vst v6;
	v6 =	vadd.f32 v13, v11;
	_ =	sdelay $0x1  }
0x5f: {  	v5 =	vadd.f32 v10, v5;
	v9 =	vld [tilespmem:s23+$0xFFFFFB10];
	v6 =	vadd.f32 v8, v6  }
0x60: {  	v11 =	vld [tilespmem:s23+$0xFFFFFB90]  }
0x61: {  	v10 =	vld [tilespmem:s23+$0xFFFFFC90];
	v7 =	vadd.f32 v12, v7;
	v5 =	vadd.f32 v6, v5  }
0x62: {  	v13 =	vld [tilespmem:s23+$0xFFFFFE90]  }
0x63: {  	v12 =	vld [tilespmem:s23+$0xFFFFFD90];
	v5 =	vadd.f32 v7, v5  }
0x64: {  	v6 =	vld [tilespmem:s23+$0xFFFFFD10]  }
0x65: {  	v7 =	vld [tilespmem:s23+$0xFFFFFE10];
	[tilespmem:s21+$0x10] =	vst v5  }
0x66: {  	v5 =	vld [tilespmem:s23+$0x20]  }
0x67: {  	v14 =	vld [tilespmem:s23+$0xA0]  }
0x68: {  	v15 =	vld [tilespmem:s23+$0x120]  }
0x69: {  	v16 =	vld [tilespmem:s23+$0x1A0]  }
0x6a: {  	v17 =	vld [tilespmem:s23+$0x220]  }
0x6b: {  	v18 =	vld [tilespmem:s23+$0x2A0]  }
0x6c: {  	v19 =	vld [tilespmem:s23+$0x320]  }
0x6d: {  	v20 =	vld [tilespmem:s23+$0x3A0]  }
0x6e: {  	v8 =	vld [tilespmem:s23+$0xFFFFFC10]  }
0x6f: {  	v9 =	vadd.f32 v11, v9  }
0x70: {  	v6 =	vadd.f32 v12, v6;
	v11 =	vld [tilespmem:s23+$0x420];
	v7 =	vadd.f32 v13, v7  }
0x71: {  	v12 =	vld [tilespmem:s23+$0x4A0];
	v5 =	vadd.f32 v14, v5;
	v13 =	vadd.f32 v16, v15  }
0x72: {  	v14 =	vadd.f32 v18, v17;
	v15 =	vadd.f32 v20, v19  }
0x73: {  	v8 =	vadd.f32 v10, v8;
	v6 =	vadd.f32 v7, v6  }
0x74: {  	v5 =	vadd.f32 v13, v5;
	v7 =	vadd.f32 v15, v14  }
0x75: {  	v21 =	vld [tilespmem:s23+$0xFFFFFF10];
	v8 =	vadd.f32 v8, v9  }
0x76: {  	v10 =	vld [tilespmem:s23+$0xFFFFFF90];
	v9 =	vadd.f32 v12, v11;
	v5 =	vadd.f32 v7, v5;
	_ =	sdelay $0x1  }
0x77: {  	s24 =	simm.s32 $0x1A80;
	v5 =	vadd.f32 v9, v5  }
0x78: {  	v44 =	vld [tilespmem:s24+$0x300]  }
0x79: {  	v45 =	vld [tilespmem:s24+$0x380];
	[tilespmem:s21+$0x20] =	vst v5  }
0x7a: {  	v6 =	vadd.f32 v6, v8;
	v8 =	vadd.f32 v10, v21;
	v5 =	vld [tilespmem:s23+$0x30]  }
0x7b: {  	v7 =	vld [tilespmem:s23+$0xB0]  }
0x7c: {  	v6 =	vadd.f32 v8, v6;
	v8 =	vld [tilespmem:s23+$0x130]  }
0x7d: {  	v9 =	vld [tilespmem:s23+$0x1B0]  }
0x7e: {  	v10 =	vld [tilespmem:s23+$0x230]  }
0x7f: {  	v11 =	vld [tilespmem:s23+$0x2B0]  }
0x80: {  	v12 =	vld [tilespmem:s23+$0x330]  }
0x81: {  	[tilespmem:s21+$0xFFFFFF90] =	vst v6;
	v13 =	vld [tilespmem:s23+$0x3B0]  }
0x82: {  	v6 =	vld [tilespmem:s23+$0xFFFFFB20]  }
0x83: {  	v14 =	vld [tilespmem:s23+$0xFFFFFBA0]  }
0x84: {  	v16 =	vld [tilespmem:s23+$0x430]  }
0x85: {  	v17 =	vld [tilespmem:s23+$0x4B0];
	v5 =	vadd.f32 v7, v5;
	v7 =	vadd.f32 v9, v8  }
0x86: {  	v15 =	vld [tilespmem:s23+$0xFFFFFC20];
	v9 =	vadd.f32 v11, v10;
	v10 =	vadd.f32 v13, v12  }
0x87: {  	v8 =	vld [tilespmem:s23+$0xFFFFFCA0]  }
0x88: {  	v11 =	vld [tilespmem:s23+$0xFFFFFD20];
	v5 =	vadd.f32 v7, v5;
	v7 =	vadd.f32 v10, v9  }
0x89: {  	v9 =	vld [tilespmem:s23+$0xFFFFFE20]  }
0x8a: {  	v13 =	vadd.f32 v17, v16;
	v10 =	vld [tilespmem:s23+$0xFFFFFEA0];
	v5 =	vadd.f32 v7, v5  }
0x8b: {  	v12 =	vld [tilespmem:s23+$0xFFFFFDA0]  }
0x8c: {  	v46 =	vld [tilespmem:s24+$0xFFFFFB80];
	v5 =	vadd.f32 v13, v5  }
0x8d: {  	v7 =	vld [tilespmem:s23+$0xFFFFFF20]  }
0x8e: {  	v6 =	vadd.f32 v14, v6;
	v13 =	vld [tilespmem:s23+$0xFFFFFFA0];
	[tilespmem:s21+$0x30] =	vst v5  }
0x8f: {  	v8 =	vadd.f32 v8, v15;
	v9 =	vadd.f32 v10, v9;
	v10 =	vld [tilespmem:s23+$0x40]  }
0x90: {  	v5 =	vadd.f32 v12, v11;
	v11 =	vld [tilespmem:s23+$0xC0]  }
0x91: {  	v6 =	vadd.f32 v8, v6;
	v8 =	vld [tilespmem:s23+$0x140]  }
0x92: {  	v12 =	vld [tilespmem:s23+$0x2C0];
	v5 =	vadd.f32 v9, v5  }
0x93: {  	v9 =	vld [tilespmem:s23+$0x1C0]  }
0x94: {  	v7 =	vadd.f32 v13, v7;
	v13 =	vld [tilespmem:s23+$0x3C0];
	v5 =	vadd.f32 v5, v6  }
0x95: {  	v6 =	vld [tilespmem:s23+$0x240]  }
0x96: {  	v5 =	vadd.f32 v7, v5;
	v7 =	vld [tilespmem:s23+$0x340]  }
0x97: {  	v47 =	vld [tilespmem:s24+$0x400]  }
0x98: {  	v14 =	vld [tilespmem:s23+$0x440]  }
0x99: {  	v15 =	vld [tilespmem:s23+$0x4C0];
	[tilespmem:s21+$0xFFFFFFA0] =	vst v5  }
0x9a: {  	v10 =	vadd.f32 v11, v10;
	v8 =	vadd.f32 v9, v8;
	v5 =	vld [tilespmem:s23+$0xFFFFFB30]  }
0x9b: {  	v9 =	vld [tilespmem:s23+$0xFFFFFBB0];
	v6 =	vadd.f32 v12, v6;
	v7 =	vadd.f32 v13, v7  }
0x9c: {  	v11 =	vld [tilespmem:s23+$0xFFFFFC30]  }
0x9d: {  	v12 =	vld [tilespmem:s23+$0xFFFFFCB0];
	v8 =	vadd.f32 v8, v10;
	v6 =	vadd.f32 v7, v6  }
0x9e: {  	v10 =	vld [tilespmem:s23+$0xFFFFFDB0]  }
0x9f: {  	v13 =	vadd.f32 v15, v14;
	v14 =	vld [tilespmem:s23+$0xFFFFFEB0];
	v6 =	vadd.f32 v6, v8  }
0xa0: {  	v15 =	vld [tilespmem:s23+$0xFFFFFFB0]  }
0xa1: {  	v7 =	vld [tilespmem:s23+$0xFFFFFD30];
	v6 =	vadd.f32 v13, v6  }
0xa2: {  	v8 =	vld [tilespmem:s23+$0xFFFFFE30]  }
0xa3: {  	v13 =	vld [tilespmem:s23+$0xFFFFFF30];
	[tilespmem:s21+$0x40] =	vst v6  }
0xa4: {  	v6 =	vld [tilespmem:s23+$0x50]  }
0xa5: {  	v16 =	vld [tilespmem:s23+$0xD0]  }
0xa6: {  	v5 =	vadd.f32 v9, v5;
	v9 =	vadd.f32 v12, v11;
	v11 =	vld [tilespmem:s23+$0x150]  }
0xa7: {  	v7 =	vadd.f32 v10, v7;
	v8 =	vadd.f32 v14, v8;
	v10 =	vld [tilespmem:s23+$0x1D0]  }
0xa8: {  	v12 =	vld [tilespmem:s23+$0x250]  }
0xa9: {  	v5 =	vadd.f32 v9, v5;
	v9 =	vld [tilespmem:s23+$0x350];
	v7 =	vadd.f32 v8, v7  }
0xaa: {  	v8 =	vld [tilespmem:s23+$0x2D0]  }
0xab: {  	v13 =	vadd.f32 v15, v13;
	v5 =	vadd.f32 v7, v5;
	v7 =	vld [tilespmem:s23+$0x3D0]  }
0xac: {  	v22 =	vld [tilespmem:s24+$0x480]  }
0xad: {  	v48 =	vld [tilespmem:s24+$0xFFFFFD00];
	v5 =	vadd.f32 v13, v5  }
0xae: {  	v13 =	vld [tilespmem:s23+$0x450]  }
0xaf: {  	v6 =	vadd.f32 v16, v6;
	v10 =	vadd.f32 v10, v11;
	[tilespmem:s21+$0xFFFFFFB0] =	vst v5;
	v5 =	vld [tilespmem:s23+$0x4D0]  }
0xb0: {  	v8 =	vadd.f32 v8, v12;
	v11 =	vld [tilespmem:s23+$0xFFFFFB40];
	v7 =	vadd.f32 v7, v9  }
0xb1: {  	v9 =	vld [tilespmem:s23+$0xFFFFFBC0]  }
0xb2: {  	v6 =	vadd.f32 v10, v6;
	v12 =	vld [tilespmem:s23+$0xFFFFFC40];
	v7 =	vadd.f32 v7, v8  }
0xb3: {  	v10 =	vld [tilespmem:s23+$0xFFFFFD40]  }
0xb4: {  	v14 =	vld [tilespmem:s23+$0xFFFFFF40];
	v5 =	vadd.f32 v5, v13;
	v6 =	vadd.f32 v7, v6  }
0xb5: {  	v8 =	vld [tilespmem:s23+$0xFFFFFCC0]  }
0xb6: {  	v7 =	vld [tilespmem:s23+$0xFFFFFDC0];
	v5 =	vadd.f32 v5, v6  }
0xb7: {  	v13 =	vld [tilespmem:s23+$0xFFFFFE40]  }
0xb8: {  	v6 =	vld [tilespmem:s23+$0xFFFFFEC0];
	[tilespmem:s21+$0x50] =	vst v5  }
0xb9: {  	v5 =	vld [tilespmem:s23+$0x60]  }
0xba: {  	v15 =	vld [tilespmem:s23+$0xE0]  }
0xbb: {  	v16 =	vld [tilespmem:s23+$0x160]  }
0xbc: {  	v17 =	vld [tilespmem:s23+$0x1E0]  }
0xbd: {  	v41 =	vld [tilespmem:s23+$0x260]  }
0xbe: {  	v42 =	vld [tilespmem:s23+$0x2E0]  }
0xbf: {  	v43 =	vld [tilespmem:s23+$0x360]  }
0xc0: {  	v9 =	vadd.f32 v9, v11;
	v8 =	vadd.f32 v8, v12;
	v11 =	vld [tilespmem:s23+$0x3E0]  }
0xc1: {  	v7 =	vadd.f32 v7, v10;
	v10 =	vld [tilespmem:s23+$0xFFFFFFC0];
	v6 =	vadd.f32 v6, v13  }
0xc2: {  	v50 =	vld [tilespmem:s24+$0xFFFFFB00]  }
0xc3: {  	v8 =	vadd.f32 v8, v9;
	v9 =	vld [tilespmem:s23+$0x4E0];
	v6 =	vadd.f32 v6, v7  }
0xc4: {  	v7 =	vld [tilespmem:s23+$0x460];
	v5 =	vadd.f32 v15, v5;
	v12 =	vadd.f32 v17, v16  }
0xc5: {  	v51 =	vld [tilespmem:s24+$0xFFFFFF00];
	v13 =	vadd.f32 v42, v41;
	v11 =	vadd.f32 v11, v43  }
0xc6: {  	v6 =	vadd.f32 v6, v8;
	v8 =	vadd.f32 v10, v14;
	v14 =	vld [tilespmem:s24+$0x280]  }
0xc7: {  	v10 =	vadd.f32 v11, v13;
	v11 =	vld [tilespmem:s24+$0x100]  }
0xc8: {  	v5 =	vadd.f32 v12, v5;
	v12 =	vld [tilespmem:s24+$0x180]  }
0xc9: {  	v7 =	vadd.f32 v9, v7;
	v9 =	vld [tilespmem:s24+$0x0]  }
0xca: {  	v6 =	vadd.f32 v8, v6;
	v5 =	vadd.f32 v10, v5;
	v10 =	vld [tilespmem:s24+$0x80]  }
0xcb: {  	v13 =	vld [tilespmem:s24+$0x200]  }
0xcc: {  	v52 =	vld [tilespmem:s24+$0xFFFFFF80];
	[tilespmem:s21+$0xFFFFFFC0] =	vst v6  }
0xcd: {  	v15 =	vld [tilespmem:s23+$0xFFFFFB50]  }
0xce: {  	v5 =	vadd.f32 v7, v5;
	v17 =	vld [tilespmem:s23+$0xFFFFFBD0]  }
0xcf: {  	v16 =	vld [tilespmem:s23+$0xFFFFFC50];
	v9 =	vadd.f32 v10, v9;
	v10 =	vadd.f32 v12, v11  }
0xd0: {  	v40 =	vld [tilespmem:s23+$0xFFFFFCD0];
	v12 =	vadd.f32 v14, v13;
	v13 =	vadd.f32 v45, v44  }
0xd1: {  	v41 =	vld [tilespmem:s23+$0xFFFFFD50];
	[tilespmem:s21+$0x60] =	vst v5  }
0xd2: {  	v5 =	vld [tilespmem:s23+$0x70];
	v9 =	vadd.f32 v10, v9;
	v10 =	vadd.f32 v13, v12  }
0xd3: {  	v6 =	vld [tilespmem:s23+$0xF0]  }
0xd4: {  	v49 =	vadd.f32 v22, v47;
	v11 =	vld [tilespmem:s24+$0xFFFFFC00];
	v9 =	vadd.f32 v10, v9  }
0xd5: {  	v14 =	vld [tilespmem:s24+$0xFFFFFC80]  }
0xd6: {  	v12 =	vld [tilespmem:s24+$0xFFFFFD80];
	v9 =	vadd.f32 v49, v9  }
0xd7: {  	s25 =	sadd.s32 $0x100, s21;
	v13 =	vld [tilespmem:s24+$0xFFFFFE00]  }
0xd8: {  	v10 =	vld [tilespmem:s24+$0xFFFFFE80];
	[tilespmem:s25+$0x0] =	vst v9  }
0xd9: {  	v23 =	vld [tilespmem:s24+$0x10]  }
0xda: {  	v24 =	vld [tilespmem:s24+$0x90]  }
0xdb: {  	v25 =	vld [tilespmem:s24+$0x110]  }
0xdc: {  	v9 =	vadd.f32 v14, v11;
	v11 =	vadd.f32 v12, v48;
	v12 =	vld [tilespmem:s24+$0x190]  }
0xdd: {  	v14 =	vld [tilespmem:s24+$0x210]  }
0xde: {  	v10 =	vadd.f32 v10, v13;
	v13 =	vadd.f32 v46, v50;
	v53 =	vld [tilespmem:s24+$0x290]  }
0xdf: {  	v54 =	vld [tilespmem:s24+$0x390]  }
0xe0: {  	v10 =	vadd.f32 v10, v11;
	v11 =	vadd.f32 v9, v13;
	v13 =	vld [tilespmem:s24+$0x310]  }
0xe1: {  	v7 =	vld [tilespmem:s23+$0x170]  }
0xe2: {  	v19 =	vadd.f32 v52, v51;
	v8 =	vld [tilespmem:s23+$0x1F0]  }
0xe3: {  	v55 =	vld [tilespmem:s24+$0x410];
	v11 =	vadd.f32 v10, v11;
	v23 =	vadd.f32 v24, v23  }
0xe4: {  	v56 =	vld [tilespmem:s24+$0x490];
	v12 =	vadd.f32 v12, v25;
	v14 =	vadd.f32 v53, v14  }
0xe5: {  	v44 =	vld [tilespmem:s23+$0xFFFFFDD0];
	v19 =	vadd.f32 v19, v11;
	v13 =	vadd.f32 v54, v13  }
0xe6: {  	v45 =	vld [tilespmem:s23+$0xFFFFFE50];
	v15 =	vadd.f32 v17, v15  }
0xe7: {  	v17 =	vld [tilespmem:s23+$0xFFFFFF50];
	v12 =	vadd.f32 v12, v23;
	[tilespmem:s25+$0xFFFFFF80] =	vst v19;
	v13 =	vadd.f32 v13, v14  }
0xe8: {  	v57 =	vld [tilespmem:s24+$0xFFFFFB10]  }
0xe9: {  	v21 =	vadd.f32 v56, v55;
	v19 =	vld [tilespmem:s24+$0xFFFFFB90];
	v12 =	vadd.f32 v13, v12  }
0xea: {  	v14 =	vld [tilespmem:s24+$0xFFFFFC10]  }
0xeb: {  	v59 =	vld [tilespmem:s24+$0xFFFFFD90];
	v12 =	vadd.f32 v21, v12  }
0xec: {  	v60 =	vld [tilespmem:s24+$0xFFFFFE10]  }
0xed: {  	v61 =	vld [tilespmem:s24+$0xFFFFFE90];
	[tilespmem:s25+$0x10] =	vst v12  }
0xee: {  	v12 =	vld [tilespmem:s24+$0x20]  }
0xef: {  	v62 =	vld [tilespmem:s24+$0xA0]  }
0xf0: {  	v63 =	vld [tilespmem:s24+$0x120]  }
0xf1: {  	v26 =	vld [tilespmem:s24+$0x1A0]  }
0xf2: {  	v27 =	vld [tilespmem:s24+$0x220]  }
0xf3: {  	v28 =	vld [tilespmem:s24+$0x2A0]  }
0xf4: {  	v29 =	vld [tilespmem:s24+$0x320]  }
0xf5: {  	v30 =	vld [tilespmem:s24+$0x3A0]  }
0xf6: {  	v13 =	vld [tilespmem:s24+$0xFFFFFD10]  }
0xf7: {  	v58 =	vld [tilespmem:s24+$0xFFFFFC90]  }
0xf8: {  	v18 =	vadd.f32 v19, v57;
	v35 =	vld [tilespmem:s24+$0x420]  }
0xf9: {  	v36 =	vld [tilespmem:s24+$0x4A0];
	v12 =	vadd.f32 v62, v12;
	v37 =	vadd.f32 v26, v63  }
0xfa: {  	v46 =	vld [tilespmem:s23+$0xFFFFFED0];
	v38 =	vadd.f32 v28, v27;
	v39 =	vadd.f32 v30, v29  }
0xfb: {  	v9 =	vld [tilespmem:s23+$0x270];
	v21 =	vadd.f32 v61, v60;
	v13 =	vadd.f32 v59, v13  }
0xfc: {  	v10 =	vld [tilespmem:s23+$0x2F0];
	v42 =	vadd.f32 v37, v12;
	v43 =	vadd.f32 v39, v38  }
0xfd: {  	v11 =	vld [tilespmem:s23+$0x370];
	v33 =	vadd.f32 v58, v14;
	v13 =	vadd.f32 v21, v13  }
0xfe: {  	v31 =	vld [tilespmem:s24+$0xFFFFFF10];
	v22 =	vadd.f32 v36, v35;
	v21 =	vadd.f32 v43, v42  }
0xff: {  	v34 =	vld [tilespmem:s24+$0xFFFFFF90];
	v18 =	vadd.f32 v33, v18  }
0x100: {  	v14 =	vld [tilespmem:s23+$0x3F0];
	v21 =	vadd.f32 v22, v21  }
0x101: {  	v18 =	vadd.f32 v13, v18;
	v13 =	vld [tilespmem:s23+$0x4F0]  }
0x102: {  	v63 =	vld [tilespmem:s23+$0xFFFFFFD0];
	[tilespmem:s25+$0x20] =	vst v21  }
0x103: {  	v21 =	vld [tilespmem:s24+$0x30]  }
0x104: {  	v47 =	vld [tilespmem:s24+$0xB0]  }
0x105: {  	v48 =	vld [tilespmem:s24+$0x130]  }
0x106: {  	v49 =	vld [tilespmem:s24+$0x1B0]  }
0x107: {  	v20 =	vadd.f32 v34, v31;
	v50 =	vld [tilespmem:s24+$0x230]  }
0x108: {  	v51 =	vld [tilespmem:s24+$0x2B0]  }
0x109: {  	v18 =	vadd.f32 v20, v18;
	v52 =	vld [tilespmem:s24+$0x330]  }
0x10a: {  	v53 =	vld [tilespmem:s24+$0x3B0]  }
0x10b: {  	v12 =	vld [tilespmem:s23+$0x470];
	[tilespmem:s25+$0xFFFFFF90] =	vst v18  }
0x10c: {  	v18 =	vld [tilespmem:s24+$0xFFFFFB20]  }
0x10d: {  	v34 =	vld [tilespmem:s24+$0x430]  }
0x10e: {  	v55 =	vld [tilespmem:s24+$0x4B0];
	v21 =	vadd.f32 v47, v21;
	v54 =	vadd.f32 v49, v48  }
0x10f: {  	v32 =	vld [tilespmem:s24+$0xFFFFFBA0];
	v56 =	vadd.f32 v51, v50;
	v58 =	vadd.f32 v53, v52  }
0x110: {  	v33 =	vld [tilespmem:s24+$0xFFFFFC20]  }
0x111: {  	v57 =	vld [tilespmem:s24+$0xFFFFFCA0];
	v21 =	vadd.f32 v54, v21;
	v26 =	vadd.f32 v58, v56  }
0x112: {  	v59 =	vld [tilespmem:s24+$0xFFFFFD20]  }
0x113: {  	v60 =	vld [tilespmem:s24+$0xFFFFFDA0];
	v25 =	vadd.f32 v55, v34;
	v21 =	vadd.f32 v26, v21  }
0x114: {  	v61 =	vld [tilespmem:s24+$0xFFFFFE20]  }
0x115: {  	v16 =	vadd.f32 v40, v16;
	v62 =	vld [tilespmem:s24+$0xFFFFFEA0];
	v21 =	vadd.f32 v25, v21  }
0x116: {  	v19 =	vadd.f32 v44, v41;
	v20 =	vadd.f32 v46, v45;
	v36 =	vld [tilespmem:s24+$0xFFFFFFA0]  }
0x117: {  	v34 =	vld [tilespmem:s24+$0xFFFFFF20];
	[tilespmem:s25+$0x30] =	vst v21  }
0x118: {  	v15 =	vadd.f32 v16, v15;
	v16 =	vadd.f32 v20, v19;
	v39 =	vld [tilespmem:s24+$0x40]  }
0x119: {  	v18 =	vadd.f32 v32, v18;
	v35 =	vadd.f32 v57, v33;
	v40 =	vld [tilespmem:s24+$0xC0]  }
0x11a: {  	v37 =	vadd.f32 v60, v59;
	v38 =	vadd.f32 v62, v61;
	v42 =	vld [tilespmem:s24+$0x140]  }
0x11b: {  	v15 =	vadd.f32 v16, v15;
	v16 =	vadd.f32 v63, v17;
	v17 =	vld [tilespmem:s24+$0x1C0]  }
0x11c: {  	v18 =	vadd.f32 v35, v18;
	v41 =	vadd.f32 v38, v37;
	v43 =	vld [tilespmem:s24+$0x240]  }
0x11d: {  	v15 =	vadd.f32 v16, v15;
	v16 =	vld [tilespmem:s24+$0x2C0]  }
0x11e: {  	v18 =	vadd.f32 v41, v18;
	v22 =	vadd.f32 v36, v34;
	v44 =	vld [tilespmem:s24+$0x340]  }
0x11f: {  	[tilespmem:s21+$0xFFFFFFD0] =	vst v15;
	v15 =	vld [tilespmem:s24+$0x3C0]  }
0x120: {  	v23 =	vld [tilespmem:s23+$0xFFFFFB60];
	v18 =	vadd.f32 v22, v18  }
0x121: {  	v45 =	vld [tilespmem:s24+$0x440]  }
0x122: {  	[tilespmem:s25+$0xFFFFFFA0] =	vst v18;
	v46 =	vld [tilespmem:s24+$0x4C0]  }
0x123: {  	v18 =	vld [tilespmem:s24+$0xFFFFFB30];
	v19 =	vadd.f32 v40, v39;
	v17 =	vadd.f32 v17, v42  }
0x124: {  	v47 =	vld [tilespmem:s24+$0xFFFFFBB0];
	v16 =	vadd.f32 v16, v43;
	v15 =	vadd.f32 v15, v44  }
0x125: {  	v48 =	vld [tilespmem:s24+$0xFFFFFC30]  }
0x126: {  	v49 =	vld [tilespmem:s24+$0xFFFFFCB0];
	v17 =	vadd.f32 v17, v19;
	v15 =	vadd.f32 v15, v16  }
0x127: {  	v50 =	vld [tilespmem:s24+$0xFFFFFDB0]  }
0x128: {  	v51 =	vld [tilespmem:s24+$0xFFFFFEB0];
	v24 =	vadd.f32 v46, v45;
	v15 =	vadd.f32 v15, v17  }
0x129: {  	v52 =	vld [tilespmem:s24+$0xFFFFFF30]  }
0x12a: {  	v16 =	vld [tilespmem:s24+$0xFFFFFD30];
	v15 =	vadd.f32 v24, v15  }
0x12b: {  	v17 =	vld [tilespmem:s24+$0xFFFFFE30]  }
0x12c: {  	v53 =	vld [tilespmem:s24+$0xFFFFFFB0];
	[tilespmem:s25+$0x40] =	vst v15  }
0x12d: {  	v15 =	vld [tilespmem:s24+$0x50]  }
0x12e: {  	v54 =	vld [tilespmem:s24+$0xD0]  }
0x12f: {  	v18 =	vadd.f32 v47, v18;
	v20 =	vadd.f32 v49, v48;
	v55 =	vld [tilespmem:s24+$0x150]  }
0x130: {  	v16 =	vadd.f32 v50, v16;
	v17 =	vadd.f32 v51, v17;
	v56 =	vld [tilespmem:s24+$0x1D0]  }
0x131: {  	v57 =	vld [tilespmem:s24+$0x250]  }
0x132: {  	v18 =	vadd.f32 v20, v18;
	v58 =	vld [tilespmem:s24+$0x350];
	v16 =	vadd.f32 v17, v16  }
0x133: {  	v59 =	vld [tilespmem:s24+$0x3D0]  }
0x134: {  	v24 =	vadd.f32 v53, v52;
	v17 =	vld [tilespmem:s24+$0x2D0];
	v16 =	vadd.f32 v16, v18  }
0x135: {  	v26 =	vld [tilespmem:s23+$0xFFFFFC60]  }
0x136: {  	v25 =	vld [tilespmem:s23+$0xFFFFFBE0];
	v16 =	vadd.f32 v24, v16  }
0x137: {  	v60 =	vld [tilespmem:s24+$0x450]  }
0x138: {  	v15 =	vadd.f32 v54, v15;
	v19 =	vadd.f32 v56, v55;
	[tilespmem:s25+$0xFFFFFFB0] =	vst v16;
	v16 =	vld [tilespmem:s24+$0x4D0]  }
0x139: {  	v18 =	vadd.f32 v59, v58;
	v17 =	vadd.f32 v17, v57;
	v61 =	vld [tilespmem:s24+$0xFFFFFB40]  }
0x13a: {  	v62 =	vld [tilespmem:s24+$0xFFFFFBC0]  }
0x13b: {  	v15 =	vadd.f32 v19, v15;
	v63 =	vld [tilespmem:s24+$0xFFFFFC40];
	v17 =	vadd.f32 v18, v17  }
0x13c: {  	v36 =	vld [tilespmem:s24+$0xFFFFFCC0]  }
0x13d: {  	v37 =	vld [tilespmem:s24+$0xFFFFFD40];
	v15 =	vadd.f32 v17, v15;
	v16 =	vadd.f32 v16, v60  }
0x13e: {  	v38 =	vld [tilespmem:s24+$0xFFFFFE40]  }
0x13f: {  	v39 =	vld [tilespmem:s24+$0xFFFFFF40];
	v15 =	vadd.f32 v16, v15  }
0x140: {  	v17 =	vld [tilespmem:s24+$0xFFFFFDC0]  }
0x141: {  	v16 =	vld [tilespmem:s24+$0xFFFFFEC0];
	[tilespmem:s25+$0x50] =	vst v15  }
0x142: {  	v15 =	vld [tilespmem:s24+$0x60]  }
0x143: {  	v40 =	vld [tilespmem:s24+$0xE0]  }
0x144: {  	v41 =	vld [tilespmem:s24+$0x160]  }
0x145: {  	v42 =	vld [tilespmem:s24+$0x1E0]  }
0x146: {  	v43 =	vld [tilespmem:s24+$0x260]  }
0x147: {  	v44 =	vld [tilespmem:s24+$0x2E0]  }
0x148: {  	v45 =	vld [tilespmem:s24+$0x360]  }
0x149: {  	v20 =	vadd.f32 v62, v61;
	v18 =	vadd.f32 v36, v63;
	v46 =	vld [tilespmem:s24+$0x3E0]  }
0x14a: {  	v47 =	vld [tilespmem:s24+$0xFFFFFFC0];
	v17 =	vadd.f32 v17, v37;
	v16 =	vadd.f32 v16, v38  }
0x14b: {  	v48 =	vld [tilespmem:s23+$0xFFFFFCE0]  }
0x14c: {  	v18 =	vadd.f32 v18, v20;
	v50 =	vld [tilespmem:s24+$0x4E0];
	v16 =	vadd.f32 v16, v17  }
0x14d: {  	v17 =	vld [tilespmem:s24+$0x460];
	v15 =	vadd.f32 v40, v15;
	v49 =	vadd.f32 v42, v41  }
0x14e: {  	v52 =	vld [tilespmem:s23+$0xFFFFFD60];
	v51 =	vadd.f32 v44, v43;
	v21 =	vadd.f32 v46, v45  }
0x14f: {  	v54 =	vld [tilespmem:s23+$0xFFFFFDE0];
	v53 =	vadd.f32 v47, v39;
	v16 =	vadd.f32 v16, v18  }
0x150: {  	v55 =	vld [tilespmem:s23+$0xFFFFFE60];
	v15 =	vadd.f32 v49, v15;
	v21 =	vadd.f32 v21, v51  }
0x151: {  	v56 =	vld [tilespmem:s23+$0xFFFFFEE0];
	v16 =	vadd.f32 v53, v16  }
0x152: {  	v58 =	vld [tilespmem:s23+$0xFFFFFFE0];
	v17 =	vadd.f32 v50, v17;
	v15 =	vadd.f32 v21, v15  }
0x153: {  	v57 =	vld [tilespmem:s23+$0xFFFFFF60];
	[tilespmem:s25+$0xFFFFFFC0] =	vst v16  }
0x154: {  	v16 =	vld [tilespmem:s24+$0xFFFFFB50];
	v17 =	vadd.f32 v17, v15  }
0x155: {  	v59 =	vld [tilespmem:s24+$0xFFFFFBD0]  }
0x156: {  	v15 =	vld [tilespmem:s24+$0xFFFFFC50];
	[tilespmem:s25+$0x60] =	vst v17  }
0x157: {  	v17 =	vld [tilespmem:s24+$0x70]  }
0x158: {  	v5 =	vadd.f32 v6, v5;
	v6 =	vadd.f32 v8, v7;
	v7 =	vld [tilespmem:s24+$0xF0]  }
0x159: {  	v8 =	vadd.f32 v10, v9;
	v9 =	vadd.f32 v14, v11;
	v11 =	vld [tilespmem:s24+$0x170]  }
0x15a: {  	v10 =	vadd.f32 v25, v23;
	v14 =	vadd.f32 v48, v26;
	v60 =	vld [tilespmem:s24+$0x1F0]  }
0x15b: {  	v19 =	vadd.f32 v54, v52;
	v20 =	vadd.f32 v56, v55;
	v61 =	vld [tilespmem:s24+$0x270]  }
0x15c: {  	v5 =	vadd.f32 v6, v5;
	v6 =	vadd.f32 v9, v8;
	v9 =	vld [tilespmem:s24+$0x2F0]  }
0x15d: {  	v8 =	vadd.f32 v14, v10;
	v10 =	vadd.f32 v20, v19;
	v62 =	vld [tilespmem:s24+$0x370]  }
0x15e: {  	v5 =	vadd.f32 v6, v5;
	v12 =	vadd.f32 v13, v12;
	v63 =	vld [tilespmem:s24+$0x3F0]  }
0x15f: {  	v6 =	vadd.f32 v58, v57;
	v8 =	vadd.f32 v10, v8;
	v13 =	vld [tilespmem:s24+$0xFFFFFCD0]  }
0x160: {  	v14 =	vadd.f32 v12, v5;
	v12 =	vld [tilespmem:s24+$0xFFFFFD50]  }
0x161: {  	v18 =	vadd.f32 v6, v8;
	v5 =	vld [tilespmem:s24+$0x470];
	v10 =	vadd.f32 v59, v16  }
0x162: {  	s29 =	simm.s32 $0x2;
	[tilespmem:s21+$0x70] =	vst v14;
	v6 =	vld [tilespmem:s24+$0x4F0];
	v7 =	vadd.f32 v7, v17;
	v8 =	vadd.f32 v60, v11  }
0x163: {  	s30 =	simm.s32 $0x2480;
	s28 =	smov.u32 s21;
	s26 =	smov.u32 s25;
	[tilespmem:s21+$0xFFFFFFE0] =	vst v18;
	v14 =	vld [tilespmem:s24+$0xFFFFFDD0];
	v9 =	vadd.f32 v9, v61;
	v11 =	vadd.f32 v63, v62  }
.LBB2_5:
0x164: {  	v16 =	vld [tilespmem:s30+$0x0];
	v13 =	vadd.f32 v13, v15  }
0x165: {  	v7 =	vadd.f32 v8, v7;
	v15 =	vld [tilespmem:s30+$0x80];
	v8 =	vadd.f32 v11, v9  }
0x166: {  	v9 =	vld [tilespmem:s30+$0x100];
	v10 =	vadd.f32 v13, v10  }
0x167: {  	v11 =	vld [tilespmem:s30+$0x180];
	v5 =	vadd.f32 v6, v5;
	v6 =	vadd.f32 v8, v7  }
0x168: {  	v7 =	vld [tilespmem:s30+$0x200];
	v8 =	vadd.f32 v14, v12  }
0x169: {  	v12 =	vld [tilespmem:s30+$0x280];
	v5 =	vadd.f32 v5, v6  }
0x16a: {  	v6 =	vld [tilespmem:s30+$0x300]  }
0x16b: {  	v13 =	vld [tilespmem:s30+$0x380];
	[tilespmem:s25+$0x70] =	vst v5  }
0x16c: {  	v5 =	vld [tilespmem:s30+$0xFFFFFB80]  }
0x16d: {  	v14 =	vld [tilespmem:s30+$0xFFFFFC00]  }
0x16e: {  	v17 =	vld [tilespmem:s30+$0x400]  }
0x16f: {  	v15 =	vadd.f32 v15, v16;
	v9 =	vadd.f32 v11, v9;
	v18 =	vld [tilespmem:s30+$0x480]  }
0x170: {  	v7 =	vadd.f32 v12, v7;
	v11 =	vld [tilespmem:s30+$0xFFFFFC80];
	v6 =	vadd.f32 v13, v6  }
0x171: {  	v12 =	vld [tilespmem:s30+$0xFFFFFD00]  }
0x172: {  	v9 =	vadd.f32 v9, v15;
	v13 =	vld [tilespmem:s30+$0xFFFFFD80];
	v6 =	vadd.f32 v6, v7  }
0x173: {  	v7 =	vld [tilespmem:s30+$0xFFFFFE00]  }
0x174: {  	v15 =	vld [tilespmem:s30+$0xFFFFFE80];
	v16 =	vadd.f32 v18, v17;
	v6 =	vadd.f32 v6, v9  }
0x175: {  	v9 =	vld [tilespmem:s30+$0xFFFFFB00];
	v11 =	vadd.f32 v11, v14  }
0x176: {  	v14 =	vld [tilespmem:s30+$0xFFFFFF00];
	v6 =	vadd.f32 v16, v6  }
0x177: {  	s25 =	sadd.s32 $0x100, s25;
	v16 =	vld [tilespmem:s30+$0xFFFFFF80];
	v12 =	vadd.f32 v13, v12  }
0x178: {  	[tilespmem:s25+$0x0] =	vst v6;
	v6 =	vld [tilespmem:s24+$0xFFFFFE50]  }
0x179: {  	v7 =	vadd.f32 v15, v7;
	v13 =	vld [tilespmem:s30+$0x10]  }
0x17a: {  	v5 =	vadd.f32 v5, v9;
	v9 =	vld [tilespmem:s30+$0x90]  }
0x17b: {  	v7 =	vadd.f32 v7, v12;
	v12 =	vld [tilespmem:s30+$0x110]  }
0x17c: {  	v14 =	vadd.f32 v16, v14;
	v5 =	vadd.f32 v11, v5;
	v11 =	vld [tilespmem:s30+$0x190]  }
0x17d: {  	v15 =	vld [tilespmem:s30+$0x210]  }
0x17e: {  	v5 =	vadd.f32 v7, v5;
	v7 =	vld [tilespmem:s30+$0x290]  }
0x17f: {  	v16 =	vld [tilespmem:s30+$0x310]  }
0x180: {  	v5 =	vadd.f32 v14, v5;
	v14 =	vld [tilespmem:s30+$0x390]  }
0x181: {  	v17 =	vld [tilespmem:s24+$0xFFFFFED0]  }
0x182: {  	[tilespmem:s25+$0xFFFFFF80] =	vst v5;
	v5 =	vld [tilespmem:s24+$0xFFFFFF50]  }
0x183: {  	v18 =	vld [tilespmem:s30+$0x410]  }
0x184: {  	v9 =	vadd.f32 v9, v13;
	v11 =	vadd.f32 v11, v12;
	v19 =	vld [tilespmem:s30+$0x490]  }
0x185: {  	v7 =	vadd.f32 v7, v15;
	v12 =	vld [tilespmem:s30+$0xFFFFFB10];
	v13 =	vadd.f32 v14, v16  }
0x186: {  	v14 =	vld [tilespmem:s30+$0xFFFFFB90];
	v6 =	vadd.f32 v17, v6  }
0x187: {  	v9 =	vadd.f32 v11, v9;
	v15 =	vld [tilespmem:s30+$0xFFFFFC10];
	v7 =	vadd.f32 v13, v7  }
0x188: {  	v11 =	vld [tilespmem:s30+$0xFFFFFC90];
	v6 =	vadd.f32 v6, v8  }
0x189: {  	v8 =	vld [tilespmem:s30+$0xFFFFFD10];
	v13 =	vadd.f32 v19, v18;
	v7 =	vadd.f32 v7, v9  }
0x18a: {  	v9 =	vld [tilespmem:s30+$0xFFFFFD90];
	v6 =	vadd.f32 v6, v10  }
0x18b: {  	v10 =	vld [tilespmem:s30+$0xFFFFFE10];
	v12 =	vadd.f32 v14, v12;
	v7 =	vadd.f32 v13, v7  }
0x18c: {  	v13 =	vld [tilespmem:s30+$0xFFFFFE90]  }
0x18d: {  	v14 =	vld [tilespmem:s30+$0xFFFFFF10];
	v11 =	vadd.f32 v11, v15;
	[tilespmem:s25+$0x10] =	vst v7  }
0x18e: {  	v7 =	vld [tilespmem:s30+$0x20]  }
0x18f: {  	v8 =	vadd.f32 v9, v8;
	v9 =	vadd.f32 v11, v12;
	v11 =	vld [tilespmem:s30+$0xA0]  }
0x190: {  	v12 =	vld [tilespmem:s30+$0x120]  }
0x191: {  	v10 =	vadd.f32 v13, v10;
	v13 =	vld [tilespmem:s30+$0x1A0]  }
0x192: {  	v15 =	vld [tilespmem:s30+$0x220]  }
0x193: {  	v8 =	vadd.f32 v10, v8;
	v10 =	vld [tilespmem:s30+$0x2A0]  }
0x194: {  	v16 =	vld [tilespmem:s30+$0x320]  }
0x195: {  	v8 =	vadd.f32 v8, v9;
	v9 =	vld [tilespmem:s30+$0x3A0]  }
0x196: {  	v17 =	vld [tilespmem:s30+$0xFFFFFF90]  }
0x197: {  	v18 =	vld [tilespmem:s24+$0xFFFFFFD0]  }
0x198: {  	v19 =	vld [tilespmem:s30+$0x420]  }
0x199: {  	v7 =	vadd.f32 v11, v7;
	v11 =	vadd.f32 v13, v12;
	v20 =	vld [tilespmem:s30+$0x4A0]  }
0x19a: {  	v10 =	vadd.f32 v10, v15;
	v9 =	vadd.f32 v9, v16;
	v12 =	vld [tilespmem:s23+$0xFFFFFB70]  }
0x19b: {  	v13 =	vadd.f32 v17, v14;
	v14 =	vld [tilespmem:s23+$0xFFFFFBF0]  }
0x19c: {  	s29 =	sadd.s32 $0x2, s29;
	v7 =	vadd.f32 v11, v7;
	v9 =	vadd.f32 v9, v10;
	v10 =	vld [tilespmem:s23+$0xFFFFFC70]  }
0x19d: {  	p0 =	slt.u32 s29, $0xE;
	v5 =	vadd.f32 v18, v5;
	v8 =	vadd.f32 v13, v8;
	v11 =	vld [tilespmem:s23+$0xFFFFFCF0]  }
0x19e: {  	v13 =	vadd.f32 v20, v19;
	v7 =	vadd.f32 v9, v7;
	v9 =	vld [tilespmem:s23+$0xFFFFFD70]  }
0x19f: {  	v5 =	vadd.f32 v5, v6;
	[tilespmem:s25+$0xFFFFFF90] =	vst v8;
	v6 =	vld [tilespmem:s23+$0xFFFFFDF0]  }
0x1a0: {  	v8 =	vld [tilespmem:s30+$0xFFFFFB20];
	v7 =	vadd.f32 v13, v7;
	v12 =	vadd.f32 v14, v12  }
0x1a1: {  	v13 =	vld [tilespmem:s30+$0xFFFFFBA0];
	[tilespmem:s26+$0xFFFFFFD0] =	vst v5  }
0x1a2: {  	v14 =	vld [tilespmem:s30+$0xFFFFFC20];
	[tilespmem:s25+$0x20] =	vst v7;
	v5 =	vadd.f32 v11, v10  }
0x1a3: {  	v7 =	vld [tilespmem:s30+$0x30]  }
0x1a4: {  	v10 =	vld [tilespmem:s30+$0xB0];
	v6 =	vadd.f32 v6, v9;
	v5 =	vadd.f32 v5, v12  }
0x1a5: {  	v9 =	vld [tilespmem:s30+$0x130]  }
0x1a6: {  	v8 =	vadd.f32 v13, v8;
	v11 =	vld [tilespmem:s30+$0x1B0]  }
0x1a7: {  	v12 =	vld [tilespmem:s30+$0x230]  }
0x1a8: {  	v13 =	vld [tilespmem:s30+$0x2B0]  }
0x1a9: {  	v15 =	vld [tilespmem:s30+$0x330]  }
0x1aa: {  	v16 =	vld [tilespmem:s30+$0x3B0]  }
0x1ab: {  	v17 =	vld [tilespmem:s30+$0xFFFFFCA0]  }
0x1ac: {  	v18 =	vld [tilespmem:s30+$0xFFFFFD20]  }
0x1ad: {  	v19 =	vld [tilespmem:s30+$0x430]  }
0x1ae: {  	v7 =	vadd.f32 v10, v7;
	v9 =	vadd.f32 v11, v9;
	v20 =	vld [tilespmem:s30+$0x4B0]  }
0x1af: {  	v11 =	vadd.f32 v13, v12;
	v10 =	vld [tilespmem:s30+$0xFFFFFDA0];
	v12 =	vadd.f32 v16, v15  }
0x1b0: {  	v13 =	vld [tilespmem:s30+$0xFFFFFE20];
	v14 =	vadd.f32 v17, v14  }
0x1b1: {  	v7 =	vadd.f32 v9, v7;
	v15 =	vld [tilespmem:s30+$0xFFFFFEA0];
	v9 =	vadd.f32 v12, v11  }
0x1b2: {  	v11 =	vld [tilespmem:s30+$0xFFFFFF20];
	v8 =	vadd.f32 v14, v8  }
0x1b3: {  	v12 =	vld [tilespmem:s30+$0xFFFFFFA0];
	v14 =	vadd.f32 v20, v19;
	v7 =	vadd.f32 v9, v7  }
0x1b4: {  	v9 =	vadd.f32 v10, v18;
	v10 =	vld [tilespmem:s24+$0xFFFFFB60]  }
0x1b5: {  	v7 =	vadd.f32 v14, v7;
	v14 =	vld [tilespmem:s24+$0xFFFFFBE0]  }
0x1b6: {  	v13 =	vadd.f32 v15, v13;
	v15 =	vld [tilespmem:s24+$0xFFFFFC60]  }
0x1b7: {  	[tilespmem:s25+$0x30] =	vst v7;
	v7 =	vld [tilespmem:s24+$0xFFFFFCE0]  }
0x1b8: {  	v11 =	vadd.f32 v12, v11;
	v9 =	vadd.f32 v13, v9;
	v12 =	vld [tilespmem:s30+$0x40]  }
0x1b9: {  	v13 =	vld [tilespmem:s30+$0xC0]  }
0x1ba: {  	v8 =	vadd.f32 v9, v8;
	v9 =	vld [tilespmem:s30+$0x140];
	v10 =	vadd.f32 v14, v10  }
0x1bb: {  	v14 =	vld [tilespmem:s30+$0x1C0]  }
0x1bc: {  	v8 =	vadd.f32 v11, v8;
	v11 =	vld [tilespmem:s30+$0x240];
	v7 =	vadd.f32 v7, v15  }
0x1bd: {  	v15 =	vld [tilespmem:s30+$0x2C0]  }
0x1be: {  	[tilespmem:s25+$0xFFFFFFA0] =	vst v8;
	v8 =	vld [tilespmem:s30+$0x340];
	v7 =	vadd.f32 v7, v10  }
0x1bf: {  	v10 =	vld [tilespmem:s30+$0x3C0]  }
0x1c0: {  	v16 =	vld [tilespmem:s30+$0xFFFFFB30]  }
0x1c1: {  	v17 =	vld [tilespmem:s30+$0xFFFFFBB0]  }
0x1c2: {  	v18 =	vld [tilespmem:s30+$0x440]  }
0x1c3: {  	v12 =	vadd.f32 v13, v12;
	v9 =	vadd.f32 v14, v9;
	v19 =	vld [tilespmem:s30+$0x4C0]  }
0x1c4: {  	v11 =	vadd.f32 v15, v11;
	v13 =	vld [tilespmem:s30+$0xFFFFFC30];
	v8 =	vadd.f32 v10, v8  }
0x1c5: {  	v10 =	vld [tilespmem:s30+$0xFFFFFCB0]  }
0x1c6: {  	v9 =	vadd.f32 v9, v12;
	v14 =	vld [tilespmem:s30+$0xFFFFFD30];
	v8 =	vadd.f32 v8, v11  }
0x1c7: {  	v12 =	vadd.f32 v17, v16;
	v11 =	vld [tilespmem:s30+$0xFFFFFDB0]  }
0x1c8: {  	v15 =	vld [tilespmem:s30+$0xFFFFFE30];
	v16 =	vadd.f32 v19, v18;
	v8 =	vadd.f32 v8, v9  }
0x1c9: {  	v9 =	vld [tilespmem:s30+$0xFFFFFEB0]  }
0x1ca: {  	v17 =	vld [tilespmem:s30+$0xFFFFFF30];
	v10 =	vadd.f32 v10, v13;
	v8 =	vadd.f32 v16, v8  }
0x1cb: {  	v13 =	vld [tilespmem:s30+$0xFFFFFFB0]  }
0x1cc: {  	v11 =	vadd.f32 v11, v14;
	v10 =	vadd.f32 v10, v12;
	[tilespmem:s25+$0x40] =	vst v8;
	v8 =	vld [tilespmem:s24+$0xFFFFFD60]  }
0x1cd: {  	v12 =	vld [tilespmem:s30+$0x50]  }
0x1ce: {  	v9 =	vadd.f32 v9, v15;
	v14 =	vld [tilespmem:s30+$0xD0]  }
0x1cf: {  	v15 =	vld [tilespmem:s30+$0x150]  }
0x1d0: {  	v13 =	vadd.f32 v13, v17;
	v9 =	vadd.f32 v9, v11;
	v11 =	vld [tilespmem:s30+$0x1D0]  }
0x1d1: {  	v16 =	vld [tilespmem:s30+$0x250]  }
0x1d2: {  	v9 =	vadd.f32 v9, v10;
	v10 =	vld [tilespmem:s30+$0x2D0]  }
0x1d3: {  	v17 =	vld [tilespmem:s30+$0x350]  }
0x1d4: {  	v9 =	vadd.f32 v13, v9;
	v13 =	vld [tilespmem:s30+$0x3D0]  }
0x1d5: {  	v18 =	vld [tilespmem:s24+$0xFFFFFDE0]  }
0x1d6: {  	[tilespmem:s25+$0xFFFFFFB0] =	vst v9;
	v9 =	vld [tilespmem:s24+$0xFFFFFE60]  }
0x1d7: {  	v19 =	vld [tilespmem:s30+$0x450]  }
0x1d8: {  	v12 =	vadd.f32 v14, v12;
	v11 =	vadd.f32 v11, v15;
	v20 =	vld [tilespmem:s30+$0x4D0]  }
0x1d9: {  	v10 =	vadd.f32 v10, v16;
	v14 =	vld [tilespmem:s30+$0xFFFFFB40];
	v13 =	vadd.f32 v13, v17  }
0x1da: {  	v15 =	vld [tilespmem:s30+$0xFFFFFBC0];
	v8 =	vadd.f32 v18, v8  }
0x1db: {  	v11 =	vadd.f32 v11, v12;
	v16 =	vld [tilespmem:s30+$0xFFFFFC40];
	v10 =	vadd.f32 v13, v10  }
0x1dc: {  	v12 =	vld [tilespmem:s30+$0xFFFFFCC0]  }
0x1dd: {  	v13 =	vld [tilespmem:s30+$0xFFFFFD40];
	v17 =	vadd.f32 v20, v19;
	v10 =	vadd.f32 v10, v11  }
0x1de: {  	v11 =	vld [tilespmem:s30+$0xFFFFFDC0]  }
0x1df: {  	v18 =	vld [tilespmem:s30+$0xFFFFFE40];
	v14 =	vadd.f32 v15, v14;
	v10 =	vadd.f32 v17, v10  }
0x1e0: {  	v15 =	vld [tilespmem:s30+$0xFFFFFEC0]  }
0x1e1: {  	v17 =	vld [tilespmem:s30+$0xFFFFFF40];
	v12 =	vadd.f32 v12, v16;
	[tilespmem:s25+$0x50] =	vst v10  }
0x1e2: {  	v10 =	vld [tilespmem:s30+$0x60]  }
0x1e3: {  	v11 =	vadd.f32 v11, v13;
	v12 =	vadd.f32 v12, v14;
	v13 =	vld [tilespmem:s30+$0xE0]  }
0x1e4: {  	v14 =	vld [tilespmem:s30+$0x160]  }
0x1e5: {  	v15 =	vadd.f32 v15, v18;
	v16 =	vld [tilespmem:s30+$0x1E0]  }
0x1e6: {  	v18 =	vld [tilespmem:s30+$0x260]  }
0x1e7: {  	v11 =	vadd.f32 v15, v11;
	v15 =	vld [tilespmem:s30+$0x2E0]  }
0x1e8: {  	v19 =	vld [tilespmem:s30+$0x360]  }
0x1e9: {  	v11 =	vadd.f32 v11, v12;
	v12 =	vld [tilespmem:s30+$0x3E0]  }
0x1ea: {  	v20 =	vld [tilespmem:s30+$0xFFFFFFC0]  }
0x1eb: {  	v21 =	vld [tilespmem:s24+$0xFFFFFEE0]  }
0x1ec: {  	v22 =	vld [tilespmem:s30+$0x460]  }
0x1ed: {  	v10 =	vadd.f32 v13, v10;
	v13 =	vadd.f32 v16, v14;
	v23 =	vld [tilespmem:s30+$0x4E0]  }
0x1ee: {  	v14 =	vadd.f32 v15, v18;
	v12 =	vadd.f32 v12, v19;
	v15 =	vld [tilespmem:s24+$0xFFFFFF60]  }
0x1ef: {  	v16 =	vadd.f32 v20, v17;
	v17 =	vld [tilespmem:s24+$0xFFFFFFE0]  }
0x1f0: {  	v10 =	vadd.f32 v13, v10;
	v12 =	vadd.f32 v12, v14;
	v13 =	vld [tilespmem:s23+$0xFFFFFE70]  }
0x1f1: {  	v9 =	vadd.f32 v21, v9;
	v11 =	vadd.f32 v16, v11;
	v14 =	vld [tilespmem:s23+$0xFFFFFEF0]  }
0x1f2: {  	v16 =	vadd.f32 v23, v22;
	v10 =	vadd.f32 v12, v10;
	v12 =	vld [tilespmem:s23+$0xFFFFFF70]  }
0x1f3: {  	v8 =	vadd.f32 v9, v8;
	[tilespmem:s25+$0xFFFFFFC0] =	vst v11;
	v9 =	vld [tilespmem:s23+$0xFFFFFFF0];
	s23 =	smov.u32 s24;
	s24 =	smov.u32 s30  }
0x1f4: {  	v11 =	vld [tilespmem:s30+$0xFFFFFB50];
	v10 =	vadd.f32 v16, v10;
	v16 =	vadd.f32 v17, v15  }
0x1f5: {  	v7 =	vadd.f32 v8, v7;
	v17 =	vld [tilespmem:s30+$0xFFFFFBD0]  }
0x1f6: {  	v15 =	vld [tilespmem:s30+$0xFFFFFC50];
	[tilespmem:s25+$0x60] =	vst v10;
	v8 =	vadd.f32 v14, v13  }
0x1f7: {  	v7 =	vadd.f32 v16, v7;
	v14 =	vld [tilespmem:s30+$0x70]  }
0x1f8: {  	v16 =	vld [tilespmem:s30+$0xF0];
	v9 =	vadd.f32 v9, v12;
	v6 =	vadd.f32 v8, v6  }
0x1f9: {  	v8 =	vld [tilespmem:s30+$0x170];
	[tilespmem:s26+$0xFFFFFFE0] =	vst v7  }
0x1fa: {  	v10 =	vadd.f32 v17, v11;
	v11 =	vld [tilespmem:s30+$0x1F0];
	v5 =	vadd.f32 v6, v5  }
0x1fb: {  	v17 =	vld [tilespmem:s30+$0x270]  }
0x1fc: {  	v18 =	vld [tilespmem:s30+$0x2F0];
	v5 =	vadd.f32 v9, v5  }
0x1fd: {  	v19 =	vld [tilespmem:s30+$0x370]  }
0x1fe: {  	v20 =	vld [tilespmem:s30+$0x3F0];
	[tilespmem:s28+$0xFFFFFFF0] =	vst v5;
	s28 =	smov.u32 s26;
	s26 =	smov.u32 s25  }
.Ltmp1:
0x1ff: {  	v13 =	vld [tilespmem:s30+$0xFFFFFCD0];
	(pc) =	sbr.rel @p0 .LBB2_5-.Ltmp1, $4  }
0x200: {  	v12 =	vld [tilespmem:s30+$0xFFFFFD50]  }
0x201: {  	v5 =	vld [tilespmem:s30+$0x470]  }
0x202: {  	v7 =	vadd.f32 v16, v14;
	v8 =	vadd.f32 v11, v8;
	v6 =	vld [tilespmem:s30+$0x4F0]  }
0x203: {  	v9 =	vadd.f32 v18, v17;
	s30 =	sadd.s32 $0xA00, s30;
	v14 =	vld [tilespmem:s24+$0xFFFFFDD0];
	v11 =	vadd.f32 v20, v19  }
0x204: {  	v16 =	vld [tilespmem:s24+$0xFFFFFE50]  }
0x205: {  	v17 =	vld [tilespmem:s24+$0xFFFFFED0];
	_ =	sdelay $0x2  }
0x206: {  	v18 =	vld [tilespmem:s24+$0xFFFFFF50]  }
0x207: {  	v13 =	vadd.f32 v13, v15;
	v15 =	vld [tilespmem:s24+$0xFFFFFFD0]  }
0x208: {  	v12 =	vadd.f32 v14, v12;
	v14 =	vadd.f32 v17, v16;
	_ =	sdelay $0x1  }
0x209: {  	v10 =	vadd.f32 v13, v10;
	v12 =	vadd.f32 v14, v12;
	_ =	sdelay $0x1  }
0x20a: {  	v10 =	vadd.f32 v12, v10;
	v12 =	vadd.f32 v15, v18;
	_ =	sdelay $0x1  }
0x20b: {  	v10 =	vadd.f32 v12, v10;
	_ =	sdelay $0x1  }
0x20c: {  	[tilespmem:s26+$0xFFFFFFD0] =	vst v10  }
0x20d: {  	v10 =	vld [tilespmem:s24+$0xFFFFFB60]  }
0x20e: {  	v12 =	vld [tilespmem:s24+$0xFFFFFBE0]  }
0x20f: {  	v13 =	vld [tilespmem:s24+$0xFFFFFC60]  }
0x210: {  	v14 =	vld [tilespmem:s24+$0xFFFFFCE0]  }
0x211: {  	v15 =	vld [tilespmem:s24+$0xFFFFFD60]  }
0x212: {  	v16 =	vld [tilespmem:s24+$0xFFFFFDE0]  }
0x213: {  	v17 =	vld [tilespmem:s24+$0xFFFFFE60]  }
0x214: {  	v31 =	vld [tilespmem:s24+$0xFFFFFEE0];
	_ =	sdelay $0x2  }
0x215: {  	v19 =	vld [tilespmem:s24+$0xFFFFFF60]  }
0x216: {  	v10 =	vadd.f32 v12, v10;
	v12 =	vadd.f32 v14, v13;
	v13 =	vld [tilespmem:s24+$0xFFFFFFE0]  }
0x217: {  	v14 =	vadd.f32 v16, v15;
	v15 =	vadd.f32 v31, v17  }
0x218: {  	v32 =	vld [tilespmem:s23+$0xFFFFFDF0]  }
0x219: {  	v33 =	vld [tilespmem:s23+$0xFFFFFEF0];
	v10 =	vadd.f32 v12, v10;
	v12 =	vadd.f32 v15, v14  }
0x21a: {  	v16 =	vld [tilespmem:s23+$0xFFFFFB70]  }
0x21b: {  	v17 =	vld [tilespmem:s23+$0xFFFFFBF0];
	v10 =	vadd.f32 v12, v10;
	v13 =	vadd.f32 v13, v19  }
0x21c: {  	v14 =	vld [tilespmem:s23+$0xFFFFFC70]  }
0x21d: {  	v15 =	vld [tilespmem:s23+$0xFFFFFCF0];
	v10 =	vadd.f32 v13, v10  }
0x21e: {  	v12 =	vld [tilespmem:s23+$0xFFFFFD70]  }
0x21f: {  	v13 =	vld [tilespmem:s23+$0xFFFFFE70];
	[tilespmem:s26+$0xFFFFFFE0] =	vst v10  }
0x220: {  	v10 =	vld [tilespmem:s24+$0xFFFFFB70]  }
0x221: {  	v20 =	vld [tilespmem:s24+$0xFFFFFBF0]  }
0x222: {  	v21 =	vld [tilespmem:s24+$0xFFFFFC70]  }
0x223: {  	v22 =	vld [tilespmem:s24+$0xFFFFFCF0]  }
0x224: {  	v7 =	vadd.f32 v8, v7;
	v8 =	vadd.f32 v11, v9;
	v9 =	vld [tilespmem:s24+$0xFFFFFD70]  }
0x225: {  	v11 =	vld [tilespmem:s24+$0xFFFFFDF0]  }
0x226: {  	v5 =	vadd.f32 v6, v5;
	v6 =	vadd.f32 v8, v7;
	v7 =	vld [tilespmem:s24+$0xFFFFFE70]  }
0x227: {  	v8 =	vld [tilespmem:s24+$0xFFFFFEF0]  }
0x228: {  	v5 =	vadd.f32 v5, v6;
	v6 =	vld [tilespmem:s23+$0xFFFFFF70]  }
0x229: {  	v16 =	vadd.f32 v17, v16;
	v14 =	vadd.f32 v15, v14;
	v15 =	vld [tilespmem:s23+$0xFFFFFFF0]  }
0x22a: {  	v12 =	vadd.f32 v32, v12;
	v17 =	vld [tilespmem:s24+$0xFFFFFF70];
	v13 =	vadd.f32 v33, v13  }
0x22b: {  	v35 =	vld [tilespmem:s24+$0xFFFFFFF0];
	v10 =	vadd.f32 v20, v10;
	v34 =	vadd.f32 v22, v21  }
0x22c: {  	v9 =	vadd.f32 v11, v9;
	v7 =	vadd.f32 v8, v7  }
0x22d: {  	v8 =	vadd.f32 v14, v16;
	v11 =	vadd.f32 v13, v12  }
0x22e: {  	v10 =	vadd.f32 v34, v10;
	v7 =	vadd.f32 v7, v9  }
0x22f: {  	s23 =	sshll.u32 s20, $0x1;
	v6 =	vadd.f32 v15, v6;
	v8 =	vadd.f32 v11, v8  }
0x230: {  	s24 =	sadd.s32 $0x2, s23;
	v9 =	vadd.f32 v35, v17;
	v7 =	vadd.f32 v7, v10  }
0x231: {  	s29 =	smul.u32 $0x280, s24;
	v6 =	vadd.f32 v6, v8  }
0x232: {  	[tilespmem:s25+$0x70] =	vst v5;
	p0 =	seq.s32 s24, $0x12;
	v5 =	vadd.f32 v9, v7  }
0x233: {  	s29 =	simm.s32 @p0 $0x0;
	[tilespmem:s28+$0xFFFFFFF0] =	vst v6  }
0x234: {  	[tilespmem:s26+$0xFFFFFFF0] =	vst v5;
	s26 =	sshra.s32 s29, $0x2  }
0x235: {  	[tilespmem:s9], [sflag:$0x1] =	stream.indirect.gather [hbm4b:s1+s8], $0x80, s26, s8, $0xb8;
	[tilespmem:$0x13B80] =	vst v63  }
0x236: {  	s24 =	sadd.s32 $0x80, s26  }
0x237: {  	[tilespmem:s11], [sflag:$0x1] =	stream.indirect.gather [hbm4b:s1+s10], $0x80, s24, s10, $0xb8;
	[tilespmem:$0x13B80] =	vst v63  }
0x238: {  	_ =	swait.ge [sflag:s17], $0x5000  }
0x239: {  	[sflag:s17] =	ssyncset.done $0x0  }
0x23a: {  	s24 =	simm.s32 $0x6570;
	[sflag:s17] =	ssyncadd.s32 $0xFFFFB000  }
0x23b: {  	v5 =	vld [tilespmem:s24+$0xFFFFFB10]  }
0x23c: {  	v6 =	vld [tilespmem:s24+$0xFFFFFB90]  }
0x23d: {  	v7 =	vld [tilespmem:s24+$0xFFFFFC10]  }
0x23e: {  	v8 =	vld [tilespmem:s24+$0xFFFFFC90]  }
0x23f: {  	v9 =	vld [tilespmem:s24+$0xFFFFFD10]  }
0x240: {  	v10 =	vld [tilespmem:s24+$0xFFFFFD90]  }
0x241: {  	v11 =	vld [tilespmem:s24+$0xFFFFFE10]  }
0x242: {  	v12 =	vld [tilespmem:s24+$0xFFFFFE90];
	_ =	sdelay $0x1  }
0x243: {  	v14 =	vld [tilespmem:s24+$0xFFFFFF10]  }
0x244: {  	v15 =	vld [tilespmem:s24+$0xFFFFFF90]  }
0x245: {  	v13 =	vld [tilespmem:s24+$0xFFFFF690];
	v5 =	vadd.f32 v6, v5;
	v6 =	vadd.f32 v8, v7  }
0x246: {  	v7 =	vld [tilespmem:s24+$0xFFFFF710];
	v8 =	vadd.f32 v10, v9;
	v9 =	vadd.f32 v12, v11  }
0x247: {  	v10 =	vld [tilespmem:s24+$0xFFFFF790]  }
0x248: {  	v11 =	vld [tilespmem:s24+$0xFFFFF810];
	v5 =	vadd.f32 v6, v5;
	v6 =	vadd.f32 v9, v8  }
0x249: {  	v12 =	vadd.f32 v15, v14;
	v14 =	vld [tilespmem:s24+$0xFFFFF610]  }
0x24a: {  	v15 =	vld [tilespmem:s24+$0xFFFFFA90];
	v5 =	vadd.f32 v6, v5  }
0x24b: {  	v8 =	vld [tilespmem:s24+$0xFFFFF890]  }
0x24c: {  	v9 =	vld [tilespmem:s24+$0xFFFFF910];
	v5 =	vadd.f32 v12, v5  }
0x24d: {  	v6 =	vld [tilespmem:s24+$0xFFFFF990]  }
0x24e: {  	v12 =	vld [tilespmem:s24+$0xFFFFFA10];
	[tilespmem:s22+$0xFFFFFF90] =	vst v5  }
0x24f: {  	v5 =	vld [tilespmem:s24+$0xFFFFFB20]  }
0x250: {  	v16 =	vld [tilespmem:s24+$0xFFFFFBA0]  }
0x251: {  	v17 =	vld [tilespmem:s24+$0xFFFFFC20]  }
0x252: {  	v7 =	vadd.f32 v10, v7;
	v8 =	vadd.f32 v8, v11;
	v10 =	vld [tilespmem:s24+$0xFFFFFCA0]  }
0x253: {  	v6 =	vadd.f32 v6, v9;
	v9 =	vadd.f32 v13, v14;
	v11 =	vld [tilespmem:s24+$0xFFFFFD20]  }
0x254: {  	v13 =	vld [tilespmem:s24+$0xFFFFFDA0]  }
0x255: {  	v6 =	vadd.f32 v6, v8;
	v7 =	vadd.f32 v7, v9;
	v8 =	vld [tilespmem:s24+$0xFFFFFE20]  }
0x256: {  	v9 =	vld [tilespmem:s24+$0xFFFFFEA0]  }
0x257: {  	v12 =	vadd.f32 v15, v12;
	v6 =	vadd.f32 v6, v7;
	_ =	sdelay $0x1  }
0x258: {  	v7 =	vld [tilespmem:s24+$0xFFFFFF20];
	v6 =	vadd.f32 v12, v6  }
0x259: {  	v5 =	vadd.f32 v16, v5;
	v10 =	vadd.f32 v10, v17;
	v12 =	vld [tilespmem:s24+$0xFFFFFFA0]  }
0x25a: {  	v8 =	vadd.f32 v9, v8;
	[tilespmem:s22+$0xFFFFFF10] =	vst v6;
	v6 =	vadd.f32 v13, v11;
	_ =	sdelay $0x1  }
0x25b: {  	v5 =	vadd.f32 v10, v5;
	v9 =	vld [tilespmem:s24+$0xFFFFF620];
	v6 =	vadd.f32 v8, v6  }
0x25c: {  	v11 =	vld [tilespmem:s24+$0xFFFFF6A0]  }
0x25d: {  	v10 =	vld [tilespmem:s24+$0xFFFFF7A0];
	v7 =	vadd.f32 v12, v7;
	v5 =	vadd.f32 v6, v5  }
0x25e: {  	v13 =	vld [tilespmem:s24+$0xFFFFF9A0]  }
0x25f: {  	v12 =	vld [tilespmem:s24+$0xFFFFF8A0];
	v5 =	vadd.f32 v7, v5  }
0x260: {  	v6 =	vld [tilespmem:s24+$0xFFFFF820]  }
0x261: {  	v7 =	vld [tilespmem:s24+$0xFFFFF920];
	[tilespmem:s22+$0xFFFFFFA0] =	vst v5  }
0x262: {  	v5 =	vld [tilespmem:s24+$0xFFFFFB30]  }
0x263: {  	v14 =	vld [tilespmem:s24+$0xFFFFFBB0]  }
0x264: {  	v15 =	vld [tilespmem:s24+$0xFFFFFC30]  }
0x265: {  	v16 =	vld [tilespmem:s24+$0xFFFFFCB0]  }
0x266: {  	v17 =	vld [tilespmem:s24+$0xFFFFFD30]  }
0x267: {  	v36 =	vld [tilespmem:s24+$0xFFFFFDB0]  }
0x268: {  	v37 =	vld [tilespmem:s24+$0xFFFFFE30]  }
0x269: {  	v38 =	vld [tilespmem:s24+$0xFFFFFEB0]  }
0x26a: {  	v8 =	vld [tilespmem:s24+$0xFFFFF720]  }
0x26b: {  	v9 =	vadd.f32 v11, v9  }
0x26c: {  	v6 =	vadd.f32 v12, v6;
	v11 =	vld [tilespmem:s24+$0xFFFFFF30];
	v7 =	vadd.f32 v13, v7  }
0x26d: {  	v12 =	vld [tilespmem:s24+$0xFFFFFFB0];
	v5 =	vadd.f32 v14, v5;
	v13 =	vadd.f32 v16, v15  }
0x26e: {  	v14 =	vadd.f32 v36, v17;
	v15 =	vadd.f32 v38, v37  }
0x26f: {  	v8 =	vadd.f32 v10, v8;
	v6 =	vadd.f32 v7, v6  }
0x270: {  	v5 =	vadd.f32 v13, v5;
	v7 =	vadd.f32 v15, v14  }
0x271: {  	v39 =	vld [tilespmem:s24+$0xFFFFFA20];
	v8 =	vadd.f32 v8, v9  }
0x272: {  	v10 =	vld [tilespmem:s24+$0xFFFFFAA0];
	v9 =	vadd.f32 v12, v11;
	v5 =	vadd.f32 v7, v5;
	_ =	sdelay $0x1  }
0x273: {  	s25 =	simm.s32 $0x6F70;
	v5 =	vadd.f32 v9, v5  }
0x274: {  	v43 =	vld [tilespmem:s25+$0xFFFFFE10]  }
0x275: {  	v44 =	vld [tilespmem:s25+$0xFFFFFE90];
	[tilespmem:s22+$0xFFFFFFB0] =	vst v5  }
0x276: {  	v6 =	vadd.f32 v6, v8;
	v8 =	vadd.f32 v10, v39;
	v5 =	vld [tilespmem:s24+$0xFFFFFB40]  }
0x277: {  	v7 =	vld [tilespmem:s24+$0xFFFFFBC0]  }
0x278: {  	v6 =	vadd.f32 v8, v6;
	v8 =	vld [tilespmem:s24+$0xFFFFFC40]  }
0x279: {  	v9 =	vld [tilespmem:s24+$0xFFFFFCC0]  }
0x27a: {  	v10 =	vld [tilespmem:s24+$0xFFFFFD40]  }
0x27b: {  	v11 =	vld [tilespmem:s24+$0xFFFFFDC0]  }
0x27c: {  	v12 =	vld [tilespmem:s24+$0xFFFFFE40]  }
0x27d: {  	[tilespmem:s22+$0xFFFFFF20] =	vst v6;
	v13 =	vld [tilespmem:s24+$0xFFFFFEC0]  }
0x27e: {  	v6 =	vld [tilespmem:s24+$0xFFFFF630]  }
0x27f: {  	v14 =	vld [tilespmem:s24+$0xFFFFF6B0]  }
0x280: {  	v16 =	vld [tilespmem:s24+$0xFFFFFF40]  }
0x281: {  	v17 =	vld [tilespmem:s24+$0xFFFFFFC0];
	v5 =	vadd.f32 v7, v5;
	v7 =	vadd.f32 v9, v8  }
0x282: {  	v15 =	vld [tilespmem:s24+$0xFFFFF730];
	v9 =	vadd.f32 v11, v10;
	v10 =	vadd.f32 v13, v12  }
0x283: {  	v8 =	vld [tilespmem:s24+$0xFFFFF7B0]  }
0x284: {  	v11 =	vld [tilespmem:s24+$0xFFFFF830];
	v5 =	vadd.f32 v7, v5;
	v7 =	vadd.f32 v10, v9  }
0x285: {  	v9 =	vld [tilespmem:s24+$0xFFFFF930]  }
0x286: {  	v13 =	vadd.f32 v17, v16;
	v10 =	vld [tilespmem:s24+$0xFFFFF9B0];
	v5 =	vadd.f32 v7, v5  }
0x287: {  	v12 =	vld [tilespmem:s24+$0xFFFFF8B0]  }
0x288: {  	v45 =	vld [tilespmem:s25+$0xFFFFF690];
	v5 =	vadd.f32 v13, v5  }
0x289: {  	v7 =	vld [tilespmem:s24+$0xFFFFFA30]  }
0x28a: {  	v6 =	vadd.f32 v14, v6;
	v13 =	vld [tilespmem:s24+$0xFFFFFAB0];
	[tilespmem:s22+$0xFFFFFFC0] =	vst v5  }
0x28b: {  	v8 =	vadd.f32 v8, v15;
	v9 =	vadd.f32 v10, v9;
	v10 =	vld [tilespmem:s24+$0xFFFFFB50]  }
0x28c: {  	v5 =	vadd.f32 v12, v11;
	v11 =	vld [tilespmem:s24+$0xFFFFFBD0]  }
0x28d: {  	v6 =	vadd.f32 v8, v6;
	v8 =	vld [tilespmem:s24+$0xFFFFFC50]  }
0x28e: {  	v12 =	vld [tilespmem:s24+$0xFFFFFDD0];
	v5 =	vadd.f32 v9, v5  }
0x28f: {  	v9 =	vld [tilespmem:s24+$0xFFFFFCD0]  }
0x290: {  	v7 =	vadd.f32 v13, v7;
	v13 =	vld [tilespmem:s24+$0xFFFFFED0];
	v5 =	vadd.f32 v5, v6  }
0x291: {  	v6 =	vld [tilespmem:s24+$0xFFFFFD50]  }
0x292: {  	v5 =	vadd.f32 v7, v5;
	v7 =	vld [tilespmem:s24+$0xFFFFFE50]  }
0x293: {  	v46 =	vld [tilespmem:s25+$0xFFFFFF10]  }
0x294: {  	v14 =	vld [tilespmem:s24+$0xFFFFFF50]  }
0x295: {  	v15 =	vld [tilespmem:s24+$0xFFFFFFD0];
	[tilespmem:s22+$0xFFFFFF30] =	vst v5  }
0x296: {  	v10 =	vadd.f32 v11, v10;
	v8 =	vadd.f32 v9, v8;
	v5 =	vld [tilespmem:s24+$0xFFFFF640]  }
0x297: {  	v9 =	vld [tilespmem:s24+$0xFFFFF6C0];
	v6 =	vadd.f32 v12, v6;
	v7 =	vadd.f32 v13, v7  }
0x298: {  	v11 =	vld [tilespmem:s24+$0xFFFFF740]  }
0x299: {  	v12 =	vld [tilespmem:s24+$0xFFFFF7C0];
	v8 =	vadd.f32 v8, v10;
	v6 =	vadd.f32 v7, v6  }
0x29a: {  	v10 =	vld [tilespmem:s24+$0xFFFFF8C0]  }
0x29b: {  	v13 =	vadd.f32 v15, v14;
	v14 =	vld [tilespmem:s24+$0xFFFFF9C0];
	v6 =	vadd.f32 v6, v8  }
0x29c: {  	v15 =	vld [tilespmem:s24+$0xFFFFFAC0]  }
0x29d: {  	v7 =	vld [tilespmem:s24+$0xFFFFF840];
	v6 =	vadd.f32 v13, v6  }
0x29e: {  	v8 =	vld [tilespmem:s24+$0xFFFFF940]  }
0x29f: {  	v13 =	vld [tilespmem:s24+$0xFFFFFA40];
	[tilespmem:s22+$0xFFFFFFD0] =	vst v6  }
0x2a0: {  	v6 =	vld [tilespmem:s24+$0xFFFFFB60]  }
0x2a1: {  	v16 =	vld [tilespmem:s24+$0xFFFFFBE0]  }
0x2a2: {  	v5 =	vadd.f32 v9, v5;
	v9 =	vadd.f32 v12, v11;
	v11 =	vld [tilespmem:s24+$0xFFFFFC60]  }
0x2a3: {  	v7 =	vadd.f32 v10, v7;
	v8 =	vadd.f32 v14, v8;
	v10 =	vld [tilespmem:s24+$0xFFFFFCE0]  }
0x2a4: {  	v12 =	vld [tilespmem:s24+$0xFFFFFD60]  }
0x2a5: {  	v5 =	vadd.f32 v9, v5;
	v9 =	vld [tilespmem:s24+$0xFFFFFE60];
	v7 =	vadd.f32 v8, v7  }
0x2a6: {  	v8 =	vld [tilespmem:s24+$0xFFFFFDE0]  }
0x2a7: {  	v13 =	vadd.f32 v15, v13;
	v5 =	vadd.f32 v7, v5;
	v7 =	vld [tilespmem:s24+$0xFFFFFEE0]  }
0x2a8: {  	v47 =	vld [tilespmem:s25+$0xFFFFFF90]  }
0x2a9: {  	v48 =	vld [tilespmem:s25+$0xFFFFF810];
	v5 =	vadd.f32 v13, v5  }
0x2aa: {  	v13 =	vld [tilespmem:s24+$0xFFFFFF60]  }
0x2ab: {  	v6 =	vadd.f32 v16, v6;
	v10 =	vadd.f32 v10, v11;
	[tilespmem:s22+$0xFFFFFF40] =	vst v5;
	v5 =	vld [tilespmem:s24+$0xFFFFFFE0]  }
0x2ac: {  	v8 =	vadd.f32 v8, v12;
	v11 =	vld [tilespmem:s24+$0xFFFFF650];
	v7 =	vadd.f32 v7, v9  }
0x2ad: {  	v9 =	vld [tilespmem:s24+$0xFFFFF6D0]  }
0x2ae: {  	v6 =	vadd.f32 v10, v6;
	v12 =	vld [tilespmem:s24+$0xFFFFF750];
	v7 =	vadd.f32 v7, v8  }
0x2af: {  	v10 =	vld [tilespmem:s24+$0xFFFFF850]  }
0x2b0: {  	v14 =	vld [tilespmem:s24+$0xFFFFFA50];
	v5 =	vadd.f32 v5, v13;
	v6 =	vadd.f32 v7, v6  }
0x2b1: {  	v8 =	vld [tilespmem:s24+$0xFFFFF7D0]  }
0x2b2: {  	v7 =	vld [tilespmem:s24+$0xFFFFF8D0];
	v5 =	vadd.f32 v5, v6  }
0x2b3: {  	v13 =	vld [tilespmem:s24+$0xFFFFF950]  }
0x2b4: {  	v6 =	vld [tilespmem:s24+$0xFFFFF9D0];
	[tilespmem:s22+$0xFFFFFFE0] =	vst v5  }
0x2b5: {  	v5 =	vld [tilespmem:s24+$0xFFFFFB70]  }
0x2b6: {  	v15 =	vld [tilespmem:s24+$0xFFFFFBF0]  }
0x2b7: {  	v16 =	vld [tilespmem:s24+$0xFFFFFC70]  }
0x2b8: {  	v17 =	vld [tilespmem:s24+$0xFFFFFCF0]  }
0x2b9: {  	v40 =	vld [tilespmem:s24+$0xFFFFFD70]  }
0x2ba: {  	v41 =	vld [tilespmem:s24+$0xFFFFFDF0]  }
0x2bb: {  	v42 =	vld [tilespmem:s24+$0xFFFFFE70]  }
0x2bc: {  	v9 =	vadd.f32 v9, v11;
	v8 =	vadd.f32 v8, v12;
	v11 =	vld [tilespmem:s24+$0xFFFFFEF0]  }
0x2bd: {  	v7 =	vadd.f32 v7, v10;
	v10 =	vld [tilespmem:s24+$0xFFFFFAD0];
	v6 =	vadd.f32 v6, v13  }
0x2be: {  	v50 =	vld [tilespmem:s25+$0xFFFFF610]  }
0x2bf: {  	v8 =	vadd.f32 v8, v9;
	v9 =	vld [tilespmem:s24+$0xFFFFFFF0];
	v6 =	vadd.f32 v6, v7  }
0x2c0: {  	v7 =	vld [tilespmem:s24+$0xFFFFFF70];
	v5 =	vadd.f32 v15, v5;
	v12 =	vadd.f32 v17, v16  }
0x2c1: {  	v51 =	vld [tilespmem:s25+$0xFFFFFA10];
	v13 =	vadd.f32 v41, v40;
	v11 =	vadd.f32 v11, v42  }
0x2c2: {  	v6 =	vadd.f32 v6, v8;
	v8 =	vadd.f32 v10, v14;
	v14 =	vld [tilespmem:s25+$0xFFFFFD90]  }
0x2c3: {  	v10 =	vadd.f32 v11, v13;
	v11 =	vld [tilespmem:s25+$0xFFFFFC10]  }
0x2c4: {  	v5 =	vadd.f32 v12, v5;
	v12 =	vld [tilespmem:s25+$0xFFFFFC90]  }
0x2c5: {  	v7 =	vadd.f32 v9, v7;
	v9 =	vld [tilespmem:s25+$0xFFFFFB10]  }
0x2c6: {  	v6 =	vadd.f32 v8, v6;
	v5 =	vadd.f32 v10, v5;
	v10 =	vld [tilespmem:s25+$0xFFFFFB90]  }
0x2c7: {  	v13 =	vld [tilespmem:s25+$0xFFFFFD10]  }
0x2c8: {  	v52 =	vld [tilespmem:s25+$0xFFFFFA90];
	[tilespmem:s22+$0xFFFFFF50] =	vst v6  }
0x2c9: {  	v15 =	vld [tilespmem:s24+$0xFFFFF660]  }
0x2ca: {  	v5 =	vadd.f32 v7, v5;
	v17 =	vld [tilespmem:s24+$0xFFFFF6E0]  }
0x2cb: {  	v16 =	vld [tilespmem:s24+$0xFFFFF760];
	v9 =	vadd.f32 v10, v9;
	v10 =	vadd.f32 v12, v11  }
0x2cc: {  	v40 =	vld [tilespmem:s24+$0xFFFFF7E0];
	v12 =	vadd.f32 v14, v13;
	v13 =	vadd.f32 v44, v43  }
0x2cd: {  	v49 =	vadd.f32 v47, v46;
	v41 =	vld [tilespmem:s24+$0xFFFFF860]  }
0x2ce: {  	v46 =	vld [tilespmem:s24+$0xFFFFF9E0];
	[tilespmem:s22+$0xFFFFFFF0] =	vst v5;
	v9 =	vadd.f32 v10, v9;
	v10 =	vadd.f32 v13, v12  }
0x2cf: {  	v5 =	vld [tilespmem:s24+$0xFFFFFB80]  }
0x2d0: {  	v11 =	vld [tilespmem:s25+$0xFFFFF710];
	v9 =	vadd.f32 v10, v9  }
0x2d1: {  	v14 =	vld [tilespmem:s25+$0xFFFFF790]  }
0x2d2: {  	v12 =	vld [tilespmem:s25+$0xFFFFF890];
	v9 =	vadd.f32 v49, v9  }
0x2d3: {  	s26 =	sadd.s32 $0x100, s22;
	v13 =	vld [tilespmem:s25+$0xFFFFF910]  }
0x2d4: {  	v10 =	vld [tilespmem:s25+$0xFFFFF990];
	[tilespmem:s26+$0xFFFFFF90] =	vst v9  }
0x2d5: {  	v23 =	vld [tilespmem:s25+$0xFFFFFB20]  }
0x2d6: {  	v24 =	vld [tilespmem:s25+$0xFFFFFBA0]  }
0x2d7: {  	v25 =	vld [tilespmem:s25+$0xFFFFFC20]  }
0x2d8: {  	v9 =	vadd.f32 v14, v11;
	v11 =	vadd.f32 v12, v48;
	v12 =	vld [tilespmem:s25+$0xFFFFFCA0]  }
0x2d9: {  	v14 =	vld [tilespmem:s25+$0xFFFFFD20]  }
0x2da: {  	v10 =	vadd.f32 v10, v13;
	v13 =	vadd.f32 v45, v50;
	v53 =	vld [tilespmem:s25+$0xFFFFFDA0]  }
0x2db: {  	v54 =	vld [tilespmem:s25+$0xFFFFFEA0]  }
0x2dc: {  	v10 =	vadd.f32 v10, v11;
	v11 =	vadd.f32 v9, v13;
	v13 =	vld [tilespmem:s25+$0xFFFFFE20]  }
0x2dd: {  	v6 =	vld [tilespmem:s24+$0xFFFFFC00]  }
0x2de: {  	v19 =	vadd.f32 v52, v51;
	v7 =	vld [tilespmem:s24+$0xFFFFFC80]  }
0x2df: {  	v55 =	vld [tilespmem:s25+$0xFFFFFF20];
	v11 =	vadd.f32 v10, v11;
	v23 =	vadd.f32 v24, v23  }
0x2e0: {  	v56 =	vld [tilespmem:s25+$0xFFFFFFA0];
	v12 =	vadd.f32 v12, v25;
	v14 =	vadd.f32 v53, v14  }
0x2e1: {  	v8 =	vld [tilespmem:s24+$0xFFFFFD00];
	v19 =	vadd.f32 v19, v11;
	v13 =	vadd.f32 v54, v13  }
0x2e2: {  	v44 =	vld [tilespmem:s24+$0xFFFFF8E0];
	v15 =	vadd.f32 v17, v15  }
0x2e3: {  	v17 =	vld [tilespmem:s24+$0xFFFFFA60];
	v12 =	vadd.f32 v12, v23;
	[tilespmem:s26+$0xFFFFFF10] =	vst v19;
	v13 =	vadd.f32 v13, v14  }
0x2e4: {  	v57 =	vld [tilespmem:s25+$0xFFFFF620]  }
0x2e5: {  	v21 =	vadd.f32 v56, v55;
	v19 =	vld [tilespmem:s25+$0xFFFFF6A0];
	v12 =	vadd.f32 v13, v12  }
0x2e6: {  	v14 =	vld [tilespmem:s25+$0xFFFFF720]  }
0x2e7: {  	v59 =	vld [tilespmem:s25+$0xFFFFF8A0];
	v12 =	vadd.f32 v21, v12  }
0x2e8: {  	v60 =	vld [tilespmem:s25+$0xFFFFF920]  }
0x2e9: {  	v61 =	vld [tilespmem:s25+$0xFFFFF9A0];
	[tilespmem:s26+$0xFFFFFFA0] =	vst v12  }
0x2ea: {  	v12 =	vld [tilespmem:s25+$0xFFFFFB30]  }
0x2eb: {  	v62 =	vld [tilespmem:s25+$0xFFFFFBB0]  }
0x2ec: {  	v63 =	vld [tilespmem:s25+$0xFFFFFC30]  }
0x2ed: {  	v26 =	vld [tilespmem:s25+$0xFFFFFCB0]  }
0x2ee: {  	v27 =	vld [tilespmem:s25+$0xFFFFFD30]  }
0x2ef: {  	v28 =	vld [tilespmem:s25+$0xFFFFFDB0]  }
0x2f0: {  	v29 =	vld [tilespmem:s25+$0xFFFFFE30]  }
0x2f1: {  	v30 =	vld [tilespmem:s25+$0xFFFFFEB0]  }
0x2f2: {  	v13 =	vld [tilespmem:s25+$0xFFFFF820]  }
0x2f3: {  	v58 =	vld [tilespmem:s25+$0xFFFFF7A0]  }
0x2f4: {  	v18 =	vadd.f32 v19, v57;
	v35 =	vld [tilespmem:s25+$0xFFFFFF30]  }
0x2f5: {  	v36 =	vld [tilespmem:s25+$0xFFFFFFB0];
	v12 =	vadd.f32 v62, v12;
	v37 =	vadd.f32 v26, v63  }
0x2f6: {  	v45 =	vld [tilespmem:s24+$0xFFFFF960];
	v38 =	vadd.f32 v28, v27;
	v39 =	vadd.f32 v30, v29  }
0x2f7: {  	v9 =	vld [tilespmem:s24+$0xFFFFFD80];
	v21 =	vadd.f32 v61, v60;
	v13 =	vadd.f32 v59, v13  }
0x2f8: {  	v10 =	vld [tilespmem:s24+$0xFFFFFE00];
	v42 =	vadd.f32 v37, v12;
	v43 =	vadd.f32 v39, v38  }
0x2f9: {  	v11 =	vld [tilespmem:s24+$0xFFFFFE80];
	v33 =	vadd.f32 v58, v14;
	v13 =	vadd.f32 v21, v13  }
0x2fa: {  	v31 =	vld [tilespmem:s25+$0xFFFFFA20];
	v22 =	vadd.f32 v36, v35;
	v21 =	vadd.f32 v43, v42  }
0x2fb: {  	v34 =	vld [tilespmem:s25+$0xFFFFFAA0];
	v18 =	vadd.f32 v33, v18  }
0x2fc: {  	v14 =	vld [tilespmem:s24+$0xFFFFFF00];
	v21 =	vadd.f32 v22, v21  }
0x2fd: {  	v18 =	vadd.f32 v13, v18;
	v13 =	vld [tilespmem:s24+$0x0]  }
0x2fe: {  	v63 =	vld [tilespmem:s24+$0xFFFFFAE0];
	[tilespmem:s26+$0xFFFFFFB0] =	vst v21  }
0x2ff: {  	v21 =	vld [tilespmem:s25+$0xFFFFFB40]  }
0x300: {  	v47 =	vld [tilespmem:s25+$0xFFFFFBC0]  }
0x301: {  	v48 =	vld [tilespmem:s25+$0xFFFFFC40]  }
0x302: {  	v49 =	vld [tilespmem:s25+$0xFFFFFCC0]  }
0x303: {  	v20 =	vadd.f32 v34, v31;
	v50 =	vld [tilespmem:s25+$0xFFFFFD40]  }
0x304: {  	v51 =	vld [tilespmem:s25+$0xFFFFFDC0]  }
0x305: {  	v18 =	vadd.f32 v20, v18;
	v52 =	vld [tilespmem:s25+$0xFFFFFE40]  }
0x306: {  	v53 =	vld [tilespmem:s25+$0xFFFFFEC0]  }
0x307: {  	v12 =	vld [tilespmem:s24+$0xFFFFFF80];
	[tilespmem:s26+$0xFFFFFF20] =	vst v18  }
0x308: {  	v18 =	vld [tilespmem:s25+$0xFFFFF630]  }
0x309: {  	v34 =	vld [tilespmem:s25+$0xFFFFFF40]  }
0x30a: {  	v55 =	vld [tilespmem:s25+$0xFFFFFFC0];
	v21 =	vadd.f32 v47, v21;
	v54 =	vadd.f32 v49, v48  }
0x30b: {  	v32 =	vld [tilespmem:s25+$0xFFFFF6B0];
	v56 =	vadd.f32 v51, v50;
	v58 =	vadd.f32 v53, v52  }
0x30c: {  	v33 =	vld [tilespmem:s25+$0xFFFFF730]  }
0x30d: {  	v57 =	vld [tilespmem:s25+$0xFFFFF7B0];
	v21 =	vadd.f32 v54, v21;
	v26 =	vadd.f32 v58, v56  }
0x30e: {  	v59 =	vld [tilespmem:s25+$0xFFFFF830]  }
0x30f: {  	v60 =	vld [tilespmem:s25+$0xFFFFF8B0];
	v25 =	vadd.f32 v55, v34;
	v21 =	vadd.f32 v26, v21  }
0x310: {  	v61 =	vld [tilespmem:s25+$0xFFFFF930]  }
0x311: {  	v16 =	vadd.f32 v40, v16;
	v62 =	vld [tilespmem:s25+$0xFFFFF9B0];
	v21 =	vadd.f32 v25, v21  }
0x312: {  	v19 =	vadd.f32 v44, v41;
	v20 =	vadd.f32 v46, v45;
	v36 =	vld [tilespmem:s25+$0xFFFFFAB0]  }
0x313: {  	v34 =	vld [tilespmem:s25+$0xFFFFFA30];
	[tilespmem:s26+$0xFFFFFFC0] =	vst v21  }
0x314: {  	v15 =	vadd.f32 v16, v15;
	v16 =	vadd.f32 v20, v19;
	v39 =	vld [tilespmem:s25+$0xFFFFFB50]  }
0x315: {  	v18 =	vadd.f32 v32, v18;
	v35 =	vadd.f32 v57, v33;
	v40 =	vld [tilespmem:s25+$0xFFFFFBD0]  }
0x316: {  	v37 =	vadd.f32 v60, v59;
	v38 =	vadd.f32 v62, v61;
	v42 =	vld [tilespmem:s25+$0xFFFFFC50]  }
0x317: {  	v15 =	vadd.f32 v16, v15;
	v16 =	vadd.f32 v63, v17;
	v17 =	vld [tilespmem:s25+$0xFFFFFCD0]  }
0x318: {  	v18 =	vadd.f32 v35, v18;
	v41 =	vadd.f32 v38, v37;
	v43 =	vld [tilespmem:s25+$0xFFFFFD50]  }
0x319: {  	v15 =	vadd.f32 v16, v15;
	v16 =	vld [tilespmem:s25+$0xFFFFFDD0]  }
0x31a: {  	v18 =	vadd.f32 v41, v18;
	v22 =	vadd.f32 v36, v34;
	v44 =	vld [tilespmem:s25+$0xFFFFFE50]  }
0x31b: {  	[tilespmem:s22+$0xFFFFFF60] =	vst v15;
	v15 =	vld [tilespmem:s25+$0xFFFFFED0]  }
0x31c: {  	v23 =	vld [tilespmem:s24+$0xFFFFF670];
	v18 =	vadd.f32 v22, v18  }
0x31d: {  	v45 =	vld [tilespmem:s25+$0xFFFFFF50]  }
0x31e: {  	[tilespmem:s26+$0xFFFFFF30] =	vst v18;
	v46 =	vld [tilespmem:s25+$0xFFFFFFD0]  }
0x31f: {  	v18 =	vld [tilespmem:s25+$0xFFFFF640];
	v19 =	vadd.f32 v40, v39;
	v17 =	vadd.f32 v17, v42  }
0x320: {  	v47 =	vld [tilespmem:s25+$0xFFFFF6C0];
	v16 =	vadd.f32 v16, v43;
	v15 =	vadd.f32 v15, v44  }
0x321: {  	v48 =	vld [tilespmem:s25+$0xFFFFF740]  }
0x322: {  	v49 =	vld [tilespmem:s25+$0xFFFFF7C0];
	v17 =	vadd.f32 v17, v19;
	v15 =	vadd.f32 v15, v16  }
0x323: {  	v50 =	vld [tilespmem:s25+$0xFFFFF8C0]  }
0x324: {  	v51 =	vld [tilespmem:s25+$0xFFFFF9C0];
	v24 =	vadd.f32 v46, v45;
	v15 =	vadd.f32 v15, v17  }
0x325: {  	v52 =	vld [tilespmem:s25+$0xFFFFFA40]  }
0x326: {  	v16 =	vld [tilespmem:s25+$0xFFFFF840];
	v15 =	vadd.f32 v24, v15  }
0x327: {  	v17 =	vld [tilespmem:s25+$0xFFFFF940]  }
0x328: {  	v53 =	vld [tilespmem:s25+$0xFFFFFAC0];
	[tilespmem:s26+$0xFFFFFFD0] =	vst v15  }
0x329: {  	v15 =	vld [tilespmem:s25+$0xFFFFFB60]  }
0x32a: {  	v54 =	vld [tilespmem:s25+$0xFFFFFBE0]  }
0x32b: {  	v18 =	vadd.f32 v47, v18;
	v20 =	vadd.f32 v49, v48;
	v55 =	vld [tilespmem:s25+$0xFFFFFC60]  }
0x32c: {  	v16 =	vadd.f32 v50, v16;
	v17 =	vadd.f32 v51, v17;
	v56 =	vld [tilespmem:s25+$0xFFFFFCE0]  }
0x32d: {  	v57 =	vld [tilespmem:s25+$0xFFFFFD60]  }
0x32e: {  	v18 =	vadd.f32 v20, v18;
	v58 =	vld [tilespmem:s25+$0xFFFFFE60];
	v16 =	vadd.f32 v17, v16  }
0x32f: {  	v59 =	vld [tilespmem:s25+$0xFFFFFEE0]  }
0x330: {  	v24 =	vadd.f32 v53, v52;
	v17 =	vld [tilespmem:s25+$0xFFFFFDE0];
	v16 =	vadd.f32 v16, v18  }
0x331: {  	v26 =	vld [tilespmem:s24+$0xFFFFF770]  }
0x332: {  	v25 =	vld [tilespmem:s24+$0xFFFFF6F0];
	v16 =	vadd.f32 v24, v16  }
0x333: {  	v60 =	vld [tilespmem:s25+$0xFFFFFF60]  }
0x334: {  	v15 =	vadd.f32 v54, v15;
	v19 =	vadd.f32 v56, v55;
	[tilespmem:s26+$0xFFFFFF40] =	vst v16;
	v16 =	vld [tilespmem:s25+$0xFFFFFFE0]  }
0x335: {  	v18 =	vadd.f32 v59, v58;
	v17 =	vadd.f32 v17, v57;
	v61 =	vld [tilespmem:s25+$0xFFFFF650]  }
0x336: {  	v62 =	vld [tilespmem:s25+$0xFFFFF6D0]  }
0x337: {  	v15 =	vadd.f32 v19, v15;
	v63 =	vld [tilespmem:s25+$0xFFFFF750];
	v17 =	vadd.f32 v18, v17  }
0x338: {  	v36 =	vld [tilespmem:s25+$0xFFFFF7D0]  }
0x339: {  	v37 =	vld [tilespmem:s25+$0xFFFFF850];
	v15 =	vadd.f32 v17, v15;
	v16 =	vadd.f32 v16, v60  }
0x33a: {  	v38 =	vld [tilespmem:s25+$0xFFFFF950]  }
0x33b: {  	v39 =	vld [tilespmem:s25+$0xFFFFFA50];
	v15 =	vadd.f32 v16, v15  }
0x33c: {  	v17 =	vld [tilespmem:s25+$0xFFFFF8D0]  }
0x33d: {  	v16 =	vld [tilespmem:s25+$0xFFFFF9D0];
	[tilespmem:s26+$0xFFFFFFE0] =	vst v15  }
0x33e: {  	v15 =	vld [tilespmem:s25+$0xFFFFFB70]  }
0x33f: {  	v40 =	vld [tilespmem:s25+$0xFFFFFBF0]  }
0x340: {  	v41 =	vld [tilespmem:s25+$0xFFFFFC70]  }
0x341: {  	v42 =	vld [tilespmem:s25+$0xFFFFFCF0]  }
0x342: {  	v43 =	vld [tilespmem:s25+$0xFFFFFD70]  }
0x343: {  	v44 =	vld [tilespmem:s25+$0xFFFFFDF0]  }
0x344: {  	v45 =	vld [tilespmem:s25+$0xFFFFFE70]  }
0x345: {  	v20 =	vadd.f32 v62, v61;
	v18 =	vadd.f32 v36, v63;
	v46 =	vld [tilespmem:s25+$0xFFFFFEF0]  }
0x346: {  	v47 =	vld [tilespmem:s25+$0xFFFFFAD0];
	v17 =	vadd.f32 v17, v37;
	v16 =	vadd.f32 v16, v38  }
0x347: {  	v48 =	vld [tilespmem:s24+$0xFFFFF7F0]  }
0x348: {  	v18 =	vadd.f32 v18, v20;
	v50 =	vld [tilespmem:s25+$0xFFFFFFF0];
	v16 =	vadd.f32 v16, v17  }
0x349: {  	v17 =	vld [tilespmem:s25+$0xFFFFFF70];
	v15 =	vadd.f32 v40, v15;
	v49 =	vadd.f32 v42, v41  }
0x34a: {  	v52 =	vld [tilespmem:s24+$0xFFFFF870];
	v51 =	vadd.f32 v44, v43;
	v21 =	vadd.f32 v46, v45  }
0x34b: {  	v54 =	vld [tilespmem:s24+$0xFFFFF8F0];
	v53 =	vadd.f32 v47, v39;
	v16 =	vadd.f32 v16, v18  }
0x34c: {  	v55 =	vld [tilespmem:s24+$0xFFFFF970];
	v15 =	vadd.f32 v49, v15;
	v21 =	vadd.f32 v21, v51  }
0x34d: {  	v56 =	vld [tilespmem:s24+$0xFFFFF9F0];
	v16 =	vadd.f32 v53, v16  }
0x34e: {  	v58 =	vld [tilespmem:s24+$0xFFFFFAF0];
	v17 =	vadd.f32 v50, v17;
	v15 =	vadd.f32 v21, v15  }
0x34f: {  	v57 =	vld [tilespmem:s24+$0xFFFFFA70];
	[tilespmem:s26+$0xFFFFFF50] =	vst v16  }
0x350: {  	v16 =	vld [tilespmem:s25+$0xFFFFF660];
	v17 =	vadd.f32 v17, v15  }
0x351: {  	v59 =	vld [tilespmem:s25+$0xFFFFF6E0]  }
0x352: {  	v15 =	vld [tilespmem:s25+$0xFFFFF760];
	[tilespmem:s26+$0xFFFFFFF0] =	vst v17  }
0x353: {  	v17 =	vld [tilespmem:s25+$0xFFFFFB80]  }
0x354: {  	v5 =	vadd.f32 v6, v5;
	v6 =	vadd.f32 v8, v7;
	v7 =	vld [tilespmem:s25+$0xFFFFFC00]  }
0x355: {  	v8 =	vadd.f32 v10, v9;
	v9 =	vadd.f32 v14, v11;
	v11 =	vld [tilespmem:s25+$0xFFFFFC80]  }
0x356: {  	v10 =	vadd.f32 v25, v23;
	v14 =	vadd.f32 v48, v26;
	v60 =	vld [tilespmem:s25+$0xFFFFFD00]  }
0x357: {  	v19 =	vadd.f32 v54, v52;
	v20 =	vadd.f32 v56, v55;
	v61 =	vld [tilespmem:s25+$0xFFFFFD80]  }
0x358: {  	v5 =	vadd.f32 v6, v5;
	v6 =	vadd.f32 v9, v8;
	v9 =	vld [tilespmem:s25+$0xFFFFFE00]  }
0x359: {  	v8 =	vadd.f32 v14, v10;
	v10 =	vadd.f32 v20, v19;
	v62 =	vld [tilespmem:s25+$0xFFFFFE80]  }
0x35a: {  	v5 =	vadd.f32 v6, v5;
	v12 =	vadd.f32 v13, v12;
	v63 =	vld [tilespmem:s25+$0xFFFFFF00]  }
0x35b: {  	v6 =	vadd.f32 v58, v57;
	v8 =	vadd.f32 v10, v8;
	v13 =	vld [tilespmem:s25+$0xFFFFF7E0]  }
0x35c: {  	v14 =	vadd.f32 v12, v5;
	v12 =	vld [tilespmem:s25+$0xFFFFF860]  }
0x35d: {  	v18 =	vadd.f32 v6, v8;
	v5 =	vld [tilespmem:s25+$0xFFFFFF80];
	v10 =	vadd.f32 v59, v16  }
0x35e: {  	s30 =	simm.s32 $0x2;
	[tilespmem:s22+$0x0] =	vst v14;
	v6 =	vld [tilespmem:s25+$0x0];
	v7 =	vadd.f32 v7, v17;
	v8 =	vadd.f32 v60, v11  }
0x35f: {  	s31 =	simm.s32 $0x7970;
	s29 =	smov.u32 s22;
	s28 =	smov.u32 s26;
	[tilespmem:s22+$0xFFFFFF70] =	vst v18;
	v14 =	vld [tilespmem:s25+$0xFFFFF8E0];
	v9 =	vadd.f32 v9, v61;
	v11 =	vadd.f32 v63, v62  }
.LBB2_7:
0x360: {  	v16 =	vld [tilespmem:s31+$0xFFFFFB10];
	v13 =	vadd.f32 v13, v15  }
0x361: {  	v7 =	vadd.f32 v8, v7;
	v15 =	vld [tilespmem:s31+$0xFFFFFB90];
	v8 =	vadd.f32 v11, v9  }
0x362: {  	v9 =	vld [tilespmem:s31+$0xFFFFFC10];
	v10 =	vadd.f32 v13, v10  }
0x363: {  	v11 =	vld [tilespmem:s31+$0xFFFFFC90];
	v5 =	vadd.f32 v6, v5;
	v6 =	vadd.f32 v8, v7  }
0x364: {  	v7 =	vld [tilespmem:s31+$0xFFFFFD10];
	v8 =	vadd.f32 v14, v12  }
0x365: {  	v12 =	vld [tilespmem:s31+$0xFFFFFD90];
	v5 =	vadd.f32 v5, v6  }
0x366: {  	v6 =	vld [tilespmem:s31+$0xFFFFFE10]  }
0x367: {  	v13 =	vld [tilespmem:s31+$0xFFFFFE90];
	[tilespmem:s26+$0x0] =	vst v5  }
0x368: {  	v5 =	vld [tilespmem:s31+$0xFFFFF690]  }
0x369: {  	v14 =	vld [tilespmem:s31+$0xFFFFF710]  }
0x36a: {  	v17 =	vld [tilespmem:s31+$0xFFFFFF10]  }
0x36b: {  	v15 =	vadd.f32 v15, v16;
	v9 =	vadd.f32 v11, v9;
	v18 =	vld [tilespmem:s31+$0xFFFFFF90]  }
0x36c: {  	v7 =	vadd.f32 v12, v7;
	v11 =	vld [tilespmem:s31+$0xFFFFF790];
	v6 =	vadd.f32 v13, v6  }
0x36d: {  	v12 =	vld [tilespmem:s31+$0xFFFFF810]  }
0x36e: {  	v9 =	vadd.f32 v9, v15;
	v13 =	vld [tilespmem:s31+$0xFFFFF890];
	v6 =	vadd.f32 v6, v7  }
0x36f: {  	v7 =	vld [tilespmem:s31+$0xFFFFF910]  }
0x370: {  	v15 =	vld [tilespmem:s31+$0xFFFFF990];
	v16 =	vadd.f32 v18, v17;
	v6 =	vadd.f32 v6, v9  }
0x371: {  	v9 =	vld [tilespmem:s31+$0xFFFFF610];
	v11 =	vadd.f32 v11, v14  }
0x372: {  	v14 =	vld [tilespmem:s31+$0xFFFFFA10];
	v6 =	vadd.f32 v16, v6  }
0x373: {  	s26 =	sadd.s32 $0x100, s26;
	v16 =	vld [tilespmem:s31+$0xFFFFFA90];
	v12 =	vadd.f32 v13, v12  }
0x374: {  	[tilespmem:s26+$0xFFFFFF90] =	vst v6;
	v6 =	vld [tilespmem:s25+$0xFFFFF960]  }
0x375: {  	v7 =	vadd.f32 v15, v7;
	v13 =	vld [tilespmem:s31+$0xFFFFFB20]  }
0x376: {  	v5 =	vadd.f32 v5, v9;
	v9 =	vld [tilespmem:s31+$0xFFFFFBA0]  }
0x377: {  	v7 =	vadd.f32 v7, v12;
	v12 =	vld [tilespmem:s31+$0xFFFFFC20]  }
0x378: {  	v14 =	vadd.f32 v16, v14;
	v5 =	vadd.f32 v11, v5;
	v11 =	vld [tilespmem:s31+$0xFFFFFCA0]  }
0x379: {  	v15 =	vld [tilespmem:s31+$0xFFFFFD20]  }
0x37a: {  	v5 =	vadd.f32 v7, v5;
	v7 =	vld [tilespmem:s31+$0xFFFFFDA0]  }
0x37b: {  	v16 =	vld [tilespmem:s31+$0xFFFFFE20]  }
0x37c: {  	v5 =	vadd.f32 v14, v5;
	v14 =	vld [tilespmem:s31+$0xFFFFFEA0]  }
0x37d: {  	v17 =	vld [tilespmem:s25+$0xFFFFF9E0]  }
0x37e: {  	[tilespmem:s26+$0xFFFFFF10] =	vst v5;
	v5 =	vld [tilespmem:s25+$0xFFFFFA60]  }
0x37f: {  	v18 =	vld [tilespmem:s31+$0xFFFFFF20]  }
0x380: {  	v9 =	vadd.f32 v9, v13;
	v11 =	vadd.f32 v11, v12;
	v19 =	vld [tilespmem:s31+$0xFFFFFFA0]  }
0x381: {  	v7 =	vadd.f32 v7, v15;
	v12 =	vld [tilespmem:s31+$0xFFFFF620];
	v13 =	vadd.f32 v14, v16  }
0x382: {  	v14 =	vld [tilespmem:s31+$0xFFFFF6A0];
	v6 =	vadd.f32 v17, v6  }
0x383: {  	v9 =	vadd.f32 v11, v9;
	v15 =	vld [tilespmem:s31+$0xFFFFF720];
	v7 =	vadd.f32 v13, v7  }
0x384: {  	v11 =	vld [tilespmem:s31+$0xFFFFF7A0];
	v6 =	vadd.f32 v6, v8  }
0x385: {  	v8 =	vld [tilespmem:s31+$0xFFFFF820];
	v13 =	vadd.f32 v19, v18;
	v7 =	vadd.f32 v7, v9  }
0x386: {  	v9 =	vld [tilespmem:s31+$0xFFFFF8A0];
	v6 =	vadd.f32 v6, v10  }
0x387: {  	v10 =	vld [tilespmem:s31+$0xFFFFF920];
	v12 =	vadd.f32 v14, v12;
	v7 =	vadd.f32 v13, v7  }
0x388: {  	v13 =	vld [tilespmem:s31+$0xFFFFF9A0]  }
0x389: {  	v14 =	vld [tilespmem:s31+$0xFFFFFA20];
	v11 =	vadd.f32 v11, v15;
	[tilespmem:s26+$0xFFFFFFA0] =	vst v7  }
0x38a: {  	v7 =	vld [tilespmem:s31+$0xFFFFFB30]  }
0x38b: {  	v8 =	vadd.f32 v9, v8;
	v9 =	vadd.f32 v11, v12;
	v11 =	vld [tilespmem:s31+$0xFFFFFBB0]  }
0x38c: {  	v12 =	vld [tilespmem:s31+$0xFFFFFC30]  }
0x38d: {  	v10 =	vadd.f32 v13, v10;
	v13 =	vld [tilespmem:s31+$0xFFFFFCB0]  }
0x38e: {  	v15 =	vld [tilespmem:s31+$0xFFFFFD30]  }
0x38f: {  	v8 =	vadd.f32 v10, v8;
	v10 =	vld [tilespmem:s31+$0xFFFFFDB0]  }
0x390: {  	v16 =	vld [tilespmem:s31+$0xFFFFFE30]  }
0x391: {  	v8 =	vadd.f32 v8, v9;
	v9 =	vld [tilespmem:s31+$0xFFFFFEB0]  }
0x392: {  	v17 =	vld [tilespmem:s31+$0xFFFFFAA0]  }
0x393: {  	v18 =	vld [tilespmem:s25+$0xFFFFFAE0]  }
0x394: {  	v19 =	vld [tilespmem:s31+$0xFFFFFF30]  }
0x395: {  	v7 =	vadd.f32 v11, v7;
	v11 =	vadd.f32 v13, v12;
	v20 =	vld [tilespmem:s31+$0xFFFFFFB0]  }
0x396: {  	v10 =	vadd.f32 v10, v15;
	v9 =	vadd.f32 v9, v16;
	v12 =	vld [tilespmem:s24+$0xFFFFF680]  }
0x397: {  	v13 =	vadd.f32 v17, v14;
	v14 =	vld [tilespmem:s24+$0xFFFFF700]  }
0x398: {  	s30 =	sadd.s32 $0x2, s30;
	v7 =	vadd.f32 v11, v7;
	v9 =	vadd.f32 v9, v10;
	v10 =	vld [tilespmem:s24+$0xFFFFF780]  }
0x399: {  	p0 =	slt.u32 s30, $0xE;
	v5 =	vadd.f32 v18, v5;
	v8 =	vadd.f32 v13, v8;
	v11 =	vld [tilespmem:s24+$0xFFFFF800]  }
0x39a: {  	v13 =	vadd.f32 v20, v19;
	v7 =	vadd.f32 v9, v7;
	v9 =	vld [tilespmem:s24+$0xFFFFF880]  }
0x39b: {  	v5 =	vadd.f32 v5, v6;
	[tilespmem:s26+$0xFFFFFF20] =	vst v8;
	v6 =	vld [tilespmem:s24+$0xFFFFF900]  }
0x39c: {  	v8 =	vld [tilespmem:s31+$0xFFFFF630];
	v7 =	vadd.f32 v13, v7;
	v12 =	vadd.f32 v14, v12  }
0x39d: {  	v13 =	vld [tilespmem:s31+$0xFFFFF6B0];
	[tilespmem:s28+$0xFFFFFF60] =	vst v5  }
0x39e: {  	v14 =	vld [tilespmem:s31+$0xFFFFF730];
	[tilespmem:s26+$0xFFFFFFB0] =	vst v7;
	v5 =	vadd.f32 v11, v10  }
0x39f: {  	v7 =	vld [tilespmem:s31+$0xFFFFFB40]  }
0x3a0: {  	v10 =	vld [tilespmem:s31+$0xFFFFFBC0];
	v6 =	vadd.f32 v6, v9;
	v5 =	vadd.f32 v5, v12  }
0x3a1: {  	v9 =	vld [tilespmem:s31+$0xFFFFFC40]  }
0x3a2: {  	v8 =	vadd.f32 v13, v8;
	v11 =	vld [tilespmem:s31+$0xFFFFFCC0]  }
0x3a3: {  	v12 =	vld [tilespmem:s31+$0xFFFFFD40]  }
0x3a4: {  	v13 =	vld [tilespmem:s31+$0xFFFFFDC0]  }
0x3a5: {  	v15 =	vld [tilespmem:s31+$0xFFFFFE40]  }
0x3a6: {  	v16 =	vld [tilespmem:s31+$0xFFFFFEC0]  }
0x3a7: {  	v17 =	vld [tilespmem:s31+$0xFFFFF7B0]  }
0x3a8: {  	v18 =	vld [tilespmem:s31+$0xFFFFF830]  }
0x3a9: {  	v19 =	vld [tilespmem:s31+$0xFFFFFF40]  }
0x3aa: {  	v7 =	vadd.f32 v10, v7;
	v9 =	vadd.f32 v11, v9;
	v20 =	vld [tilespmem:s31+$0xFFFFFFC0]  }
0x3ab: {  	v11 =	vadd.f32 v13, v12;
	v10 =	vld [tilespmem:s31+$0xFFFFF8B0];
	v12 =	vadd.f32 v16, v15  }
0x3ac: {  	v13 =	vld [tilespmem:s31+$0xFFFFF930];
	v14 =	vadd.f32 v17, v14  }
0x3ad: {  	v7 =	vadd.f32 v9, v7;
	v15 =	vld [tilespmem:s31+$0xFFFFF9B0];
	v9 =	vadd.f32 v12, v11  }
0x3ae: {  	v11 =	vld [tilespmem:s31+$0xFFFFFA30];
	v8 =	vadd.f32 v14, v8  }
0x3af: {  	v12 =	vld [tilespmem:s31+$0xFFFFFAB0];
	v14 =	vadd.f32 v20, v19;
	v7 =	vadd.f32 v9, v7  }
0x3b0: {  	v9 =	vadd.f32 v10, v18;
	v10 =	vld [tilespmem:s25+$0xFFFFF670]  }
0x3b1: {  	v7 =	vadd.f32 v14, v7;
	v14 =	vld [tilespmem:s25+$0xFFFFF6F0]  }
0x3b2: {  	v13 =	vadd.f32 v15, v13;
	v15 =	vld [tilespmem:s25+$0xFFFFF770]  }
0x3b3: {  	[tilespmem:s26+$0xFFFFFFC0] =	vst v7;
	v7 =	vld [tilespmem:s25+$0xFFFFF7F0]  }
0x3b4: {  	v11 =	vadd.f32 v12, v11;
	v9 =	vadd.f32 v13, v9;
	v12 =	vld [tilespmem:s31+$0xFFFFFB50]  }
0x3b5: {  	v13 =	vld [tilespmem:s31+$0xFFFFFBD0]  }
0x3b6: {  	v8 =	vadd.f32 v9, v8;
	v9 =	vld [tilespmem:s31+$0xFFFFFC50];
	v10 =	vadd.f32 v14, v10  }
0x3b7: {  	v14 =	vld [tilespmem:s31+$0xFFFFFCD0]  }
0x3b8: {  	v8 =	vadd.f32 v11, v8;
	v11 =	vld [tilespmem:s31+$0xFFFFFD50];
	v7 =	vadd.f32 v7, v15  }
0x3b9: {  	v15 =	vld [tilespmem:s31+$0xFFFFFDD0]  }
0x3ba: {  	[tilespmem:s26+$0xFFFFFF30] =	vst v8;
	v8 =	vld [tilespmem:s31+$0xFFFFFE50];
	v7 =	vadd.f32 v7, v10  }
0x3bb: {  	v10 =	vld [tilespmem:s31+$0xFFFFFED0]  }
0x3bc: {  	v16 =	vld [tilespmem:s31+$0xFFFFF640]  }
0x3bd: {  	v17 =	vld [tilespmem:s31+$0xFFFFF6C0]  }
0x3be: {  	v18 =	vld [tilespmem:s31+$0xFFFFFF50]  }
0x3bf: {  	v12 =	vadd.f32 v13, v12;
	v9 =	vadd.f32 v14, v9;
	v19 =	vld [tilespmem:s31+$0xFFFFFFD0]  }
0x3c0: {  	v11 =	vadd.f32 v15, v11;
	v13 =	vld [tilespmem:s31+$0xFFFFF740];
	v8 =	vadd.f32 v10, v8  }
0x3c1: {  	v10 =	vld [tilespmem:s31+$0xFFFFF7C0]  }
0x3c2: {  	v9 =	vadd.f32 v9, v12;
	v14 =	vld [tilespmem:s31+$0xFFFFF840];
	v8 =	vadd.f32 v8, v11  }
0x3c3: {  	v12 =	vadd.f32 v17, v16;
	v11 =	vld [tilespmem:s31+$0xFFFFF8C0]  }
0x3c4: {  	v15 =	vld [tilespmem:s31+$0xFFFFF940];
	v16 =	vadd.f32 v19, v18;
	v8 =	vadd.f32 v8, v9  }
0x3c5: {  	v9 =	vld [tilespmem:s31+$0xFFFFF9C0]  }
0x3c6: {  	v17 =	vld [tilespmem:s31+$0xFFFFFA40];
	v10 =	vadd.f32 v10, v13;
	v8 =	vadd.f32 v16, v8  }
0x3c7: {  	v13 =	vld [tilespmem:s31+$0xFFFFFAC0]  }
0x3c8: {  	v11 =	vadd.f32 v11, v14;
	v10 =	vadd.f32 v10, v12;
	[tilespmem:s26+$0xFFFFFFD0] =	vst v8;
	v8 =	vld [tilespmem:s25+$0xFFFFF870]  }
0x3c9: {  	v12 =	vld [tilespmem:s31+$0xFFFFFB60]  }
0x3ca: {  	v9 =	vadd.f32 v9, v15;
	v14 =	vld [tilespmem:s31+$0xFFFFFBE0]  }
0x3cb: {  	v15 =	vld [tilespmem:s31+$0xFFFFFC60]  }
0x3cc: {  	v13 =	vadd.f32 v13, v17;
	v9 =	vadd.f32 v9, v11;
	v11 =	vld [tilespmem:s31+$0xFFFFFCE0]  }
0x3cd: {  	v16 =	vld [tilespmem:s31+$0xFFFFFD60]  }
0x3ce: {  	v9 =	vadd.f32 v9, v10;
	v10 =	vld [tilespmem:s31+$0xFFFFFDE0]  }
0x3cf: {  	v17 =	vld [tilespmem:s31+$0xFFFFFE60]  }
0x3d0: {  	v9 =	vadd.f32 v13, v9;
	v13 =	vld [tilespmem:s31+$0xFFFFFEE0]  }
0x3d1: {  	v18 =	vld [tilespmem:s25+$0xFFFFF8F0]  }
0x3d2: {  	[tilespmem:s26+$0xFFFFFF40] =	vst v9;
	v9 =	vld [tilespmem:s25+$0xFFFFF970]  }
0x3d3: {  	v19 =	vld [tilespmem:s31+$0xFFFFFF60]  }
0x3d4: {  	v12 =	vadd.f32 v14, v12;
	v11 =	vadd.f32 v11, v15;
	v20 =	vld [tilespmem:s31+$0xFFFFFFE0]  }
0x3d5: {  	v10 =	vadd.f32 v10, v16;
	v14 =	vld [tilespmem:s31+$0xFFFFF650];
	v13 =	vadd.f32 v13, v17  }
0x3d6: {  	v15 =	vld [tilespmem:s31+$0xFFFFF6D0];
	v8 =	vadd.f32 v18, v8  }
0x3d7: {  	v11 =	vadd.f32 v11, v12;
	v16 =	vld [tilespmem:s31+$0xFFFFF750];
	v10 =	vadd.f32 v13, v10  }
0x3d8: {  	v12 =	vld [tilespmem:s31+$0xFFFFF7D0]  }
0x3d9: {  	v13 =	vld [tilespmem:s31+$0xFFFFF850];
	v17 =	vadd.f32 v20, v19;
	v10 =	vadd.f32 v10, v11  }
0x3da: {  	v11 =	vld [tilespmem:s31+$0xFFFFF8D0]  }
0x3db: {  	v18 =	vld [tilespmem:s31+$0xFFFFF950];
	v14 =	vadd.f32 v15, v14;
	v10 =	vadd.f32 v17, v10  }
0x3dc: {  	v15 =	vld [tilespmem:s31+$0xFFFFF9D0]  }
0x3dd: {  	v17 =	vld [tilespmem:s31+$0xFFFFFA50];
	v12 =	vadd.f32 v12, v16;
	[tilespmem:s26+$0xFFFFFFE0] =	vst v10  }
0x3de: {  	v10 =	vld [tilespmem:s31+$0xFFFFFB70]  }
0x3df: {  	v11 =	vadd.f32 v11, v13;
	v12 =	vadd.f32 v12, v14;
	v13 =	vld [tilespmem:s31+$0xFFFFFBF0]  }
0x3e0: {  	v14 =	vld [tilespmem:s31+$0xFFFFFC70]  }
0x3e1: {  	v15 =	vadd.f32 v15, v18;
	v16 =	vld [tilespmem:s31+$0xFFFFFCF0]  }
0x3e2: {  	v18 =	vld [tilespmem:s31+$0xFFFFFD70]  }
0x3e3: {  	v11 =	vadd.f32 v15, v11;
	v15 =	vld [tilespmem:s31+$0xFFFFFDF0]  }
0x3e4: {  	v19 =	vld [tilespmem:s31+$0xFFFFFE70]  }
0x3e5: {  	v11 =	vadd.f32 v11, v12;
	v12 =	vld [tilespmem:s31+$0xFFFFFEF0]  }
0x3e6: {  	v20 =	vld [tilespmem:s31+$0xFFFFFAD0]  }
0x3e7: {  	v21 =	vld [tilespmem:s25+$0xFFFFF9F0]  }
0x3e8: {  	v22 =	vld [tilespmem:s31+$0xFFFFFF70]  }
0x3e9: {  	v10 =	vadd.f32 v13, v10;
	v13 =	vadd.f32 v16, v14;
	v23 =	vld [tilespmem:s31+$0xFFFFFFF0]  }
0x3ea: {  	v14 =	vadd.f32 v15, v18;
	v12 =	vadd.f32 v12, v19;
	v15 =	vld [tilespmem:s25+$0xFFFFFA70]  }
0x3eb: {  	v16 =	vadd.f32 v20, v17;
	v17 =	vld [tilespmem:s25+$0xFFFFFAF0]  }
0x3ec: {  	v10 =	vadd.f32 v13, v10;
	v12 =	vadd.f32 v12, v14;
	v13 =	vld [tilespmem:s24+$0xFFFFF980]  }
0x3ed: {  	v9 =	vadd.f32 v21, v9;
	v11 =	vadd.f32 v16, v11;
	v14 =	vld [tilespmem:s24+$0xFFFFFA00]  }
0x3ee: {  	v16 =	vadd.f32 v23, v22;
	v10 =	vadd.f32 v12, v10;
	v12 =	vld [tilespmem:s24+$0xFFFFFA80]  }
0x3ef: {  	v8 =	vadd.f32 v9, v8;
	[tilespmem:s26+$0xFFFFFF50] =	vst v11;
	v9 =	vld [tilespmem:s24+$0xFFFFFB00];
	s24 =	smov.u32 s25;
	s25 =	smov.u32 s31  }
0x3f0: {  	v11 =	vld [tilespmem:s31+$0xFFFFF660];
	v10 =	vadd.f32 v16, v10;
	v16 =	vadd.f32 v17, v15  }
0x3f1: {  	v7 =	vadd.f32 v8, v7;
	v17 =	vld [tilespmem:s31+$0xFFFFF6E0]  }
0x3f2: {  	v15 =	vld [tilespmem:s31+$0xFFFFF760];
	[tilespmem:s26+$0xFFFFFFF0] =	vst v10;
	v8 =	vadd.f32 v14, v13  }
0x3f3: {  	v7 =	vadd.f32 v16, v7;
	v14 =	vld [tilespmem:s31+$0xFFFFFB80]  }
0x3f4: {  	v16 =	vld [tilespmem:s31+$0xFFFFFC00];
	v9 =	vadd.f32 v9, v12;
	v6 =	vadd.f32 v8, v6  }
0x3f5: {  	v8 =	vld [tilespmem:s31+$0xFFFFFC80];
	[tilespmem:s28+$0xFFFFFF70] =	vst v7  }
0x3f6: {  	v10 =	vadd.f32 v17, v11;
	v11 =	vld [tilespmem:s31+$0xFFFFFD00];
	v5 =	vadd.f32 v6, v5  }
0x3f7: {  	v17 =	vld [tilespmem:s31+$0xFFFFFD80]  }
0x3f8: {  	v18 =	vld [tilespmem:s31+$0xFFFFFE00];
	v5 =	vadd.f32 v9, v5  }
0x3f9: {  	v19 =	vld [tilespmem:s31+$0xFFFFFE80]  }
0x3fa: {  	v20 =	vld [tilespmem:s31+$0xFFFFFF00];
	[tilespmem:s29+$0xFFFFFF80] =	vst v5;
	s29 =	smov.u32 s28;
	s28 =	smov.u32 s26  }
.Ltmp2:
0x3fb: {  	v13 =	vld [tilespmem:s31+$0xFFFFF7E0];
	(pc) =	sbr.rel @p0 .LBB2_7-.Ltmp2, $4  }
0x3fc: {  	v12 =	vld [tilespmem:s31+$0xFFFFF860]  }
0x3fd: {  	v5 =	vld [tilespmem:s31+$0xFFFFFF80]  }
0x3fe: {  	v7 =	vadd.f32 v16, v14;
	v8 =	vadd.f32 v11, v8;
	v6 =	vld [tilespmem:s31+$0x0]  }
0x3ff: {  	v9 =	vadd.f32 v18, v17;
	s31 =	sadd.s32 $0xA00, s31;
	v14 =	vld [tilespmem:s25+$0xFFFFF8E0];
	v11 =	vadd.f32 v20, v19  }
0x400: {  	v16 =	vld [tilespmem:s25+$0xFFFFF960]  }
0x401: {  	v17 =	vld [tilespmem:s25+$0xFFFFF9E0];
	_ =	sdelay $0x2  }
0x402: {  	v18 =	vld [tilespmem:s25+$0xFFFFFA60]  }
0x403: {  	v13 =	vadd.f32 v13, v15;
	v30 =	vld [tilespmem:s25+$0xFFFFFAE0]  }
0x404: {  	v12 =	vadd.f32 v14, v12;
	v31 =	vadd.f32 v17, v16;
	_ =	sdelay $0x1  }
0x405: {  	v10 =	vadd.f32 v13, v10;
	v12 =	vadd.f32 v31, v12;
	_ =	sdelay $0x1  }
0x406: {  	v32 =	vadd.f32 v30, v18;
	v10 =	vadd.f32 v12, v10;
	_ =	sdelay $0x1  }
0x407: {  	v10 =	vadd.f32 v32, v10;
	_ =	sdelay $0x1  }
0x408: {  	[tilespmem:s28+$0xFFFFFF60] =	vst v10  }
0x409: {  	v10 =	vld [tilespmem:s25+$0xFFFFF670]  }
0x40a: {  	v33 =	vld [tilespmem:s25+$0xFFFFF6F0]  }
0x40b: {  	v34 =	vld [tilespmem:s25+$0xFFFFF770]  }
0x40c: {  	v35 =	vld [tilespmem:s25+$0xFFFFF7F0]  }
0x40d: {  	v36 =	vld [tilespmem:s25+$0xFFFFF870]  }
0x40e: {  	v37 =	vld [tilespmem:s25+$0xFFFFF8F0]  }
0x40f: {  	v38 =	vld [tilespmem:s25+$0xFFFFF970]  }
0x410: {  	v39 =	vld [tilespmem:s25+$0xFFFFF9F0];
	_ =	sdelay $0x2  }
0x411: {  	v19 =	vld [tilespmem:s25+$0xFFFFFA70]  }
0x412: {  	v41 =	vld [tilespmem:s25+$0xFFFFFAF0];
	v10 =	vadd.f32 v33, v10;
	v40 =	vadd.f32 v35, v34  }
0x413: {  	v42 =	vadd.f32 v37, v36;
	v43 =	vadd.f32 v39, v38  }
0x414: {  	v44 =	vld [tilespmem:s24+$0xFFFFF680]  }
0x415: {  	v45 =	vld [tilespmem:s24+$0xFFFFF700];
	v10 =	vadd.f32 v40, v10;
	v46 =	vadd.f32 v43, v42  }
0x416: {  	v47 =	vld [tilespmem:s24+$0xFFFFF780]  }
0x417: {  	v48 =	vld [tilespmem:s24+$0xFFFFF800];
	v13 =	vadd.f32 v41, v19;
	v10 =	vadd.f32 v46, v10  }
0x418: {  	v49 =	vld [tilespmem:s24+$0xFFFFF880]  }
0x419: {  	v50 =	vld [tilespmem:s24+$0xFFFFF900];
	v10 =	vadd.f32 v13, v10  }
0x41a: {  	v51 =	vld [tilespmem:s24+$0xFFFFF980]  }
0x41b: {  	v52 =	vld [tilespmem:s24+$0xFFFFFA00];
	[tilespmem:s28+$0xFFFFFF70] =	vst v10  }
0x41c: {  	v10 =	vld [tilespmem:s25+$0xFFFFF680]  }
0x41d: {  	v20 =	vld [tilespmem:s25+$0xFFFFF700]  }
0x41e: {  	v21 =	vld [tilespmem:s25+$0xFFFFF780]  }
0x41f: {  	v22 =	vld [tilespmem:s25+$0xFFFFF800]  }
0x420: {  	v7 =	vadd.f32 v8, v7;
	v53 =	vadd.f32 v11, v9;
	v54 =	vld [tilespmem:s25+$0xFFFFF880]  }
0x421: {  	v55 =	vld [tilespmem:s25+$0xFFFFF900]  }
0x422: {  	v5 =	vadd.f32 v6, v5;
	v6 =	vadd.f32 v53, v7;
	v7 =	vld [tilespmem:s25+$0xFFFFF980]  }
0x423: {  	v56 =	vld [tilespmem:s25+$0xFFFFFA00]  }
0x424: {  	v57 =	vld [tilespmem:s24+$0xFFFFFB00];
	v5 =	vadd.f32 v5, v6  }
0x425: {  	v6 =	vld [tilespmem:s24+$0xFFFFFA80];
	v16 =	vadd.f32 v45, v44;
	v14 =	vadd.f32 v48, v47  }
0x426: {  	v12 =	vadd.f32 v50, v49;
	v13 =	vadd.f32 v52, v51;
	v58 =	vld [tilespmem:s25+$0xFFFFFA80]  }
0x427: {  	s23 =	sadd.s32 $0x3, s23;
	v60 =	vld [tilespmem:s25+$0xFFFFFB00];
	v10 =	vadd.f32 v20, v10;
	v59 =	vadd.f32 v22, v21  }
0x428: {  	s31 =	smulhi.u32 $0x38E38E39, s23;
	v9 =	vadd.f32 v55, v54;
	v7 =	vadd.f32 v56, v7  }
0x429: {  	v61 =	vadd.f32 v14, v16;
	v62 =	vadd.f32 v13, v12  }
0x42a: {  	s24 =	sshrl.u32 s31, $0x2;
	v10 =	vadd.f32 v59, v10;
	v7 =	vadd.f32 v7, v9  }
0x42b: {  	s24 =	smul.u32 $0x12, s24;
	v6 =	vadd.f32 v57, v6;
	v8 =	vadd.f32 v62, v61  }
0x42c: {  	v63 =	vadd.f32 v60, v58;
	v7 =	vadd.f32 v7, v10  }
0x42d: {  	s20 =	sadd.s32 $0x1, s20;
	s23 =	ssub.s32 s23, s24;
	v6 =	vadd.f32 v6, v8  }
0x42e: {  	p0 =	sne.s32 s20, $0x9;
	[tilespmem:s26+$0x0] =	vst v5;
	s23 =	smul.u32 $0x280, s23;
	v5 =	vadd.f32 v63, v7  }
.Ltmp3:
0x42f: {  	[tilespmem:s29+$0xFFFFFF80] =	vst v6;
	(pc) =	sbr.rel @p0 .LBB2_4-.Ltmp3, $4  }
0x430: {  	s23 =	sshrl.u32 s23, $0x2;
	[tilespmem:s28+$0xFFFFFF80] =	vst v5  }
0x431: {  	[tilespmem:s13], [sflag:$0x2] =	stream.indirect.gather [hbm4b:s1+s8], $0x80, s23, s8, $0xb8;
	[tilespmem:$0x13B80] =	vst v63  }
0x432: {  	s21 =	sadd.s32 $0x1000, s21;
	s22 =	sadd.s32 $0x1000, s22;
	s23 =	sadd.s32 $0x80, s23  }
0x433: {  	[tilespmem:s15], [sflag:$0x2] =	stream.indirect.gather [hbm4b:s1+s10], $0x80, s23, s10, $0xb8;
	[tilespmem:$0x13B80] =	vst v63  }
0x434: {  	_ =	swait.ge [sflag:s16], $0x5000  }
0x435: {  	[sflag:s16] =	ssyncset.done $0x0  }
0x436: {  	[sflag:s16] =	ssyncadd.s32 $0xFFFFB000  }
0x437: {  	s19 =	sadd.s32 $0x1, s19;
	_ =	swait.ge [sflag:s17], $0x5000  }
0x438: {  	p0 =	sne.s32 s19, s6;
	[sflag:s17] =	ssyncset.done $0x0  }
.Ltmp4:
0x439: {  	[sflag:s17] =	ssyncadd.s32 $0xFFFFB000;
	(pc) =	sbr.rel @p0 .LBB2_1-.Ltmp4, $4  }
0x43a: {  	[hbm4b:s5+s3] =	stream.linear.scatter [tilespmem:s18], [sflag:$0x3], $0x9000, $0x38;
	[tilespmem:$0x13B80] =	vst v63  }
0x43b: {  	_ =	swait.ge [sflag:s7], $0x9000  }
0x43c: {  	[sflag:s7] =	ssyncset.done $0x0  }
0x43d: {  	[sflag:s7] =	ssyncadd.s32 $0xFFFF7000  }
0x43e: {  	_ =	sfence.sel $0x180000  }
0x43f: {  	[bflag:$0x0] =	sbarrier.arrive $0xFFFF  }
0x440: {  	p0 =	sne.s32 s0, $0x0;
	_ =	strace $0x90000047  }
0x441: {  	s0 =	sadd.s32 @!p0 $0x100000, s2;
	[bflag:$0x2] =	sbarrier.arrive $0xFFFF  }
0x442: {  	[sflag:s0] =	ssyncadd.tile.s32 @!p0 $0x1;
	_ =	shalt  }
.Lfunc_end2:
_tile_overlayer_lowered:
.L_overlay_start_2:
0x443: {  	(tag) =	ssettag $0x2  }
0x444: {  	s0 =	rddreg [dreg:$0x0];
	s2 =	stileid.u32  }
0x445: {  	s1 =	rddreg [dreg:$0x1];
	p0 =	sne.s32 s2, $0x0  }
0x446: {  	s3 =	rddreg [dreg:$0x2];
	[bflag:$0x3] =	sbarrier.arrive $0xFFFF;
	s2 =	simm.s32 @!p0 $0x1C03  }
0x447: {  	[timem:s3], [sflag:s2] =	dma.local @!p0 [hbm:s0], s1  }
0x448: {  	s0 =	simm.s32 @!p0 $0x3  }
0x449: {  	_ =	swait.ge @!p0 [sflag:s0], s1  }
0x44a: {  	s1 =	ssub.s32 @!p0 $0x0, s1;
	[sflag:s0] =	ssyncset.done @!p0 $0x0  }
0x44b: {  	[sflag:s0] =	ssyncadd.s32 @!p0 s1  }
0x44c: {  	[bflag:$0x3] =	sbarrier.arrive $0xFFFF  }
0x44d: {  	_ =	shalt  }

</sc_bundles>
